<compile_context>
chip_gen: v7x
topology: tpu7x:2x2x1
jax: 0.10.2.dev20260603
libtpu: 0.0.44.dev20260713+nightly
codegen_flags: <defaults>
</compile_context>

<pallas_src>
import functools

import jax
import jax.numpy as jnp
from jax import lax
from jax.experimental import pallas as pl
from jax.experimental.pallas import tpu as pltpu
from jax.experimental.pallas import tpu_sc as plsc

_E = 5
_K = 3
_NW = 32
_CHUNK = 128


def _gating_logits_kernel(x_ref, wg_ref, bg_ref, o_ref):
    logits = jnp.dot(x_ref[...], wg_ref[...],
                     preferred_element_type=jnp.float32) + bg_ref[...]
    o_ref[...] = logits.T


def _sc_mask_kernel(lt_hbm, out_hbm, lchunk, pchunk, *, n_tokens):
    wid = lax.axis_index("s") * 2 + lax.axis_index("c")
    base = wid * _CHUNK
    for e in range(_E):
        pltpu.sync_copy(lt_hbm.at[pl.ds(e * n_tokens + base, _CHUNK)],
                        lchunk.at[pl.ds(e * _CHUNK, _CHUNK)])
    for i in range(_CHUNK // 16):
        ls = [lchunk[pl.ds(e * _CHUNK + i * 16, 16)] for e in range(_E)]
        m = ls[0]
        for e in range(1, _E):
            m = jnp.maximum(m, ls[e])
        es = [jnp.exp(l - m) for l in ls]
        s = es[0] + es[1] + es[2] + es[3] + es[4]
        gs = [v / s for v in es]
        for e in range(_E):
            cnt = jnp.zeros((16,), jnp.float32)
            for e2 in range(_E):
                if e2 == e:
                    continue
                if e2 < e:
                    beats = gs[e2] >= gs[e]
                else:
                    beats = gs[e2] > gs[e]
                cnt = cnt + jnp.where(beats, 1.0, 0.0)
            pchunk[pl.ds(e * _CHUNK + i * 16, 16)] = jnp.where(
                cnt < float(_K), gs[e], 0.0)
    for e in range(_E):
        pltpu.sync_copy(pchunk.at[pl.ds(e * _CHUNK, _CHUNK)],
                        out_hbm.at[pl.ds(e * n_tokens + base, _CHUNK)])


def _combine_kernel(p_ref, x_ref, we_ref, be_ref, o_ref):
    x = x_ref[...]
    p = p_ref[...]
    acc = jnp.zeros((x.shape[0], o_ref.shape[1]), jnp.float32)
    for e in range(_E):
        y_e = jnp.dot(x, we_ref[e], preferred_element_type=jnp.float32)
        acc = acc + p[:, e:e + 1] * (y_e + be_ref[e][None, :])
    o_ref[...] = acc


def kernel(x, Wg, bg, We, be):
    B, D = x.shape
    E, _, H = We.shape
    bg2 = bg.reshape(1, E)

    Tg = 512
    lt = pl.pallas_call(
        _gating_logits_kernel,
        grid=(B // Tg,),
        in_specs=[
            pl.BlockSpec((Tg, D), lambda t: (t, 0)),
            pl.BlockSpec((D, E), lambda t: (0, 0)),
            pl.BlockSpec((1, E), lambda t: (0, 0)),
        ],
        out_specs=pl.BlockSpec((E, Tg), lambda t: (0, t)),
        out_shape=jax.ShapeDtypeStruct((E, B), jnp.float32),
    )(x, Wg, bg2)

    mesh = plsc.VectorSubcoreMesh(core_axis_name="c", subcore_axis_name="s")
    sc_mask = functools.partial(
        pl.kernel,
        mesh=mesh,
        out_type=jax.ShapeDtypeStruct((E * B,), jnp.float32),
        scratch_types=[
            pltpu.VMEM((_E * _CHUNK,), jnp.float32),
            pltpu.VMEM((_E * _CHUNK,), jnp.float32),
        ],
    )(functools.partial(_sc_mask_kernel, n_tokens=B))
    p = sc_mask(lt.reshape(E * B)).reshape(E, B).T

    Tb = 512
    Hb = 512
    return pl.pallas_call(
        _combine_kernel,
        grid=(H // Hb, B // Tb),
        in_specs=[
            pl.BlockSpec((Tb, E), lambda h, t: (t, 0)),
            pl.BlockSpec((Tb, D), lambda h, t: (t, 0)),
            pl.BlockSpec((E, D, Hb), lambda h, t: (0, 0, h)),
            pl.BlockSpec((E, Hb), lambda h, t: (0, h)),
        ],
        out_specs=pl.BlockSpec((Tb, Hb), lambda h, t: (t, h)),
        out_shape=jax.ShapeDtypeStruct((B, H), jnp.float32),
        compiler_params=pltpu.CompilerParams(vmem_limit_bytes=67108864),
    )(p, x, We, be)

# --- scband reference (transcript-rebuilt; emitter-appended) ---
"""Pipeline reference for scband-linear-mo-e-47244640256352 (READ-ONLY COPY).

The authoritative reference and input builder live on the scoring server;
editing this copy changes nothing except your own understanding.
"""

import jax, jax.numpy as jnp
import numpy as np

NUM_TOKENS = 4096
D_MODEL = 2048
HIDDEN = 2048
NUM_EXPERTS = 5
TOP_K = 3

def setup_inputs(seed: int = 0) -> dict:
    key = jax.random.key(seed)
    k1, k2, k3 = jax.random.split(key, 3)
    x = jax.random.normal(k1, (NUM_TOKENS, D_MODEL), dtype=jnp.float32)
    # gating network Dense(NUM_EXPERTS), RandomNormal(stddev=0.001), zero bias, softmax activation
    Wg = jax.random.normal(k2, (D_MODEL, NUM_EXPERTS), dtype=jnp.float32) * 0.001
    bg = jnp.zeros((NUM_EXPERTS,), dtype=jnp.float32)
    # expert Dense(hidden_size) weights stacked: [E, d_in, d_out], RandomNormal(stddev=0.001), zero bias
    We = jax.random.normal(k3, (NUM_EXPERTS, D_MODEL, HIDDEN), dtype=jnp.float32) * 0.001
    be = jnp.zeros((NUM_EXPERTS, HIDDEN), dtype=jnp.float32)
    return {"x": x, "Wg": Wg, "bg": bg, "We": We, "be": be}


def reference(x, Wg, bg, We, be):
    # gating_weights = softmax(x @ Wg + bg)
    gating_weights = jax.nn.softmax(jnp.dot(x, Wg) + bg, axis=-1)
    # top_k over gating weights
    top_k_weights, top_k_indices = jax.lax.top_k(gating_weights, TOP_K)
    # Each expert is a plain Dense (no activation). Mathematically identical to the
    # original masked-dispatch loop: compute every expert output for every token,
    # then gather the top-k selected expert outputs per token.
    all_expert_out = jnp.einsum('bd,edh->ebh', x, We) + be[:, None, :]  # [E, B, H]
    token_idx = jnp.arange(x.shape[0])[:, None]  # [B, 1]
    top_k_expert_outputs = all_expert_out[top_k_indices, token_idx, :]  # [B, K, H]
    # combined = einsum('ijk,ij->ik', top_k_expert_outputs, top_k_weights)
    combined_output = jnp.einsum('ijk,ij->ik', top_k_expert_outputs, top_k_weights)
    return combined_output

if __name__ == "__main__":
    import jax
    _d = setup_inputs()
    print(jax.jit(kernel)(*tuple(_d.values())))

</pallas_src>

<mosaic_0001>
#map = affine_map<(d0, d1) -> (0)>
module attributes {stable_mosaic.version = 14 : i64} {
  func.func @_sc_mask_kernel(%arg0: i32, %arg1: i32, %arg2: memref<20480xf32, #tpu.memory_space<hbm>>, %arg3: memref<20480xf32, #tpu.memory_space<hbm>>, %arg4: memref<640xf32, #tpu.memory_space<vmem>>, %arg5: memref<640xf32, #tpu.memory_space<vmem>>) attributes {dimension_semantics = [#tpu.dimension_semantics<core_parallel>, #tpu.dimension_semantics<subcore_parallel>], iteration_bounds = array<i64: 2, 16>, scalar_prefetch = 0 : i64, scratch_operands = 2 : i64, tpu.core_type = #tpu.core_type<sc_vector_subcore>, window_params = [{transform_indices = #map}, {transform_indices = #map}]} {
    %mul3A = arith.constant 2 : i32
    %mul3A_0 = arith.muli %arg1, %mul3A : i32
    %add3A = arith.addi %mul3A_0, %arg0 : i32
    %mul3A_1 = arith.constant 128 : i32
    %mul3A_2 = arith.muli %add3A, %mul3A_1 : i32
    %add3A_3 = arith.constant 0 : i32
    %add3A_4 = arith.addi %add3A_3, %mul3A_2 : i32
    "tpu.region"() ({
      %run_scoped3A = tpu.sem_alloc : memref<!tpu.dma_semaphore, #tpu.memory_space<semaphore_mem>>
      %dma_start3A = arith.constant 0 : i32
      %dma_start3A_1915 = tpu.memref_slice %arg4[%dma_start3A] : memref<640xf32, #tpu.memory_space<vmem>> -> memref<128xf32, #tpu.memory_space<vmem>>
      %dma_start3A_1916 = tpu.memref_slice %arg2[%add3A_4] : memref<20480xf32, #tpu.memory_space<hbm>> -> memref<128xf32, #tpu.memory_space<hbm>>
      %dma_start3A_1917 = arith.constant 0 : i32
      %dma_start3A_1918 = tpu.memref_slice %arg4[%dma_start3A_1917] : memref<640xf32, #tpu.memory_space<vmem>> -> memref<128xf32, #tpu.memory_space<vmem>>
      %dma_start3A_1919 = tpu.memref_slice %arg2[%add3A_4] : memref<20480xf32, #tpu.memory_space<hbm>> -> memref<128xf32, #tpu.memory_space<hbm>>
      tpu.enqueue_dma source(%dma_start3A_1919 : memref<128xf32, #tpu.memory_space<hbm>>) target(%dma_start3A_1918 : memref<128xf32, #tpu.memory_space<vmem>>) target_semaphore(%run_scoped3A : memref<!tpu.dma_semaphore, #tpu.memory_space<semaphore_mem>>)
      %dma_wait3A = arith.constant 0 : i32
      %dma_wait3A_1920 = tpu.memref_slice %arg4[%dma_wait3A] : memref<640xf32, #tpu.memory_space<vmem>> -> memref<128xf32, #tpu.memory_space<vmem>>
      %dma_wait3A_1921 = tpu.memref_slice %arg2[%add3A_4] : memref<20480xf32, #tpu.memory_space<hbm>> -> memref<128xf32, #tpu.memory_space<hbm>>
      %dma_wait3A_1922 = arith.constant 0 : i32
      %dma_wait3A_1923 = tpu.memref_slice %arg4[%dma_wait3A_1922] : memref<640xf32, #tpu.memory_space<vmem>> -> memref<128xf32, #tpu.memory_space<vmem>>
      %dma_wait3A_1924 = tpu.memref_slice %arg2[%add3A_4] : memref<20480xf32, #tpu.memory_space<hbm>> -> memref<128xf32, #tpu.memory_space<hbm>>
      tpu.wait_dma2 semaphore(%run_scoped3A : memref<!tpu.dma_semaphore, #tpu.memory_space<semaphore_mem>>) src(%dma_wait3A_1924 : memref<128xf32, #tpu.memory_space<hbm>>) dst(%dma_wait3A_1923 : memref<128xf32, #tpu.memory_space<vmem>>)
      tpu.yield
    }) : () -> ()
    %add3A_5 = arith.constant 4096 : i32
    %add3A_6 = arith.addi %add3A_5, %mul3A_2 : i32
    "tpu.region"() ({
      %run_scoped3A = tpu.sem_alloc : memref<!tpu.dma_semaphore, #tpu.memory_space<semaphore_mem>>
      %dma_start3A = arith.constant 128 : i32
      %dma_start3A_1915 = tpu.memref_slice %arg4[%dma_start3A] : memref<640xf32, #tpu.memory_space<vmem>> -> memref<128xf32, #tpu.memory_space<vmem>>
      %dma_start3A_1916 = tpu.memref_slice %arg2[%add3A_6] : memref<20480xf32, #tpu.memory_space<hbm>> -> memref<128xf32, #tpu.memory_space<hbm>>
      %dma_start3A_1917 = arith.constant 128 : i32
      %dma_start3A_1918 = tpu.memref_slice %arg4[%dma_start3A_1917] : memref<640xf32, #tpu.memory_space<vmem>> -> memref<128xf32, #tpu.memory_space<vmem>>
      %dma_start3A_1919 = tpu.memref_slice %arg2[%add3A_6] : memref<20480xf32, #tpu.memory_space<hbm>> -> memref<128xf32, #tpu.memory_space<hbm>>
      tpu.enqueue_dma source(%dma_start3A_1919 : memref<128xf32, #tpu.memory_space<hbm>>) target(%dma_start3A_1918 : memref<128xf32, #tpu.memory_space<vmem>>) target_semaphore(%run_scoped3A : memref<!tpu.dma_semaphore, #tpu.memory_space<semaphore_mem>>)
      %dma_wait3A = arith.constant 128 : i32
      %dma_wait3A_1920 = tpu.memref_slice %arg4[%dma_wait3A] : memref<640xf32, #tpu.memory_space<vmem>> -> memref<128xf32, #tpu.memory_space<vmem>>
      %dma_wait3A_1921 = tpu.memref_slice %arg2[%add3A_6] : memref<20480xf32, #tpu.memory_space<hbm>> -> memref<128xf32, #tpu.memory_space<hbm>>
      %dma_wait3A_1922 = arith.constant 128 : i32
      %dma_wait3A_1923 = tpu.memref_slice %arg4[%dma_wait3A_1922] : memref<640xf32, #tpu.memory_space<vmem>> -> memref<128xf32, #tpu.memory_space<vmem>>
      %dma_wait3A_1924 = tpu.memref_slice %arg2[%add3A_6] : memref<20480xf32, #tpu.memory_space<hbm>> -> memref<128xf32, #tpu.memory_space<hbm>>
      tpu.wait_dma2 semaphore(%run_scoped3A : memref<!tpu.dma_semaphore, #tpu.memory_space<semaphore_mem>>) src(%dma_wait3A_1924 : memref<128xf32, #tpu.memory_space<hbm>>) dst(%dma_wait3A_1923 : memref<128xf32, #tpu.memory_space<vmem>>)
      tpu.yield
    }) : () -> ()
    %add3A_7 = arith.constant 8192 : i32
    %add3A_8 = arith.addi %add3A_7, %mul3A_2 : i32
    "tpu.region"() ({
      %run_scoped3A = tpu.sem_alloc : memref<!tpu.dma_semaphore, #tpu.memory_space<semaphore_mem>>
      %dma_start3A = arith.constant 256 : i32
      %dma_start3A_1915 = tpu.memref_slice %arg4[%dma_start3A] : memref<640xf32, #tpu.memory_space<vmem>> -> memref<128xf32, #tpu.memory_space<vmem>>
      %dma_start3A_1916 = tpu.memref_slice %arg2[%add3A_8] : memref<20480xf32, #tpu.memory_space<hbm>> -> memref<128xf32, #tpu.memory_space<hbm>>
      %dma_start3A_1917 = arith.constant 256 : i32
      %dma_start3A_1918 = tpu.memref_slice %arg4[%dma_start3A_1917] : memref<640xf32, #tpu.memory_space<vmem>> -> memref<128xf32, #tpu.memory_space<vmem>>
      %dma_start3A_1919 = tpu.memref_slice %arg2[%add3A_8] : memref<20480xf32, #tpu.memory_space<hbm>> -> memref<128xf32, #tpu.memory_space<hbm>>
      tpu.enqueue_dma source(%dma_start3A_1919 : memref<128xf32, #tpu.memory_space<hbm>>) target(%dma_start3A_1918 : memref<128xf32, #tpu.memory_space<vmem>>) target_semaphore(%run_scoped3A : memref<!tpu.dma_semaphore, #tpu.memory_space<semaphore_mem>>)
      %dma_wait3A = arith.constant 256 : i32
      %dma_wait3A_1920 = tpu.memref_slice %arg4[%dma_wait3A] : memref<640xf32, #tpu.memory_space<vmem>> -> memref<128xf32, #tpu.memory_space<vmem>>
      %dma_wait3A_1921 = tpu.memref_slice %arg2[%add3A_8] : memref<20480xf32, #tpu.memory_space<hbm>> -> memref<128xf32, #tpu.memory_space<hbm>>
      %dma_wait3A_1922 = arith.constant 256 : i32
      %dma_wait3A_1923 = tpu.memref_slice %arg4[%dma_wait3A_1922] : memref<640xf32, #tpu.memory_space<vmem>> -> memref<128xf32, #tpu.memory_space<vmem>>
      %dma_wait3A_1924 = tpu.memref_slice %arg2[%add3A_8] : memref<20480xf32, #tpu.memory_space<hbm>> -> memref<128xf32, #tpu.memory_space<hbm>>
      tpu.wait_dma2 semaphore(%run_scoped3A : memref<!tpu.dma_semaphore, #tpu.memory_space<semaphore_mem>>) src(%dma_wait3A_1924 : memref<128xf32, #tpu.memory_space<hbm>>) dst(%dma_wait3A_1923 : memref<128xf32, #tpu.memory_space<vmem>>)
      tpu.yield
    }) : () -> ()
    %add3A_9 = arith.constant 12288 : i32
    %add3A_10 = arith.addi %add3A_9, %mul3A_2 : i32
    "tpu.region"() ({
      %run_scoped3A = tpu.sem_alloc : memref<!tpu.dma_semaphore, #tpu.memory_space<semaphore_mem>>
      %dma_start3A = arith.constant 384 : i32
      %dma_start3A_1915 = tpu.memref_slice %arg4[%dma_start3A] : memref<640xf32, #tpu.memory_space<vmem>> -> memref<128xf32, #tpu.memory_space<vmem>>
      %dma_start3A_1916 = tpu.memref_slice %arg2[%add3A_10] : memref<20480xf32, #tpu.memory_space<hbm>> -> memref<128xf32, #tpu.memory_space<hbm>>
      %dma_start3A_1917 = arith.constant 384 : i32
      %dma_start3A_1918 = tpu.memref_slice %arg4[%dma_start3A_1917] : memref<640xf32, #tpu.memory_space<vmem>> -> memref<128xf32, #tpu.memory_space<vmem>>
      %dma_start3A_1919 = tpu.memref_slice %arg2[%add3A_10] : memref<20480xf32, #tpu.memory_space<hbm>> -> memref<128xf32, #tpu.memory_space<hbm>>
      tpu.enqueue_dma source(%dma_start3A_1919 : memref<128xf32, #tpu.memory_space<hbm>>) target(%dma_start3A_1918 : memref<128xf32, #tpu.memory_space<vmem>>) target_semaphore(%run_scoped3A : memref<!tpu.dma_semaphore, #tpu.memory_space<semaphore_mem>>)
      %dma_wait3A = arith.constant 384 : i32
      %dma_wait3A_1920 = tpu.memref_slice %arg4[%dma_wait3A] : memref<640xf32, #tpu.memory_space<vmem>> -> memref<128xf32, #tpu.memory_space<vmem>>
      %dma_wait3A_1921 = tpu.memref_slice %arg2[%add3A_10] : memref<20480xf32, #tpu.memory_space<hbm>> -> memref<128xf32, #tpu.memory_space<hbm>>
      %dma_wait3A_1922 = arith.constant 384 : i32
      %dma_wait3A_1923 = tpu.memref_slice %arg4[%dma_wait3A_1922] : memref<640xf32, #tpu.memory_space<vmem>> -> memref<128xf32, #tpu.memory_space<vmem>>
      %dma_wait3A_1924 = tpu.memref_slice %arg2[%add3A_10] : memref<20480xf32, #tpu.memory_space<hbm>> -> memref<128xf32, #tpu.memory_space<hbm>>
      tpu.wait_dma2 semaphore(%run_scoped3A : memref<!tpu.dma_semaphore, #tpu.memory_space<semaphore_mem>>) src(%dma_wait3A_1924 : memref<128xf32, #tpu.memory_space<hbm>>) dst(%dma_wait3A_1923 : memref<128xf32, #tpu.memory_space<vmem>>)
      tpu.yield
    }) : () -> ()
    %add3A_11 = arith.constant 16384 : i32
    %add3A_12 = arith.addi %add3A_11, %mul3A_2 : i32
    "tpu.region"() ({
      %run_scoped3A = tpu.sem_alloc : memref<!tpu.dma_semaphore, #tpu.memory_space<semaphore_mem>>
      %dma_start3A = arith.constant 512 : i32
      %dma_start3A_1915 = tpu.memref_slice %arg4[%dma_start3A] : memref<640xf32, #tpu.memory_space<vmem>> -> memref<128xf32, #tpu.memory_space<vmem>>
      %dma_start3A_1916 = tpu.memref_slice %arg2[%add3A_12] : memref<20480xf32, #tpu.memory_space<hbm>> -> memref<128xf32, #tpu.memory_space<hbm>>
      %dma_start3A_1917 = arith.constant 512 : i32
      %dma_start3A_1918 = tpu.memref_slice %arg4[%dma_start3A_1917] : memref<640xf32, #tpu.memory_space<vmem>> -> memref<128xf32, #tpu.memory_space<vmem>>
      %dma_start3A_1919 = tpu.memref_slice %arg2[%add3A_12] : memref<20480xf32, #tpu.memory_space<hbm>> -> memref<128xf32, #tpu.memory_space<hbm>>
      tpu.enqueue_dma source(%dma_start3A_1919 : memref<128xf32, #tpu.memory_space<hbm>>) target(%dma_start3A_1918 : memref<128xf32, #tpu.memory_space<vmem>>) target_semaphore(%run_scoped3A : memref<!tpu.dma_semaphore, #tpu.memory_space<semaphore_mem>>)
      %dma_wait3A = arith.constant 512 : i32
      %dma_wait3A_1920 = tpu.memref_slice %arg4[%dma_wait3A] : memref<640xf32, #tpu.memory_space<vmem>> -> memref<128xf32, #tpu.memory_space<vmem>>
      %dma_wait3A_1921 = tpu.memref_slice %arg2[%add3A_12] : memref<20480xf32, #tpu.memory_space<hbm>> -> memref<128xf32, #tpu.memory_space<hbm>>
      %dma_wait3A_1922 = arith.constant 512 : i32
      %dma_wait3A_1923 = tpu.memref_slice %arg4[%dma_wait3A_1922] : memref<640xf32, #tpu.memory_space<vmem>> -> memref<128xf32, #tpu.memory_space<vmem>>
      %dma_wait3A_1924 = tpu.memref_slice %arg2[%add3A_12] : memref<20480xf32, #tpu.memory_space<hbm>> -> memref<128xf32, #tpu.memory_space<hbm>>
      tpu.wait_dma2 semaphore(%run_scoped3A : memref<!tpu.dma_semaphore, #tpu.memory_space<semaphore_mem>>) src(%dma_wait3A_1924 : memref<128xf32, #tpu.memory_space<hbm>>) dst(%dma_wait3A_1923 : memref<128xf32, #tpu.memory_space<vmem>>)
      tpu.yield
    }) : () -> ()
    %get3A = arith.constant 0 : index
    %get3A_13 = tpu.vector_load %arg4[%get3A] {strides = array<i32>} : memref<640xf32, #tpu.memory_space<vmem>>, vector<16xf32>,
    %get3A_14 = vector.shape_cast %get3A_13 : vector<16xf32> to vector<16xf32>
    %get3A_15 = arith.constant 128 : index
    %get3A_16 = tpu.vector_load %arg4[%get3A_15] {strides = array<i32>} : memref<640xf32, #tpu.memory_space<vmem>>, vector<16xf32>,
    %get3A_17 = vector.shape_cast %get3A_16 : vector<16xf32> to vector<16xf32>
    %get3A_18 = arith.constant 256 : index
    %get3A_19 = tpu.vector_load %arg4[%get3A_18] {strides = array<i32>} : memref<640xf32, #tpu.memory_space<vmem>>, vector<16xf32>,
    %get3A_20 = vector.shape_cast %get3A_19 : vector<16xf32> to vector<16xf32>
    %get3A_21 = arith.constant 384 : index
    %get3A_22 = tpu.vector_load %arg4[%get3A_21] {strides = array<i32>} : memref<640xf32, #tpu.memory_space<vmem>>, vector<16xf32>,
    %get3A_23 = vector.shape_cast %get3A_22 : vector<16xf32> to vector<16xf32>
    %get3A_24 = arith.constant 512 : index
    %get3A_25 = tpu.vector_load %arg4[%get3A_24] {strides = array<i32>} : memref<640xf32, #tpu.memory_space<vmem>>, vector<16xf32>,
    %get3A_26 = vector.shape_cast %get3A_25 : vector<16xf32> to vector<16xf32>
    %max3A = arith.maximumf %get3A_14, %get3A_17 : vector<16xf32>
    %max3A_27 = arith.maximumf %max3A, %get3A_20 : vector<16xf32>
    %max3A_28 = arith.maximumf %max3A_27, %get3A_23 : vector<16xf32>
    %max3A_29 = arith.maximumf %max3A_28, %get3A_26 : vector<16xf32>
    %sub3A = arith.subf %get3A_14, %max3A_29 : vector<16xf32>
    %exp3A = math.exp %sub3A : vector<16xf32>
    %sub3A_30 = arith.subf %get3A_17, %max3A_29 : vector<16xf32>
    %exp3A_31 = math.exp %sub3A_30 : vector<16xf32>
    %sub3A_32 = arith.subf %get3A_20, %max3A_29 : vector<16xf32>
    %exp3A_33 = math.exp %sub3A_32 : vector<16xf32>
    %sub3A_34 = arith.subf %get3A_23, %max3A_29 : vector<16xf32>
    %exp3A_35 = math.exp %sub3A_34 : vector<16xf32>
    %sub3A_36 = arith.subf %get3A_26, %max3A_29 : vector<16xf32>
    %exp3A_37 = math.exp %sub3A_36 : vector<16xf32>
    %add3A_38 = arith.addf %exp3A, %exp3A_31 : vector<16xf32>
    %add3A_39 = arith.addf %add3A_38, %exp3A_33 : vector<16xf32>
    %add3A_40 = arith.addf %add3A_39, %exp3A_35 : vector<16xf32>
    %add3A_41 = arith.addf %add3A_40, %exp3A_37 : vector<16xf32>
    %div3A = arith.divf %exp3A, %add3A_41 : vector<16xf32>
    %div3A_42 = arith.divf %exp3A_31, %add3A_41 : vector<16xf32>
    %div3A_43 = arith.divf %exp3A_33, %add3A_41 : vector<16xf32>
    %div3A_44 = arith.divf %exp3A_35, %add3A_41 : vector<16xf32>
    %div3A_45 = arith.divf %exp3A_37, %add3A_41 : vector<16xf32>
    %broadcast_in_dim3A = arith.constant 0.000000e+00 : f32
    %broadcast_in_dim3A_46 = vector.broadcast %broadcast_in_dim3A : f32 to vector<16xf32>
    %gt3A = arith.cmpf ogt, %div3A_42, %div3A : vector<16xf32>
    %jit3A = arith.constant 1.000000e+00 : f32
    %jit3A_47 = arith.constant 0.000000e+00 : f32
    %broadcast_in_dim3A_48 = vector.broadcast %jit3A : f32 to vector<16xf32>
    %broadcast_in_dim3A_49 = vector.broadcast %jit3A_47 : f32 to vector<16xf32>
    %select_n3A = arith.select %gt3A, %broadcast_in_dim3A_48, %broadcast_in_dim3A_49 : vector<16xi1>, vector<16xf32>
    %add3A_50 = arith.addf %broadcast_in_dim3A_46, %select_n3A : vector<16xf32>
    %gt3A_51 = arith.cmpf ogt, %div3A_43, %div3A : vector<16xf32>
    %jit3A_52 = arith.constant 1.000000e+00 : f32
    %jit3A_53 = arith.constant 0.000000e+00 : f32
    %broadcast_in_dim3A_54 = vector.broadcast %jit3A_52 : f32 to vector<16xf32>
    %broadcast_in_dim3A_55 = vector.broadcast %jit3A_53 : f32 to vector<16xf32>
    %select_n3A_56 = arith.select %gt3A_51, %broadcast_in_dim3A_54, %broadcast_in_dim3A_55 : vector<16xi1>, vector<16xf32>
    %add3A_57 = arith.addf %add3A_50, %select_n3A_56 : vector<16xf32>
    %gt3A_58 = arith.cmpf ogt, %div3A_44, %div3A : vector<16xf32>
    %jit3A_59 = arith.constant 1.000000e+00 : f32
    %jit3A_60 = arith.constant 0.000000e+00 : f32
    %broadcast_in_dim3A_61 = vector.broadcast %jit3A_59 : f32 to vector<16xf32>
    %broadcast_in_dim3A_62 = vector.broadcast %jit3A_60 : f32 to vector<16xf32>
    %select_n3A_63 = arith.select %gt3A_58, %broadcast_in_dim3A_61, %broadcast_in_dim3A_62 : vector<16xi1>, vector<16xf32>
    %add3A_64 = arith.addf %add3A_57, %select_n3A_63 : vector<16xf32>
    %gt3A_65 = arith.cmpf ogt, %div3A_45, %div3A : vector<16xf32>
    %jit3A_66 = arith.constant 1.000000e+00 : f32
    %jit3A_67 = arith.constant 0.000000e+00 : f32
    %broadcast_in_dim3A_68 = vector.broadcast %jit3A_66 : f32 to vector<16xf32>
    %broadcast_in_dim3A_69 = vector.broadcast %jit3A_67 : f32 to vector<16xf32>
    %select_n3A_70 = arith.select %gt3A_65, %broadcast_in_dim3A_68, %broadcast_in_dim3A_69 : vector<16xi1>, vector<16xf32>
    %add3A_71 = arith.addf %add3A_64, %select_n3A_70 : vector<16xf32>
    %lt3A = arith.constant 3.000000e+00 : f32
    %lt3A_72 = vector.broadcast %lt3A : f32 to vector<16xf32>
    %lt3A_73 = arith.cmpf olt, %add3A_71, %lt3A_72 : vector<16xf32>
    %jit3A_74 = arith.constant 0.000000e+00 : f32
    %broadcast_in_dim3A_75 = vector.broadcast %jit3A_74 : f32 to vector<16xf32>
    %select_n3A_76 = arith.select %lt3A_73, %div3A, %broadcast_in_dim3A_75 : vector<16xi1>, vector<16xf32>
    %swap3A = arith.constant 0 : index
    %swap3A_77 = tpu.vector_load %arg5[%swap3A] {strides = array<i32>} : memref<640xf32, #tpu.memory_space<vmem>>, vector<16xf32>,
    %swap3A_78 = vector.shape_cast %swap3A_77 : vector<16xf32> to vector<16xf32>
    %swap3A_79 = vector.shape_cast %select_n3A_76 : vector<16xf32> to vector<16xf32>
    tpu.vector_store %arg5[%swap3A], %swap3A_79 {strides = array<i32>} : memref<640xf32, #tpu.memory_space<vmem>>, vector<16xf32>,
    %broadcast_in_dim3A_80 = arith.constant 0.000000e+00 : f32
    %broadcast_in_dim3A_81 = vector.broadcast %broadcast_in_dim3A_80 : f32 to vector<16xf32>
    %ge3A = arith.cmpf oge, %div3A, %div3A_42 : vector<16xf32>
    %jit3A_82 = arith.constant 1.000000e+00 : f32
    %jit3A_83 = arith.constant 0.000000e+00 : f32
    %broadcast_in_dim3A_84 = vector.broadcast %jit3A_82 : f32 to vector<16xf32>
    %broadcast_in_dim3A_85 = vector.broadcast %jit3A_83 : f32 to vector<16xf32>
    %select_n3A_86 = arith.select %ge3A, %broadcast_in_dim3A_84, %broadcast_in_dim3A_85 : vector<16xi1>, vector<16xf32>
    %add3A_87 = arith.addf %broadcast_in_dim3A_81, %select_n3A_86 : vector<16xf32>
    %gt3A_88 = arith.cmpf ogt, %div3A_43, %div3A_42 : vector<16xf32>
    %jit3A_89 = arith.constant 1.000000e+00 : f32
    %jit3A_90 = arith.constant 0.000000e+00 : f32
    %broadcast_in_dim3A_91 = vector.broadcast %jit3A_89 : f32 to vector<16xf32>
    %broadcast_in_dim3A_92 = vector.broadcast %jit3A_90 : f32 to vector<16xf32>
    %select_n3A_93 = arith.select %gt3A_88, %broadcast_in_dim3A_91, %broadcast_in_dim3A_92 : vector<16xi1>, vector<16xf32>
    %add3A_94 = arith.addf %add3A_87, %select_n3A_93 : vector<16xf32>
    %gt3A_95 = arith.cmpf ogt, %div3A_44, %div3A_42 : vector<16xf32>
    %jit3A_96 = arith.constant 1.000000e+00 : f32
    %jit3A_97 = arith.constant 0.000000e+00 : f32
    %broadcast_in_dim3A_98 = vector.broadcast %jit3A_96 : f32 to vector<16xf32>
    %broadcast_in_dim3A_99 = vector.broadcast %jit3A_97 : f32 to vector<16xf32>
    %select_n3A_100 = arith.select %gt3A_95, %broadcast_in_dim3A_98, %broadcast_in_dim3A_99 : vector<16xi1>, vector<16xf32>
    %add3A_101 = arith.addf %add3A_94, %select_n3A_100 : vector<16xf32>
    %gt3A_102 = arith.cmpf ogt, %div3A_45, %div3A_42 : vector<16xf32>
    %jit3A_103 = arith.constant 1.000000e+00 : f32
    %jit3A_104 = arith.constant 0.000000e+00 : f32
    %broadcast_in_dim3A_105 = vector.broadcast %jit3A_103 : f32 to vector<16xf32>
    %broadcast_in_dim3A_106 = vector.broadcast %jit3A_104 : f32 to vector<16xf32>
    %select_n3A_107 = arith.select %gt3A_102, %broadcast_in_dim3A_105, %broadcast_in_dim3A_106 : vector<16xi1>, vector<16xf32>
    %add3A_108 = arith.addf %add3A_101, %select_n3A_107 : vector<16xf32>
    %lt3A_109 = arith.constant 3.000000e+00 : f32
    %lt3A_110 = vector.broadcast %lt3A_109 : f32 to vector<16xf32>
    %lt3A_111 = arith.cmpf olt, %add3A_108, %lt3A_110 : vector<16xf32>
    %jit3A_112 = arith.constant 0.000000e+00 : f32
    %broadcast_in_dim3A_113 = vector.broadcast %jit3A_112 : f32 to vector<16xf32>
    %select_n3A_114 = arith.select %lt3A_111, %div3A_42, %broadcast_in_dim3A_113 : vector<16xi1>, vector<16xf32>
    %swap3A_115 = arith.constant 128 : index
    %swap3A_116 = tpu.vector_load %arg5[%swap3A_115] {strides = array<i32>} : memref<640xf32, #tpu.memory_space<vmem>>, vector<16xf32>,
    %swap3A_117 = vector.shape_cast %swap3A_116 : vector<16xf32> to vector<16xf32>
    %swap3A_118 = vector.shape_cast %select_n3A_114 : vector<16xf32> to vector<16xf32>
    tpu.vector_store %arg5[%swap3A_115], %swap3A_118 {strides = array<i32>} : memref<640xf32, #tpu.memory_space<vmem>>, vector<16xf32>,
    %broadcast_in_dim3A_119 = arith.constant 0.000000e+00 : f32
    %broadcast_in_dim3A_120 = vector.broadcast %broadcast_in_dim3A_119 : f32 to vector<16xf32>
    %ge3A_121 = arith.cmpf oge, %div3A, %div3A_43 : vector<16xf32>
    %jit3A_122 = arith.constant 1.000000e+00 : f32
    %jit3A_123 = arith.constant 0.000000e+00 : f32
    %broadcast_in_dim3A_124 = vector.broadcast %jit3A_122 : f32 to vector<16xf32>
    %broadcast_in_dim3A_125 = vector.broadcast %jit3A_123 : f32 to vector<16xf32>
    %select_n3A_126 = arith.select %ge3A_121, %broadcast_in_dim3A_124, %broadcast_in_dim3A_125 : vector<16xi1>, vector<16xf32>
    %add3A_127 = arith.addf %broadcast_in_dim3A_120, %select_n3A_126 : vector<16xf32>
    %ge3A_128 = arith.cmpf oge, %div3A_42, %div3A_43 : vector<16xf32>
    %jit3A_129 = arith.constant 1.000000e+00 : f32
    %jit3A_130 = arith.constant 0.000000e+00 : f32
    %broadcast_in_dim3A_131 = vector.broadcast %jit3A_129 : f32 to vector<16xf32>
    %broadcast_in_dim3A_132 = vector.broadcast %jit3A_130 : f32 to vector<16xf32>
    %select_n3A_133 = arith.select %ge3A_128, %broadcast_in_dim3A_131, %broadcast_in_dim3A_132 : vector<16xi1>, vector<16xf32>
    %add3A_134 = arith.addf %add3A_127, %select_n3A_133 : vector<16xf32>
    %gt3A_135 = arith.cmpf ogt, %div3A_44, %div3A_43 : vector<16xf32>
    %jit3A_136 = arith.constant 1.000000e+00 : f32
    %jit3A_137 = arith.constant 0.000000e+00 : f32
    %broadcast_in_dim3A_138 = vector.broadcast %jit3A_136 : f32 to vector<16xf32>
    %broadcast_in_dim3A_139 = vector.broadcast %jit3A_137 : f32 to vector<16xf32>
    %select_n3A_140 = arith.select %gt3A_135, %broadcast_in_dim3A_138, %broadcast_in_dim3A_139 : vector<16xi1>, vector<16xf32>
    %add3A_141 = arith.addf %add3A_134, %select_n3A_140 : vector<16xf32>
    %gt3A_142 = arith.cmpf ogt, %div3A_45, %div3A_43 : vector<16xf32>
    %jit3A_143 = arith.constant 1.000000e+00 : f32
    %jit3A_144 = arith.constant 0.000000e+00 : f32
    %broadcast_in_dim3A_145 = vector.broadcast %jit3A_143 : f32 to vector<16xf32>
    %broadcast_in_dim3A_146 = vector.broadcast %jit3A_144 : f32 to vector<16xf32>
    %select_n3A_147 = arith.select %gt3A_142, %broadcast_in_dim3A_145, %broadcast_in_dim3A_146 : vector<16xi1>, vector<16xf32>
    %add3A_148 = arith.addf %add3A_141, %select_n3A_147 : vector<16xf32>
    %lt3A_149 = arith.constant 3.000000e+00 : f32
    %lt3A_150 = vector.broadcast %lt3A_149 : f32 to vector<16xf32>
    %lt3A_151 = arith.cmpf olt, %add3A_148, %lt3A_150 : vector<16xf32>
    %jit3A_152 = arith.constant 0.000000e+00 : f32
    %broadcast_in_dim3A_153 = vector.broadcast %jit3A_152 : f32 to vector<16xf32>
    %select_n3A_154 = arith.select %lt3A_151, %div3A_43, %broadcast_in_dim3A_153 : vector<16xi1>, vector<16xf32>
    %swap3A_155 = arith.constant 256 : index
    %swap3A_156 = tpu.vector_load %arg5[%swap3A_155] {strides = array<i32>} : memref<640xf32, #tpu.memory_space<vmem>>, vector<16xf32>,
    %swap3A_157 = vector.shape_cast %swap3A_156 : vector<16xf32> to vector<16xf32>
    %swap3A_158 = vector.shape_cast %select_n3A_154 : vector<16xf32> to vector<16xf32>
    tpu.vector_store %arg5[%swap3A_155], %swap3A_158 {strides = array<i32>} : memref<640xf32, #tpu.memory_space<vmem>>, vector<16xf32>,
    %broadcast_in_dim3A_159 = arith.constant 0.000000e+00 : f32
    %broadcast_in_dim3A_160 = vector.broadcast %broadcast_in_dim3A_159 : f32 to vector<16xf32>
    %ge3A_161 = arith.cmpf oge, %div3A, %div3A_44 : vector<16xf32>
    %jit3A_162 = arith.constant 1.000000e+00 : f32
    %jit3A_163 = arith.constant 0.000000e+00 : f32
    %broadcast_in_dim3A_164 = vector.broadcast %jit3A_162 : f32 to vector<16xf32>
    %broadcast_in_dim3A_165 = vector.broadcast %jit3A_163 : f32 to vector<16xf32>
    %select_n3A_166 = arith.select %ge3A_161, %broadcast_in_dim3A_164, %broadcast_in_dim3A_165 : vector<16xi1>, vector<16xf32>
    %add3A_167 = arith.addf %broadcast_in_dim3A_160, %select_n3A_166 : vector<16xf32>
    %ge3A_168 = arith.cmpf oge, %div3A_42, %div3A_44 : vector<16xf32>
    %jit3A_169 = arith.constant 1.000000e+00 : f32
    %jit3A_170 = arith.constant 0.000000e+00 : f32
    %broadcast_in_dim3A_171 = vector.broadcast %jit3A_169 : f32 to vector<16xf32>
    %broadcast_in_dim3A_172 = vector.broadcast %jit3A_170 : f32 to vector<16xf32>
    %select_n3A_173 = arith.select %ge3A_168, %broadcast_in_dim3A_171, %broadcast_in_dim3A_172 : vector<16xi1>, vector<16xf32>
    %add3A_174 = arith.addf %add3A_167, %select_n3A_173 : vector<16xf32>
    %ge3A_175 = arith.cmpf oge, %div3A_43, %div3A_44 : vector<16xf32>
    %jit3A_176 = arith.constant 1.000000e+00 : f32
    %jit3A_177 = arith.constant 0.000000e+00 : f32
    %broadcast_in_dim3A_178 = vector.broadcast %jit3A_176 : f32 to vector<16xf32>
    %broadcast_in_dim3A_179 = vector.broadcast %jit3A_177 : f32 to vector<16xf32>
    %select_n3A_180 = arith.select %ge3A_175, %broadcast_in_dim3A_178, %broadcast_in_dim3A_179 : vector<16xi1>, vector<16xf32>
    %add3A_181 = arith.addf %add3A_174, %select_n3A_180 : vector<16xf32>
    %gt3A_182 = arith.cmpf ogt, %div3A_45, %div3A_44 : vector<16xf32>
    %jit3A_183 = arith.constant 1.000000e+00 : f32
    %jit3A_184 = arith.constant 0.000000e+00 : f32
    %broadcast_in_dim3A_185 = vector.broadcast %jit3A_183 : f32 to vector<16xf32>
    %broadcast_in_dim3A_186 = vector.broadcast %jit3A_184 : f32 to vector<16xf32>
    %select_n3A_187 = arith.select %gt3A_182, %broadcast_in_dim3A_185, %broadcast_in_dim3A_186 : vector<16xi1>, vector<16xf32>
    %add3A_188 = arith.addf %add3A_181, %select_n3A_187 : vector<16xf32>
    %lt3A_189 = arith.constant 3.000000e+00 : f32
    %lt3A_190 = vector.broadcast %lt3A_189 : f32 to vector<16xf32>
    %lt3A_191 = arith.cmpf olt, %add3A_188, %lt3A_190 : vector<16xf32>
    %jit3A_192 = arith.constant 0.000000e+00 : f32
    %broadcast_in_dim3A_193 = vector.broadcast %jit3A_192 : f32 to vector<16xf32>
    %select_n3A_194 = arith.select %lt3A_191, %div3A_44, %broadcast_in_dim3A_193 : vector<16xi1>, vector<16xf32>
    %swap3A_195 = arith.constant 384 : index
    %swap3A_196 = tpu.vector_load %arg5[%swap3A_195] {strides = array<i32>} : memref<640xf32, #tpu.memory_space<vmem>>, vector<16xf32>,
    %swap3A_197 = vector.shape_cast %swap3A_196 : vector<16xf32> to vector<16xf32>
    %swap3A_198 = vector.shape_cast %select_n3A_194 : vector<16xf32> to vector<16xf32>
    tpu.vector_store %arg5[%swap3A_195], %swap3A_198 {strides = array<i32>} : memref<640xf32, #tpu.memory_space<vmem>>, vector<16xf32>,
    %broadcast_in_dim3A_199 = arith.constant 0.000000e+00 : f32
    %broadcast_in_dim3A_200 = vector.broadcast %broadcast_in_dim3A_199 : f32 to vector<16xf32>
    %ge3A_201 = arith.cmpf oge, %div3A, %div3A_45 : vector<16xf32>
    %jit3A_202 = arith.constant 1.000000e+00 : f32
    %jit3A_203 = arith.constant 0.000000e+00 : f32
    %broadcast_in_dim3A_204 = vector.broadcast %jit3A_202 : f32 to vector<16xf32>
    %broadcast_in_dim3A_205 = vector.broadcast %jit3A_203 : f32 to vector<16xf32>
    %select_n3A_206 = arith.select %ge3A_201, %broadcast_in_dim3A_204, %broadcast_in_dim3A_205 : vector<16xi1>, vector<16xf32>
    %add3A_207 = arith.addf %broadcast_in_dim3A_200, %select_n3A_206 : vector<16xf32>
    %ge3A_208 = arith.cmpf oge, %div3A_42, %div3A_45 : vector<16xf32>
    %jit3A_209 = arith.constant 1.000000e+00 : f32
    %jit3A_210 = arith.constant 0.000000e+00 : f32
    %broadcast_in_dim3A_211 = vector.broadcast %jit3A_209 : f32 to vector<16xf32>
    %broadcast_in_dim3A_212 = vector.broadcast %jit3A_210 : f32 to vector<16xf32>
    %select_n3A_213 = arith.select %ge3A_208, %broadcast_in_dim3A_211, %broadcast_in_dim3A_212 : vector<16xi1>, vector<16xf32>
    %add3A_214 = arith.addf %add3A_207, %select_n3A_213 : vector<16xf32>
    %ge3A_215 = arith.cmpf oge, %div3A_43, %div3A_45 : vector<16xf32>
    %jit3A_216 = arith.constant 1.000000e+00 : f32
    %jit3A_217 = arith.constant 0.000000e+00 : f32
    %broadcast_in_dim3A_218 = vector.broadcast %jit3A_216 : f32 to vector<16xf32>
    %broadcast_in_dim3A_219 = vector.broadcast %jit3A_217 : f32 to vector<16xf32>
    %select_n3A_220 = arith.select %ge3A_215, %broadcast_in_dim3A_218, %broadcast_in_dim3A_219 : vector<16xi1>, vector<16xf32>
    %add3A_221 = arith.addf %add3A_214, %select_n3A_220 : vector<16xf32>
    %ge3A_222 = arith.cmpf oge, %div3A_44, %div3A_45 : vector<16xf32>
    %jit3A_223 = arith.constant 1.000000e+00 : f32
    %jit3A_224 = arith.constant 0.000000e+00 : f32
    %broadcast_in_dim3A_225 = vector.broadcast %jit3A_223 : f32 to vector<16xf32>
    %broadcast_in_dim3A_226 = vector.broadcast %jit3A_224 : f32 to vector<16xf32>
    %select_n3A_227 = arith.select %ge3A_222, %broadcast_in_dim3A_225, %broadcast_in_dim3A_226 : vector<16xi1>, vector<16xf32>
    %add3A_228 = arith.addf %add3A_221, %select_n3A_227 : vector<16xf32>
    %lt3A_229 = arith.constant 3.000000e+00 : f32
    %lt3A_230 = vector.broadcast %lt3A_229 : f32 to vector<16xf32>
    %lt3A_231 = arith.cmpf olt, %add3A_228, %lt3A_230 : vector<16xf32>
    %jit3A_232 = arith.constant 0.000000e+00 : f32
    %broadcast_in_dim3A_233 = vector.broadcast %jit3A_232 : f32 to vector<16xf32>
    %select_n3A_234 = arith.select %lt3A_231, %div3A_45, %broadcast_in_dim3A_233 : vector<16xi1>, vector<16xf32>
    %swap3A_235 = arith.constant 512 : index
    %swap3A_236 = tpu.vector_load %arg5[%swap3A_235] {strides = array<i32>} : memref<640xf32, #tpu.memory_space<vmem>>, vector<16xf32>,
    %swap3A_237 = vector.shape_cast %swap3A_236 : vector<16xf32> to vector<16xf32>
    %swap3A_238 = vector.shape_cast %select_n3A_234 : vector<16xf32> to vector<16xf32>
    tpu.vector_store %arg5[%swap3A_235], %swap3A_238 {strides = array<i32>} : memref<640xf32, #tpu.memory_space<vmem>>, vector<16xf32>,
    %get3A_239 = arith.constant 16 : index
    %get3A_240 = tpu.vector_load %arg4[%get3A_239] {strides = array<i32>} : memref<640xf32, #tpu.memory_space<vmem>>, vector<16xf32>,
    %get3A_241 = vector.shape_cast %get3A_240 : vector<16xf32> to vector<16xf32>
    %get3A_242 = arith.constant 144 : index
    %get3A_243 = tpu.vector_load %arg4[%get3A_242] {strides = array<i32>} : memref<640xf32, #tpu.memory_space<vmem>>, vector<16xf32>,
    %get3A_244 = vector.shape_cast %get3A_243 : vector<16xf32> to vector<16xf32>
    %get3A_245 = arith.constant 272 : index
    %get3A_246 = tpu.vector_load %arg4[%get3A_245] {strides = array<i32>} : memref<640xf32, #tpu.memory_space<vmem>>, vector<16xf32>,
    %get3A_247 = vector.shape_cast %get3A_246 : vector<16xf32> to vector<16xf32>
    %get3A_248 = arith.constant 400 : index
    %get3A_249 = tpu.vector_load %arg4[%get3A_248] {strides = array<i32>} : memref<640xf32, #tpu.memory_space<vmem>>, vector<16xf32>,
    %get3A_250 = vector.shape_cast %get3A_249 : vector<16xf32> to vector<16xf32>
    %get3A_251 = arith.constant 528 : index
    %get3A_252 = tpu.vector_load %arg4[%get3A_251] {strides = array<i32>} : memref<640xf32, #tpu.memory_space<vmem>>, vector<16xf32>,
    %get3A_253 = vector.shape_cast %get3A_252 : vector<16xf32> to vector<16xf32>
    %max3A_254 = arith.maximumf %get3A_241, %get3A_244 : vector<16xf32>
    %max3A_255 = arith.maximumf %max3A_254, %get3A_247 : vector<16xf32>
    %max3A_256 = arith.maximumf %max3A_255, %get3A_250 : vector<16xf32>
    %max3A_257 = arith.maximumf %max3A_256, %get3A_253 : vector<16xf32>
    %sub3A_258 = arith.subf %get3A_241, %max3A_257 : vector<16xf32>
    %exp3A_259 = math.exp %sub3A_258 : vector<16xf32>
    %sub3A_260 = arith.subf %get3A_244, %max3A_257 : vector<16xf32>
    %exp3A_261 = math.exp %sub3A_260 : vector<16xf32>
    %sub3A_262 = arith.subf %get3A_247, %max3A_257 : vector<16xf32>
    %exp3A_263 = math.exp %sub3A_262 : vector<16xf32>
    %sub3A_264 = arith.subf %get3A_250, %max3A_257 : vector<16xf32>
    %exp3A_265 = math.exp %sub3A_264 : vector<16xf32>
    %sub3A_266 = arith.subf %get3A_253, %max3A_257 : vector<16xf32>
    %exp3A_267 = math.exp %sub3A_266 : vector<16xf32>
    %add3A_268 = arith.addf %exp3A_259, %exp3A_261 : vector<16xf32>
    %add3A_269 = arith.addf %add3A_268, %exp3A_263 : vector<16xf32>
    %add3A_270 = arith.addf %add3A_269, %exp3A_265 : vector<16xf32>
    %add3A_271 = arith.addf %add3A_270, %exp3A_267 : vector<16xf32>
    %div3A_272 = arith.divf %exp3A_259, %add3A_271 : vector<16xf32>
    %div3A_273 = arith.divf %exp3A_261, %add3A_271 : vector<16xf32>
    %div3A_274 = arith.divf %exp3A_263, %add3A_271 : vector<16xf32>
    %div3A_275 = arith.divf %exp3A_265, %add3A_271 : vector<16xf32>
    %div3A_276 = arith.divf %exp3A_267, %add3A_271 : vector<16xf32>
    %broadcast_in_dim3A_277 = arith.constant 0.000000e+00 : f32
    %broadcast_in_dim3A_278 = vector.broadcast %broadcast_in_dim3A_277 : f32 to vector<16xf32>
    %gt3A_279 = arith.cmpf ogt, %div3A_273, %div3A_272 : vector<16xf32>
    %jit3A_280 = arith.constant 1.000000e+00 : f32
    %jit3A_281 = arith.constant 0.000000e+00 : f32
    %broadcast_in_dim3A_282 = vector.broadcast %jit3A_280 : f32 to vector<16xf32>
    %broadcast_in_dim3A_283 = vector.broadcast %jit3A_281 : f32 to vector<16xf32>
    %select_n3A_284 = arith.select %gt3A_279, %broadcast_in_dim3A_282, %broadcast_in_dim3A_283 : vector<16xi1>, vector<16xf32>
    %add3A_285 = arith.addf %broadcast_in_dim3A_278, %select_n3A_284 : vector<16xf32>
    %gt3A_286 = arith.cmpf ogt, %div3A_274, %div3A_272 : vector<16xf32>
    %jit3A_287 = arith.constant 1.000000e+00 : f32
    %jit3A_288 = arith.constant 0.000000e+00 : f32
    %broadcast_in_dim3A_289 = vector.broadcast %jit3A_287 : f32 to vector<16xf32>
    %broadcast_in_dim3A_290 = vector.broadcast %jit3A_288 : f32 to vector<16xf32>
    %select_n3A_291 = arith.select %gt3A_286, %broadcast_in_dim3A_289, %broadcast_in_dim3A_290 : vector<16xi1>, vector<16xf32>
    %add3A_292 = arith.addf %add3A_285, %select_n3A_291 : vector<16xf32>
    %gt3A_293 = arith.cmpf ogt, %div3A_275, %div3A_272 : vector<16xf32>
    %jit3A_294 = arith.constant 1.000000e+00 : f32
    %jit3A_295 = arith.constant 0.000000e+00 : f32
    %broadcast_in_dim3A_296 = vector.broadcast %jit3A_294 : f32 to vector<16xf32>
    %broadcast_in_dim3A_297 = vector.broadcast %jit3A_295 : f32 to vector<16xf32>
    %select_n3A_298 = arith.select %gt3A_293, %broadcast_in_dim3A_296, %broadcast_in_dim3A_297 : vector<16xi1>, vector<16xf32>
    %add3A_299 = arith.addf %add3A_292, %select_n3A_298 : vector<16xf32>
    %gt3A_300 = arith.cmpf ogt, %div3A_276, %div3A_272 : vector<16xf32>
    %jit3A_301 = arith.constant 1.000000e+00 : f32
    %jit3A_302 = arith.constant 0.000000e+00 : f32
    %broadcast_in_dim3A_303 = vector.broadcast %jit3A_301 : f32 to vector<16xf32>
    %broadcast_in_dim3A_304 = vector.broadcast %jit3A_302 : f32 to vector<16xf32>
    %select_n3A_305 = arith.select %gt3A_300, %broadcast_in_dim3A_303, %broadcast_in_dim3A_304 : vector<16xi1>, vector<16xf32>
    %add3A_306 = arith.addf %add3A_299, %select_n3A_305 : vector<16xf32>
    %lt3A_307 = arith.constant 3.000000e+00 : f32
    %lt3A_308 = vector.broadcast %lt3A_307 : f32 to vector<16xf32>
    %lt3A_309 = arith.cmpf olt, %add3A_306, %lt3A_308 : vector<16xf32>
    %jit3A_310 = arith.constant 0.000000e+00 : f32
    %broadcast_in_dim3A_311 = vector.broadcast %jit3A_310 : f32 to vector<16xf32>
    %select_n3A_312 = arith.select %lt3A_309, %div3A_272, %broadcast_in_dim3A_311 : vector<16xi1>, vector<16xf32>
    %swap3A_313 = arith.constant 16 : index
    %swap3A_314 = tpu.vector_load %arg5[%swap3A_313] {strides = array<i32>} : memref<640xf32, #tpu.memory_space<vmem>>, vector<16xf32>,
    %swap3A_315 = vector.shape_cast %swap3A_314 : vector<16xf32> to vector<16xf32>
    %swap3A_316 = vector.shape_cast %select_n3A_312 : vector<16xf32> to vector<16xf32>
    tpu.vector_store %arg5[%swap3A_313], %swap3A_316 {strides = array<i32>} : memref<640xf32, #tpu.memory_space<vmem>>, vector<16xf32>,
    %broadcast_in_dim3A_317 = arith.constant 0.000000e+00 : f32
    %broadcast_in_dim3A_318 = vector.broadcast %broadcast_in_dim3A_317 : f32 to vector<16xf32>
    %ge3A_319 = arith.cmpf oge, %div3A_272, %div3A_273 : vector<16xf32>
    %jit3A_320 = arith.constant 1.000000e+00 : f32
    %jit3A_321 = arith.constant 0.000000e+00 : f32
    %broadcast_in_dim3A_322 = vector.broadcast %jit3A_320 : f32 to vector<16xf32>
    %broadcast_in_dim3A_323 = vector.broadcast %jit3A_321 : f32 to vector<16xf32>
    %select_n3A_324 = arith.select %ge3A_319, %broadcast_in_dim3A_322, %broadcast_in_dim3A_323 : vector<16xi1>, vector<16xf32>
    %add3A_325 = arith.addf %broadcast_in_dim3A_318, %select_n3A_324 : vector<16xf32>
    %gt3A_326 = arith.cmpf ogt, %div3A_274, %div3A_273 : vector<16xf32>
    %jit3A_327 = arith.constant 1.000000e+00 : f32
    %jit3A_328 = arith.constant 0.000000e+00 : f32
    %broadcast_in_dim3A_329 = vector.broadcast %jit3A_327 : f32 to vector<16xf32>
    %broadcast_in_dim3A_330 = vector.broadcast %jit3A_328 : f32 to vector<16xf32>
    %select_n3A_331 = arith.select %gt3A_326, %broadcast_in_dim3A_329, %broadcast_in_dim3A_330 : vector<16xi1>, vector<16xf32>
    %add3A_332 = arith.addf %add3A_325, %select_n3A_331 : vector<16xf32>
    %gt3A_333 = arith.cmpf ogt, %div3A_275, %div3A_273 : vector<16xf32>
    %jit3A_334 = arith.constant 1.000000e+00 : f32
    %jit3A_335 = arith.constant 0.000000e+00 : f32
    %broadcast_in_dim3A_336 = vector.broadcast %jit3A_334 : f32 to vector<16xf32>
    %broadcast_in_dim3A_337 = vector.broadcast %jit3A_335 : f32 to vector<16xf32>
    %select_n3A_338 = arith.select %gt3A_333, %broadcast_in_dim3A_336, %broadcast_in_dim3A_337 : vector<16xi1>, vector<16xf32>
    %add3A_339 = arith.addf %add3A_332, %select_n3A_338 : vector<16xf32>
    %gt3A_340 = arith.cmpf ogt, %div3A_276, %div3A_273 : vector<16xf32>
    %jit3A_341 = arith.constant 1.000000e+00 : f32
    %jit3A_342 = arith.constant 0.000000e+00 : f32
    %broadcast_in_dim3A_343 = vector.broadcast %jit3A_341 : f32 to vector<16xf32>
    %broadcast_in_dim3A_344 = vector.broadcast %jit3A_342 : f32 to vector<16xf32>
    %select_n3A_345 = arith.select %gt3A_340, %broadcast_in_dim3A_343, %broadcast_in_dim3A_344 : vector<16xi1>, vector<16xf32>
    %add3A_346 = arith.addf %add3A_339, %select_n3A_345 : vector<16xf32>
    %lt3A_347 = arith.constant 3.000000e+00 : f32
    %lt3A_348 = vector.broadcast %lt3A_347 : f32 to vector<16xf32>
    %lt3A_349 = arith.cmpf olt, %add3A_346, %lt3A_348 : vector<16xf32>
    %jit3A_350 = arith.constant 0.000000e+00 : f32
    %broadcast_in_dim3A_351 = vector.broadcast %jit3A_350 : f32 to vector<16xf32>
    %select_n3A_352 = arith.select %lt3A_349, %div3A_273, %broadcast_in_dim3A_351 : vector<16xi1>, vector<16xf32>
    %swap3A_353 = arith.constant 144 : index
    %swap3A_354 = tpu.vector_load %arg5[%swap3A_353] {strides = array<i32>} : memref<640xf32, #tpu.memory_space<vmem>>, vector<16xf32>,
    %swap3A_355 = vector.shape_cast %swap3A_354 : vector<16xf32> to vector<16xf32>
    %swap3A_356 = vector.shape_cast %select_n3A_352 : vector<16xf32> to vector<16xf32>
    tpu.vector_store %arg5[%swap3A_353], %swap3A_356 {strides = array<i32>} : memref<640xf32, #tpu.memory_space<vmem>>, vector<16xf32>,
    %broadcast_in_dim3A_357 = arith.constant 0.000000e+00 : f32
    %broadcast_in_dim3A_358 = vector.broadcast %broadcast_in_dim3A_357 : f32 to vector<16xf32>
    %ge3A_359 = arith.cmpf oge, %div3A_272, %div3A_274 : vector<16xf32>
    %jit3A_360 = arith.constant 1.000000e+00 : f32
    %jit3A_361 = arith.constant 0.000000e+00 : f32
    %broadcast_in_dim3A_362 = vector.broadcast %jit3A_360 : f32 to vector<16xf32>
    %broadcast_in_dim3A_363 = vector.broadcast %jit3A_361 : f32 to vector<16xf32>
    %select_n3A_364 = arith.select %ge3A_359, %broadcast_in_dim3A_362, %broadcast_in_dim3A_363 : vector<16xi1>, vector<16xf32>
    %add3A_365 = arith.addf %broadcast_in_dim3A_358, %select_n3A_364 : vector<16xf32>
    %ge3A_366 = arith.cmpf oge, %div3A_273, %div3A_274 : vector<16xf32>
    %jit3A_367 = arith.constant 1.000000e+00 : f32
    %jit3A_368 = arith.constant 0.000000e+00 : f32
    %broadcast_in_dim3A_369 = vector.broadcast %jit3A_367 : f32 to vector<16xf32>
    %broadcast_in_dim3A_370 = vector.broadcast %jit3A_368 : f32 to vector<16xf32>
    %select_n3A_371 = arith.select %ge3A_366, %broadcast_in_dim3A_369, %broadcast_in_dim3A_370 : vector<16xi1>, vector<16xf32>
    %add3A_372 = arith.addf %add3A_365, %select_n3A_371 : vector<16xf32>
    %gt3A_373 = arith.cmpf ogt, %div3A_275, %div3A_274 : vector<16xf32>
    %jit3A_374 = arith.constant 1.000000e+00 : f32
    %jit3A_375 = arith.constant 0.000000e+00 : f32
    %broadcast_in_dim3A_376 = vector.broadcast %jit3A_374 : f32 to vector<16xf32>
    %broadcast_in_dim3A_377 = vector.broadcast %jit3A_375 : f32 to vector<16xf32>
    %select_n3A_378 = arith.select %gt3A_373, %broadcast_in_dim3A_376, %broadcast_in_dim3A_377 : vector<16xi1>, vector<16xf32>
    %add3A_379 = arith.addf %add3A_372, %select_n3A_378 : vector<16xf32>
    %gt3A_380 = arith.cmpf ogt, %div3A_276, %div3A_274 : vector<16xf32>
    %jit3A_381 = arith.constant 1.000000e+00 : f32
    %jit3A_382 = arith.constant 0.000000e+00 : f32
    %broadcast_in_dim3A_383 = vector.broadcast %jit3A_381 : f32 to vector<16xf32>
    %broadcast_in_dim3A_384 = vector.broadcast %jit3A_382 : f32 to vector<16xf32>
    %select_n3A_385 = arith.select %gt3A_380, %broadcast_in_dim3A_383, %broadcast_in_dim3A_384 : vector<16xi1>, vector<16xf32>
    %add3A_386 = arith.addf %add3A_379, %select_n3A_385 : vector<16xf32>
    %lt3A_387 = arith.constant 3.000000e+00 : f32
    %lt3A_388 = vector.broadcast %lt3A_387 : f32 to vector<16xf32>
    %lt3A_389 = arith.cmpf olt, %add3A_386, %lt3A_388 : vector<16xf32>
    %jit3A_390 = arith.constant 0.000000e+00 : f32
    %broadcast_in_dim3A_391 = vector.broadcast %jit3A_390 : f32 to vector<16xf32>
    %select_n3A_392 = arith.select %lt3A_389, %div3A_274, %broadcast_in_dim3A_391 : vector<16xi1>, vector<16xf32>
    %swap3A_393 = arith.constant 272 : index
    %swap3A_394 = tpu.vector_load %arg5[%swap3A_393] {strides = array<i32>} : memref<640xf32, #tpu.memory_space<vmem>>, vector<16xf32>,
    %swap3A_395 = vector.shape_cast %swap3A_394 : vector<16xf32> to vector<16xf32>
    %swap3A_396 = vector.shape_cast %select_n3A_392 : vector<16xf32> to vector<16xf32>
    tpu.vector_store %arg5[%swap3A_393], %swap3A_396 {strides = array<i32>} : memref<640xf32, #tpu.memory_space<vmem>>, vector<16xf32>,
    %broadcast_in_dim3A_397 = arith.constant 0.000000e+00 : f32
    %broadcast_in_dim3A_398 = vector.broadcast %broadcast_in_dim3A_397 : f32 to vector<16xf32>
    %ge3A_399 = arith.cmpf oge, %div3A_272, %div3A_275 : vector<16xf32>
    %jit3A_400 = arith.constant 1.000000e+00 : f32
    %jit3A_401 = arith.constant 0.000000e+00 : f32
    %broadcast_in_dim3A_402 = vector.broadcast %jit3A_400 : f32 to vector<16xf32>
    %broadcast_in_dim3A_403 = vector.broadcast %jit3A_401 : f32 to vector<16xf32>
    %select_n3A_404 = arith.select %ge3A_399, %broadcast_in_dim3A_402, %broadcast_in_dim3A_403 : vector<16xi1>, vector<16xf32>
    %add3A_405 = arith.addf %broadcast_in_dim3A_398, %select_n3A_404 : vector<16xf32>
    %ge3A_406 = arith.cmpf oge, %div3A_273, %div3A_275 : vector<16xf32>
    %jit3A_407 = arith.constant 1.000000e+00 : f32
    %jit3A_408 = arith.constant 0.000000e+00 : f32
    %broadcast_in_dim3A_409 = vector.broadcast %jit3A_407 : f32 to vector<16xf32>
    %broadcast_in_dim3A_410 = vector.broadcast %jit3A_408 : f32 to vector<16xf32>
    %select_n3A_411 = arith.select %ge3A_406, %broadcast_in_dim3A_409, %broadcast_in_dim3A_410 : vector<16xi1>, vector<16xf32>
    %add3A_412 = arith.addf %add3A_405, %select_n3A_411 : vector<16xf32>
    %ge3A_413 = arith.cmpf oge, %div3A_274, %div3A_275 : vector<16xf32>
    %jit3A_414 = arith.constant 1.000000e+00 : f32
    %jit3A_415 = arith.constant 0.000000e+00 : f32
    %broadcast_in_dim3A_416 = vector.broadcast %jit3A_414 : f32 to vector<16xf32>
    %broadcast_in_dim3A_417 = vector.broadcast %jit3A_415 : f32 to vector<16xf32>
    %select_n3A_418 = arith.select %ge3A_413, %broadcast_in_dim3A_416, %broadcast_in_dim3A_417 : vector<16xi1>, vector<16xf32>
    %add3A_419 = arith.addf %add3A_412, %select_n3A_418 : vector<16xf32>
    %gt3A_420 = arith.cmpf ogt, %div3A_276, %div3A_275 : vector<16xf32>
    %jit3A_421 = arith.constant 1.000000e+00 : f32
    %jit3A_422 = arith.constant 0.000000e+00 : f32
    %broadcast_in_dim3A_423 = vector.broadcast %jit3A_421 : f32 to vector<16xf32>
    %broadcast_in_dim3A_424 = vector.broadcast %jit3A_422 : f32 to vector<16xf32>
    %select_n3A_425 = arith.select %gt3A_420, %broadcast_in_dim3A_423, %broadcast_in_dim3A_424 : vector<16xi1>, vector<16xf32>
    %add3A_426 = arith.addf %add3A_419, %select_n3A_425 : vector<16xf32>
    %lt3A_427 = arith.constant 3.000000e+00 : f32
    %lt3A_428 = vector.broadcast %lt3A_427 : f32 to vector<16xf32>
    %lt3A_429 = arith.cmpf olt, %add3A_426, %lt3A_428 : vector<16xf32>
    %jit3A_430 = arith.constant 0.000000e+00 : f32
    %broadcast_in_dim3A_431 = vector.broadcast %jit3A_430 : f32 to vector<16xf32>
    %select_n3A_432 = arith.select %lt3A_429, %div3A_275, %broadcast_in_dim3A_431 : vector<16xi1>, vector<16xf32>
    %swap3A_433 = arith.constant 400 : index
    %swap3A_434 = tpu.vector_load %arg5[%swap3A_433] {strides = array<i32>} : memref<640xf32, #tpu.memory_space<vmem>>, vector<16xf32>,
    %swap3A_435 = vector.shape_cast %swap3A_434 : vector<16xf32> to vector<16xf32>
    %swap3A_436 = vector.shape_cast %select_n3A_432 : vector<16xf32> to vector<16xf32>
    tpu.vector_store %arg5[%swap3A_433], %swap3A_436 {strides = array<i32>} : memref<640xf32, #tpu.memory_space<vmem>>, vector<16xf32>,
    %broadcast_in_dim3A_437 = arith.constant 0.000000e+00 : f32
    %broadcast_in_dim3A_438 = vector.broadcast %broadcast_in_dim3A_437 : f32 to vector<16xf32>
    %ge3A_439 = arith.cmpf oge, %div3A_272, %div3A_276 : vector<16xf32>
    %jit3A_440 = arith.constant 1.000000e+00 : f32
    %jit3A_441 = arith.constant 0.000000e+00 : f32
    %broadcast_in_dim3A_442 = vector.broadcast %jit3A_440 : f32 to vector<16xf32>
    %broadcast_in_dim3A_443 = vector.broadcast %jit3A_441 : f32 to vector<16xf32>
    %select_n3A_444 = arith.select %ge3A_439, %broadcast_in_dim3A_442, %broadcast_in_dim3A_443 : vector<16xi1>, vector<16xf32>
    %add3A_445 = arith.addf %broadcast_in_dim3A_438, %select_n3A_444 : vector<16xf32>
    %ge3A_446 = arith.cmpf oge, %div3A_273, %div3A_276 : vector<16xf32>
    %jit3A_447 = arith.constant 1.000000e+00 : f32
    %jit3A_448 = arith.constant 0.000000e+00 : f32
    %broadcast_in_dim3A_449 = vector.broadcast %jit3A_447 : f32 to vector<16xf32>
    %broadcast_in_dim3A_450 = vector.broadcast %jit3A_448 : f32 to vector<16xf32>
    %select_n3A_451 = arith.select %ge3A_446, %broadcast_in_dim3A_449, %broadcast_in_dim3A_450 : vector<16xi1>, vector<16xf32>
    %add3A_452 = arith.addf %add3A_445, %select_n3A_451 : vector<16xf32>
    %ge3A_453 = arith.cmpf oge, %div3A_274, %div3A_276 : vector<16xf32>
    %jit3A_454 = arith.constant 1.000000e+00 : f32
    %jit3A_455 = arith.constant 0.000000e+00 : f32
    %broadcast_in_dim3A_456 = vector.broadcast %jit3A_454 : f32 to vector<16xf32>
    %broadcast_in_dim3A_457 = vector.broadcast %jit3A_455 : f32 to vector<16xf32>
    %select_n3A_458 = arith.select %ge3A_453, %broadcast_in_dim3A_456, %broadcast_in_dim3A_457 : vector<16xi1>, vector<16xf32>
    %add3A_459 = arith.addf %add3A_452, %select_n3A_458 : vector<16xf32>
    %ge3A_460 = arith.cmpf oge, %div3A_275, %div3A_276 : vector<16xf32>
    %jit3A_461 = arith.constant 1.000000e+00 : f32
    %jit3A_462 = arith.constant 0.000000e+00 : f32
    %broadcast_in_dim3A_463 = vector.broadcast %jit3A_461 : f32 to vector<16xf32>
    %broadcast_in_dim3A_464 = vector.broadcast %jit3A_462 : f32 to vector<16xf32>
    %select_n3A_465 = arith.select %ge3A_460, %broadcast_in_dim3A_463, %broadcast_in_dim3A_464 : vector<16xi1>, vector<16xf32>
    %add3A_466 = arith.addf %add3A_459, %select_n3A_465 : vector<16xf32>
    %lt3A_467 = arith.constant 3.000000e+00 : f32
    %lt3A_468 = vector.broadcast %lt3A_467 : f32 to vector<16xf32>
    %lt3A_469 = arith.cmpf olt, %add3A_466, %lt3A_468 : vector<16xf32>
    %jit3A_470 = arith.constant 0.000000e+00 : f32
    %broadcast_in_dim3A_471 = vector.broadcast %jit3A_470 : f32 to vector<16xf32>
    %select_n3A_472 = arith.select %lt3A_469, %div3A_276, %broadcast_in_dim3A_471 : vector<16xi1>, vector<16xf32>
    %swap3A_473 = arith.constant 528 : index
    %swap3A_474 = tpu.vector_load %arg5[%swap3A_473] {strides = array<i32>} : memref<640xf32, #tpu.memory_space<vmem>>, vector<16xf32>,
    %swap3A_475 = vector.shape_cast %swap3A_474 : vector<16xf32> to vector<16xf32>
    %swap3A_476 = vector.shape_cast %select_n3A_472 : vector<16xf32> to vector<16xf32>
    tpu.vector_store %arg5[%swap3A_473], %swap3A_476 {strides = array<i32>} : memref<640xf32, #tpu.memory_space<vmem>>, vector<16xf32>,
    %get3A_477 = arith.constant 32 : index
    %get3A_478 = tpu.vector_load %arg4[%get3A_477] {strides = array<i32>} : memref<640xf32, #tpu.memory_space<vmem>>, vector<16xf32>,
    %get3A_479 = vector.shape_cast %get3A_478 : vector<16xf32> to vector<16xf32>
    %get3A_480 = arith.constant 160 : index
    %get3A_481 = tpu.vector_load %arg4[%get3A_480] {strides = array<i32>} : memref<640xf32, #tpu.memory_space<vmem>>, vector<16xf32>,
    %get3A_482 = vector.shape_cast %get3A_481 : vector<16xf32> to vector<16xf32>
    %get3A_483 = arith.constant 288 : index
    %get3A_484 = tpu.vector_load %arg4[%get3A_483] {strides = array<i32>} : memref<640xf32, #tpu.memory_space<vmem>>, vector<16xf32>,
    %get3A_485 = vector.shape_cast %get3A_484 : vector<16xf32> to vector<16xf32>
    %get3A_486 = arith.constant 416 : index
    %get3A_487 = tpu.vector_load %arg4[%get3A_486] {strides = array<i32>} : memref<640xf32, #tpu.memory_space<vmem>>, vector<16xf32>,
    %get3A_488 = vector.shape_cast %get3A_487 : vector<16xf32> to vector<16xf32>
    %get3A_489 = arith.constant 544 : index
    %get3A_490 = tpu.vector_load %arg4[%get3A_489] {strides = array<i32>} : memref<640xf32, #tpu.memory_space<vmem>>, vector<16xf32>,
    %get3A_491 = vector.shape_cast %get3A_490 : vector<16xf32> to vector<16xf32>
    %max3A_492 = arith.maximumf %get3A_479, %get3A_482 : vector<16xf32>
    %max3A_493 = arith.maximumf %max3A_492, %get3A_485 : vector<16xf32>
    %max3A_494 = arith.maximumf %max3A_493, %get3A_488 : vector<16xf32>
    %max3A_495 = arith.maximumf %max3A_494, %get3A_491 : vector<16xf32>
    %sub3A_496 = arith.subf %get3A_479, %max3A_495 : vector<16xf32>
    %exp3A_497 = math.exp %sub3A_496 : vector<16xf32>
    %sub3A_498 = arith.subf %get3A_482, %max3A_495 : vector<16xf32>
    %exp3A_499 = math.exp %sub3A_498 : vector<16xf32>
    %sub3A_500 = arith.subf %get3A_485, %max3A_495 : vector<16xf32>
    %exp3A_501 = math.exp %sub3A_500 : vector<16xf32>
    %sub3A_502 = arith.subf %get3A_488, %max3A_495 : vector<16xf32>
    %exp3A_503 = math.exp %sub3A_502 : vector<16xf32>
    %sub3A_504 = arith.subf %get3A_491, %max3A_495 : vector<16xf32>
    %exp3A_505 = math.exp %sub3A_504 : vector<16xf32>
    %add3A_506 = arith.addf %exp3A_497, %exp3A_499 : vector<16xf32>
    %add3A_507 = arith.addf %add3A_506, %exp3A_501 : vector<16xf32>
    %add3A_508 = arith.addf %add3A_507, %exp3A_503 : vector<16xf32>
    %add3A_509 = arith.addf %add3A_508, %exp3A_505 : vector<16xf32>
    %div3A_510 = arith.divf %exp3A_497, %add3A_509 : vector<16xf32>
    %div3A_511 = arith.divf %exp3A_499, %add3A_509 : vector<16xf32>
    %div3A_512 = arith.divf %exp3A_501, %add3A_509 : vector<16xf32>
    %div3A_513 = arith.divf %exp3A_503, %add3A_509 : vector<16xf32>
    %div3A_514 = arith.divf %exp3A_505, %add3A_509 : vector<16xf32>
    %broadcast_in_dim3A_515 = arith.constant 0.000000e+00 : f32
    %broadcast_in_dim3A_516 = vector.broadcast %broadcast_in_dim3A_515 : f32 to vector<16xf32>
    %gt3A_517 = arith.cmpf ogt, %div3A_511, %div3A_510 : vector<16xf32>
    %jit3A_518 = arith.constant 1.000000e+00 : f32
    %jit3A_519 = arith.constant 0.000000e+00 : f32
    %broadcast_in_dim3A_520 = vector.broadcast %jit3A_518 : f32 to vector<16xf32>
    %broadcast_in_dim3A_521 = vector.broadcast %jit3A_519 : f32 to vector<16xf32>
    %select_n3A_522 = arith.select %gt3A_517, %broadcast_in_dim3A_520, %broadcast_in_dim3A_521 : vector<16xi1>, vector<16xf32>
    %add3A_523 = arith.addf %broadcast_in_dim3A_516, %select_n3A_522 : vector<16xf32>
    %gt3A_524 = arith.cmpf ogt, %div3A_512, %div3A_510 : vector<16xf32>
    %jit3A_525 = arith.constant 1.000000e+00 : f32
    %jit3A_526 = arith.constant 0.000000e+00 : f32
    %broadcast_in_dim3A_527 = vector.broadcast %jit3A_525 : f32 to vector<16xf32>
    %broadcast_in_dim3A_528 = vector.broadcast %jit3A_526 : f32 to vector<16xf32>
    %select_n3A_529 = arith.select %gt3A_524, %broadcast_in_dim3A_527, %broadcast_in_dim3A_528 : vector<16xi1>, vector<16xf32>
    %add3A_530 = arith.addf %add3A_523, %select_n3A_529 : vector<16xf32>
    %gt3A_531 = arith.cmpf ogt, %div3A_513, %div3A_510 : vector<16xf32>
    %jit3A_532 = arith.constant 1.000000e+00 : f32
    %jit3A_533 = arith.constant 0.000000e+00 : f32
    %broadcast_in_dim3A_534 = vector.broadcast %jit3A_532 : f32 to vector<16xf32>
    %broadcast_in_dim3A_535 = vector.broadcast %jit3A_533 : f32 to vector<16xf32>
    %select_n3A_536 = arith.select %gt3A_531, %broadcast_in_dim3A_534, %broadcast_in_dim3A_535 : vector<16xi1>, vector<16xf32>
    %add3A_537 = arith.addf %add3A_530, %select_n3A_536 : vector<16xf32>
    %gt3A_538 = arith.cmpf ogt, %div3A_514, %div3A_510 : vector<16xf32>
    %jit3A_539 = arith.constant 1.000000e+00 : f32
    %jit3A_540 = arith.constant 0.000000e+00 : f32
    %broadcast_in_dim3A_541 = vector.broadcast %jit3A_539 : f32 to vector<16xf32>
    %broadcast_in_dim3A_542 = vector.broadcast %jit3A_540 : f32 to vector<16xf32>
    %select_n3A_543 = arith.select %gt3A_538, %broadcast_in_dim3A_541, %broadcast_in_dim3A_542 : vector<16xi1>, vector<16xf32>
    %add3A_544 = arith.addf %add3A_537, %select_n3A_543 : vector<16xf32>
    %lt3A_545 = arith.constant 3.000000e+00 : f32
    %lt3A_546 = vector.broadcast %lt3A_545 : f32 to vector<16xf32>
    %lt3A_547 = arith.cmpf olt, %add3A_544, %lt3A_546 : vector<16xf32>
    %jit3A_548 = arith.constant 0.000000e+00 : f32
    %broadcast_in_dim3A_549 = vector.broadcast %jit3A_548 : f32 to vector<16xf32>
    %select_n3A_550 = arith.select %lt3A_547, %div3A_510, %broadcast_in_dim3A_549 : vector<16xi1>, vector<16xf32>
    %swap3A_551 = arith.constant 32 : index
    %swap3A_552 = tpu.vector_load %arg5[%swap3A_551] {strides = array<i32>} : memref<640xf32, #tpu.memory_space<vmem>>, vector<16xf32>,
    %swap3A_553 = vector.shape_cast %swap3A_552 : vector<16xf32> to vector<16xf32>
    %swap3A_554 = vector.shape_cast %select_n3A_550 : vector<16xf32> to vector<16xf32>
    tpu.vector_store %arg5[%swap3A_551], %swap3A_554 {strides = array<i32>} : memref<640xf32, #tpu.memory_space<vmem>>, vector<16xf32>,
    %broadcast_in_dim3A_555 = arith.constant 0.000000e+00 : f32
    %broadcast_in_dim3A_556 = vector.broadcast %broadcast_in_dim3A_555 : f32 to vector<16xf32>
    %ge3A_557 = arith.cmpf oge, %div3A_510, %div3A_511 : vector<16xf32>
    %jit3A_558 = arith.constant 1.000000e+00 : f32
    %jit3A_559 = arith.constant 0.000000e+00 : f32
    %broadcast_in_dim3A_560 = vector.broadcast %jit3A_558 : f32 to vector<16xf32>
    %broadcast_in_dim3A_561 = vector.broadcast %jit3A_559 : f32 to vector<16xf32>
    %select_n3A_562 = arith.select %ge3A_557, %broadcast_in_dim3A_560, %broadcast_in_dim3A_561 : vector<16xi1>, vector<16xf32>
    %add3A_563 = arith.addf %broadcast_in_dim3A_556, %select_n3A_562 : vector<16xf32>
    %gt3A_564 = arith.cmpf ogt, %div3A_512, %div3A_511 : vector<16xf32>
    %jit3A_565 = arith.constant 1.000000e+00 : f32
    %jit3A_566 = arith.constant 0.000000e+00 : f32
    %broadcast_in_dim3A_567 = vector.broadcast %jit3A_565 : f32 to vector<16xf32>
    %broadcast_in_dim3A_568 = vector.broadcast %jit3A_566 : f32 to vector<16xf32>
    %select_n3A_569 = arith.select %gt3A_564, %broadcast_in_dim3A_567, %broadcast_in_dim3A_568 : vector<16xi1>, vector<16xf32>
    %add3A_570 = arith.addf %add3A_563, %select_n3A_569 : vector<16xf32>
    %gt3A_571 = arith.cmpf ogt, %div3A_513, %div3A_511 : vector<16xf32>
    %jit3A_572 = arith.constant 1.000000e+00 : f32
    %jit3A_573 = arith.constant 0.000000e+00 : f32
    %broadcast_in_dim3A_574 = vector.broadcast %jit3A_572 : f32 to vector<16xf32>
    %broadcast_in_dim3A_575 = vector.broadcast %jit3A_573 : f32 to vector<16xf32>
    %select_n3A_576 = arith.select %gt3A_571, %broadcast_in_dim3A_574, %broadcast_in_dim3A_575 : vector<16xi1>, vector<16xf32>
    %add3A_577 = arith.addf %add3A_570, %select_n3A_576 : vector<16xf32>
    %gt3A_578 = arith.cmpf ogt, %div3A_514, %div3A_511 : vector<16xf32>
    %jit3A_579 = arith.constant 1.000000e+00 : f32
    %jit3A_580 = arith.constant 0.000000e+00 : f32
    %broadcast_in_dim3A_581 = vector.broadcast %jit3A_579 : f32 to vector<16xf32>
    %broadcast_in_dim3A_582 = vector.broadcast %jit3A_580 : f32 to vector<16xf32>
    %select_n3A_583 = arith.select %gt3A_578, %broadcast_in_dim3A_581, %broadcast_in_dim3A_582 : vector<16xi1>, vector<16xf32>
    %add3A_584 = arith.addf %add3A_577, %select_n3A_583 : vector<16xf32>
    %lt3A_585 = arith.constant 3.000000e+00 : f32
    %lt3A_586 = vector.broadcast %lt3A_585 : f32 to vector<16xf32>
    %lt3A_587 = arith.cmpf olt, %add3A_584, %lt3A_586 : vector<16xf32>
    %jit3A_588 = arith.constant 0.000000e+00 : f32
    %broadcast_in_dim3A_589 = vector.broadcast %jit3A_588 : f32 to vector<16xf32>
    %select_n3A_590 = arith.select %lt3A_587, %div3A_511, %broadcast_in_dim3A_589 : vector<16xi1>, vector<16xf32>
    %swap3A_591 = arith.constant 160 : index
    %swap3A_592 = tpu.vector_load %arg5[%swap3A_591] {strides = array<i32>} : memref<640xf32, #tpu.memory_space<vmem>>, vector<16xf32>,
    %swap3A_593 = vector.shape_cast %swap3A_592 : vector<16xf32> to vector<16xf32>
    %swap3A_594 = vector.shape_cast %select_n3A_590 : vector<16xf32> to vector<16xf32>
    tpu.vector_store %arg5[%swap3A_591], %swap3A_594 {strides = array<i32>} : memref<640xf32, #tpu.memory_space<vmem>>, vector<16xf32>,
    %broadcast_in_dim3A_595 = arith.constant 0.000000e+00 : f32
    %broadcast_in_dim3A_596 = vector.broadcast %broadcast_in_dim3A_595 : f32 to vector<16xf32>
    %ge3A_597 = arith.cmpf oge, %div3A_510, %div3A_512 : vector<16xf32>
    %jit3A_598 = arith.constant 1.000000e+00 : f32
    %jit3A_599 = arith.constant 0.000000e+00 : f32
    %broadcast_in_dim3A_600 = vector.broadcast %jit3A_598 : f32 to vector<16xf32>
    %broadcast_in_dim3A_601 = vector.broadcast %jit3A_599 : f32 to vector<16xf32>
    %select_n3A_602 = arith.select %ge3A_597, %broadcast_in_dim3A_600, %broadcast_in_dim3A_601 : vector<16xi1>, vector<16xf32>
    %add3A_603 = arith.addf %broadcast_in_dim3A_596, %select_n3A_602 : vector<16xf32>
    %ge3A_604 = arith.cmpf oge, %div3A_511, %div3A_512 : vector<16xf32>
    %jit3A_605 = arith.constant 1.000000e+00 : f32
    %jit3A_606 = arith.constant 0.000000e+00 : f32
    %broadcast_in_dim3A_607 = vector.broadcast %jit3A_605 : f32 to vector<16xf32>
    %broadcast_in_dim3A_608 = vector.broadcast %jit3A_606 : f32 to vector<16xf32>
    %select_n3A_609 = arith.select %ge3A_604, %broadcast_in_dim3A_607, %broadcast_in_dim3A_608 : vector<16xi1>, vector<16xf32>
    %add3A_610 = arith.addf %add3A_603, %select_n3A_609 : vector<16xf32>
    %gt3A_611 = arith.cmpf ogt, %div3A_513, %div3A_512 : vector<16xf32>
    %jit3A_612 = arith.constant 1.000000e+00 : f32
    %jit3A_613 = arith.constant 0.000000e+00 : f32
    %broadcast_in_dim3A_614 = vector.broadcast %jit3A_612 : f32 to vector<16xf32>
    %broadcast_in_dim3A_615 = vector.broadcast %jit3A_613 : f32 to vector<16xf32>
    %select_n3A_616 = arith.select %gt3A_611, %broadcast_in_dim3A_614, %broadcast_in_dim3A_615 : vector<16xi1>, vector<16xf32>
    %add3A_617 = arith.addf %add3A_610, %select_n3A_616 : vector<16xf32>
    %gt3A_618 = arith.cmpf ogt, %div3A_514, %div3A_512 : vector<16xf32>
    %jit3A_619 = arith.constant 1.000000e+00 : f32
    %jit3A_620 = arith.constant 0.000000e+00 : f32
    %broadcast_in_dim3A_621 = vector.broadcast %jit3A_619 : f32 to vector<16xf32>
    %broadcast_in_dim3A_622 = vector.broadcast %jit3A_620 : f32 to vector<16xf32>
    %select_n3A_623 = arith.select %gt3A_618, %broadcast_in_dim3A_621, %broadcast_in_dim3A_622 : vector<16xi1>, vector<16xf32>
    %add3A_624 = arith.addf %add3A_617, %select_n3A_623 : vector<16xf32>
    %lt3A_625 = arith.constant 3.000000e+00 : f32
    %lt3A_626 = vector.broadcast %lt3A_625 : f32 to vector<16xf32>
    %lt3A_627 = arith.cmpf olt, %add3A_624, %lt3A_626 : vector<16xf32>
    %jit3A_628 = arith.constant 0.000000e+00 : f32
    %broadcast_in_dim3A_629 = vector.broadcast %jit3A_628 : f32 to vector<16xf32>
    %select_n3A_630 = arith.select %lt3A_627, %div3A_512, %broadcast_in_dim3A_629 : vector<16xi1>, vector<16xf32>
    %swap3A_631 = arith.constant 288 : index
    %swap3A_632 = tpu.vector_load %arg5[%swap3A_631] {strides = array<i32>} : memref<640xf32, #tpu.memory_space<vmem>>, vector<16xf32>,
    %swap3A_633 = vector.shape_cast %swap3A_632 : vector<16xf32> to vector<16xf32>
    %swap3A_634 = vector.shape_cast %select_n3A_630 : vector<16xf32> to vector<16xf32>
    tpu.vector_store %arg5[%swap3A_631], %swap3A_634 {strides = array<i32>} : memref<640xf32, #tpu.memory_space<vmem>>, vector<16xf32>,
    %broadcast_in_dim3A_635 = arith.constant 0.000000e+00 : f32
    %broadcast_in_dim3A_636 = vector.broadcast %broadcast_in_dim3A_635 : f32 to vector<16xf32>
    %ge3A_637 = arith.cmpf oge, %div3A_510, %div3A_513 : vector<16xf32>
    %jit3A_638 = arith.constant 1.000000e+00 : f32
    %jit3A_639 = arith.constant 0.000000e+00 : f32
    %broadcast_in_dim3A_640 = vector.broadcast %jit3A_638 : f32 to vector<16xf32>
    %broadcast_in_dim3A_641 = vector.broadcast %jit3A_639 : f32 to vector<16xf32>
    %select_n3A_642 = arith.select %ge3A_637, %broadcast_in_dim3A_640, %broadcast_in_dim3A_641 : vector<16xi1>, vector<16xf32>
    %add3A_643 = arith.addf %broadcast_in_dim3A_636, %select_n3A_642 : vector<16xf32>
    %ge3A_644 = arith.cmpf oge, %div3A_511, %div3A_513 : vector<16xf32>
    %jit3A_645 = arith.constant 1.000000e+00 : f32
    %jit3A_646 = arith.constant 0.000000e+00 : f32
    %broadcast_in_dim3A_647 = vector.broadcast %jit3A_645 : f32 to vector<16xf32>
    %broadcast_in_dim3A_648 = vector.broadcast %jit3A_646 : f32 to vector<16xf32>
    %select_n3A_649 = arith.select %ge3A_644, %broadcast_in_dim3A_647, %broadcast_in_dim3A_648 : vector<16xi1>, vector<16xf32>
    %add3A_650 = arith.addf %add3A_643, %select_n3A_649 : vector<16xf32>
    %ge3A_651 = arith.cmpf oge, %div3A_512, %div3A_513 : vector<16xf32>
    %jit3A_652 = arith.constant 1.000000e+00 : f32
    %jit3A_653 = arith.constant 0.000000e+00 : f32
    %broadcast_in_dim3A_654 = vector.broadcast %jit3A_652 : f32 to vector<16xf32>
    %broadcast_in_dim3A_655 = vector.broadcast %jit3A_653 : f32 to vector<16xf32>
    %select_n3A_656 = arith.select %ge3A_651, %broadcast_in_dim3A_654, %broadcast_in_dim3A_655 : vector<16xi1>, vector<16xf32>
    %add3A_657 = arith.addf %add3A_650, %select_n3A_656 : vector<16xf32>
    %gt3A_658 = arith.cmpf ogt, %div3A_514, %div3A_513 : vector<16xf32>
    %jit3A_659 = arith.constant 1.000000e+00 : f32
    %jit3A_660 = arith.constant 0.000000e+00 : f32
    %broadcast_in_dim3A_661 = vector.broadcast %jit3A_659 : f32 to vector<16xf32>
    %broadcast_in_dim3A_662 = vector.broadcast %jit3A_660 : f32 to vector<16xf32>
    %select_n3A_663 = arith.select %gt3A_658, %broadcast_in_dim3A_661, %broadcast_in_dim3A_662 : vector<16xi1>, vector<16xf32>
    %add3A_664 = arith.addf %add3A_657, %select_n3A_663 : vector<16xf32>
    %lt3A_665 = arith.constant 3.000000e+00 : f32
    %lt3A_666 = vector.broadcast %lt3A_665 : f32 to vector<16xf32>
    %lt3A_667 = arith.cmpf olt, %add3A_664, %lt3A_666 : vector<16xf32>
    %jit3A_668 = arith.constant 0.000000e+00 : f32
    %broadcast_in_dim3A_669 = vector.broadcast %jit3A_668 : f32 to vector<16xf32>
    %select_n3A_670 = arith.select %lt3A_667, %div3A_513, %broadcast_in_dim3A_669 : vector<16xi1>, vector<16xf32>
    %swap3A_671 = arith.constant 416 : index
    %swap3A_672 = tpu.vector_load %arg5[%swap3A_671] {strides = array<i32>} : memref<640xf32, #tpu.memory_space<vmem>>, vector<16xf32>,
    %swap3A_673 = vector.shape_cast %swap3A_672 : vector<16xf32> to vector<16xf32>
    %swap3A_674 = vector.shape_cast %select_n3A_670 : vector<16xf32> to vector<16xf32>
    tpu.vector_store %arg5[%swap3A_671], %swap3A_674 {strides = array<i32>} : memref<640xf32, #tpu.memory_space<vmem>>, vector<16xf32>,
    %broadcast_in_dim3A_675 = arith.constant 0.000000e+00 : f32
    %broadcast_in_dim3A_676 = vector.broadcast %broadcast_in_dim3A_675 : f32 to vector<16xf32>
    %ge3A_677 = arith.cmpf oge, %div3A_510, %div3A_514 : vector<16xf32>
    %jit3A_678 = arith.constant 1.000000e+00 : f32
    %jit3A_679 = arith.constant 0.000000e+00 : f32
    %broadcast_in_dim3A_680 = vector.broadcast %jit3A_678 : f32 to vector<16xf32>
    %broadcast_in_dim3A_681 = vector.broadcast %jit3A_679 : f32 to vector<16xf32>
    %select_n3A_682 = arith.select %ge3A_677, %broadcast_in_dim3A_680, %broadcast_in_dim3A_681 : vector<16xi1>, vector<16xf32>
    %add3A_683 = arith.addf %broadcast_in_dim3A_676, %select_n3A_682 : vector<16xf32>
    %ge3A_684 = arith.cmpf oge, %div3A_511, %div3A_514 : vector<16xf32>
    %jit3A_685 = arith.constant 1.000000e+00 : f32
    %jit3A_686 = arith.constant 0.000000e+00 : f32
    %broadcast_in_dim3A_687 = vector.broadcast %jit3A_685 : f32 to vector<16xf32>
    %broadcast_in_dim3A_688 = vector.broadcast %jit3A_686 : f32 to vector<16xf32>
    %select_n3A_689 = arith.select %ge3A_684, %broadcast_in_dim3A_687, %broadcast_in_dim3A_688 : vector<16xi1>, vector<16xf32>
    %add3A_690 = arith.addf %add3A_683, %select_n3A_689 : vector<16xf32>
    %ge3A_691 = arith.cmpf oge, %div3A_512, %div3A_514 : vector<16xf32>
    %jit3A_692 = arith.constant 1.000000e+00 : f32
    %jit3A_693 = arith.constant 0.000000e+00 : f32
    %broadcast_in_dim3A_694 = vector.broadcast %jit3A_692 : f32 to vector<16xf32>
    %broadcast_in_dim3A_695 = vector.broadcast %jit3A_693 : f32 to vector<16xf32>
    %select_n3A_696 = arith.select %ge3A_691, %broadcast_in_dim3A_694, %broadcast_in_dim3A_695 : vector<16xi1>, vector<16xf32>
    %add3A_697 = arith.addf %add3A_690, %select_n3A_696 : vector<16xf32>
    %ge3A_698 = arith.cmpf oge, %div3A_513, %div3A_514 : vector<16xf32>
    %jit3A_699 = arith.constant 1.000000e+00 : f32
    %jit3A_700 = arith.constant 0.000000e+00 : f32
    %broadcast_in_dim3A_701 = vector.broadcast %jit3A_699 : f32 to vector<16xf32>
    %broadcast_in_dim3A_702 = vector.broadcast %jit3A_700 : f32 to vector<16xf32>
    %select_n3A_703 = arith.select %ge3A_698, %broadcast_in_dim3A_701, %broadcast_in_dim3A_702 : vector<16xi1>, vector<16xf32>
    %add3A_704 = arith.addf %add3A_697, %select_n3A_703 : vector<16xf32>
    %lt3A_705 = arith.constant 3.000000e+00 : f32
    %lt3A_706 = vector.broadcast %lt3A_705 : f32 to vector<16xf32>
    %lt3A_707 = arith.cmpf olt, %add3A_704, %lt3A_706 : vector<16xf32>
    %jit3A_708 = arith.constant 0.000000e+00 : f32
    %broadcast_in_dim3A_709 = vector.broadcast %jit3A_708 : f32 to vector<16xf32>
    %select_n3A_710 = arith.select %lt3A_707, %div3A_514, %broadcast_in_dim3A_709 : vector<16xi1>, vector<16xf32>
    %swap3A_711 = arith.constant 544 : index
    %swap3A_712 = tpu.vector_load %arg5[%swap3A_711] {strides = array<i32>} : memref<640xf32, #tpu.memory_space<vmem>>, vector<16xf32>,
    %swap3A_713 = vector.shape_cast %swap3A_712 : vector<16xf32> to vector<16xf32>
    %swap3A_714 = vector.shape_cast %select_n3A_710 : vector<16xf32> to vector<16xf32>
    tpu.vector_store %arg5[%swap3A_711], %swap3A_714 {strides = array<i32>} : memref<640xf32, #tpu.memory_space<vmem>>, vector<16xf32>,
    %get3A_715 = arith.constant 48 : index
    %get3A_716 = tpu.vector_load %arg4[%get3A_715] {strides = array<i32>} : memref<640xf32, #tpu.memory_space<vmem>>, vector<16xf32>,
    %get3A_717 = vector.shape_cast %get3A_716 : vector<16xf32> to vector<16xf32>
    %get3A_718 = arith.constant 176 : index
    %get3A_719 = tpu.vector_load %arg4[%get3A_718] {strides = array<i32>} : memref<640xf32, #tpu.memory_space<vmem>>, vector<16xf32>,
    %get3A_720 = vector.shape_cast %get3A_719 : vector<16xf32> to vector<16xf32>
    %get3A_721 = arith.constant 304 : index
    %get3A_722 = tpu.vector_load %arg4[%get3A_721] {strides = array<i32>} : memref<640xf32, #tpu.memory_space<vmem>>, vector<16xf32>,
    %get3A_723 = vector.shape_cast %get3A_722 : vector<16xf32> to vector<16xf32>
    %get3A_724 = arith.constant 432 : index
    %get3A_725 = tpu.vector_load %arg4[%get3A_724] {strides = array<i32>} : memref<640xf32, #tpu.memory_space<vmem>>, vector<16xf32>,
    %get3A_726 = vector.shape_cast %get3A_725 : vector<16xf32> to vector<16xf32>
    %get3A_727 = arith.constant 560 : index
    %get3A_728 = tpu.vector_load %arg4[%get3A_727] {strides = array<i32>} : memref<640xf32, #tpu.memory_space<vmem>>, vector<16xf32>,
    %get3A_729 = vector.shape_cast %get3A_728 : vector<16xf32> to vector<16xf32>
    %max3A_730 = arith.maximumf %get3A_717, %get3A_720 : vector<16xf32>
    %max3A_731 = arith.maximumf %max3A_730, %get3A_723 : vector<16xf32>
    %max3A_732 = arith.maximumf %max3A_731, %get3A_726 : vector<16xf32>
    %max3A_733 = arith.maximumf %max3A_732, %get3A_729 : vector<16xf32>
    %sub3A_734 = arith.subf %get3A_717, %max3A_733 : vector<16xf32>
    %exp3A_735 = math.exp %sub3A_734 : vector<16xf32>
    %sub3A_736 = arith.subf %get3A_720, %max3A_733 : vector<16xf32>
    %exp3A_737 = math.exp %sub3A_736 : vector<16xf32>
    %sub3A_738 = arith.subf %get3A_723, %max3A_733 : vector<16xf32>
    %exp3A_739 = math.exp %sub3A_738 : vector<16xf32>
    %sub3A_740 = arith.subf %get3A_726, %max3A_733 : vector<16xf32>
    %exp3A_741 = math.exp %sub3A_740 : vector<16xf32>
    %sub3A_742 = arith.subf %get3A_729, %max3A_733 : vector<16xf32>
    %exp3A_743 = math.exp %sub3A_742 : vector<16xf32>
    %add3A_744 = arith.addf %exp3A_735, %exp3A_737 : vector<16xf32>
    %add3A_745 = arith.addf %add3A_744, %exp3A_739 : vector<16xf32>
    %add3A_746 = arith.addf %add3A_745, %exp3A_741 : vector<16xf32>
    %add3A_747 = arith.addf %add3A_746, %exp3A_743 : vector<16xf32>
    %div3A_748 = arith.divf %exp3A_735, %add3A_747 : vector<16xf32>
    %div3A_749 = arith.divf %exp3A_737, %add3A_747 : vector<16xf32>
    %div3A_750 = arith.divf %exp3A_739, %add3A_747 : vector<16xf32>
    %div3A_751 = arith.divf %exp3A_741, %add3A_747 : vector<16xf32>
    %div3A_752 = arith.divf %exp3A_743, %add3A_747 : vector<16xf32>
    %broadcast_in_dim3A_753 = arith.constant 0.000000e+00 : f32
    %broadcast_in_dim3A_754 = vector.broadcast %broadcast_in_dim3A_753 : f32 to vector<16xf32>
    %gt3A_755 = arith.cmpf ogt, %div3A_749, %div3A_748 : vector<16xf32>
    %jit3A_756 = arith.constant 1.000000e+00 : f32
    %jit3A_757 = arith.constant 0.000000e+00 : f32
    %broadcast_in_dim3A_758 = vector.broadcast %jit3A_756 : f32 to vector<16xf32>
    %broadcast_in_dim3A_759 = vector.broadcast %jit3A_757 : f32 to vector<16xf32>
    %select_n3A_760 = arith.select %gt3A_755, %broadcast_in_dim3A_758, %broadcast_in_dim3A_759 : vector<16xi1>, vector<16xf32>
    %add3A_761 = arith.addf %broadcast_in_dim3A_754, %select_n3A_760 : vector<16xf32>
    %gt3A_762 = arith.cmpf ogt, %div3A_750, %div3A_748 : vector<16xf32>
    %jit3A_763 = arith.constant 1.000000e+00 : f32
    %jit3A_764 = arith.constant 0.000000e+00 : f32
    %broadcast_in_dim3A_765 = vector.broadcast %jit3A_763 : f32 to vector<16xf32>
    %broadcast_in_dim3A_766 = vector.broadcast %jit3A_764 : f32 to vector<16xf32>
    %select_n3A_767 = arith.select %gt3A_762, %broadcast_in_dim3A_765, %broadcast_in_dim3A_766 : vector<16xi1>, vector<16xf32>
    %add3A_768 = arith.addf %add3A_761, %select_n3A_767 : vector<16xf32>
    %gt3A_769 = arith.cmpf ogt, %div3A_751, %div3A_748 : vector<16xf32>
    %jit3A_770 = arith.constant 1.000000e+00 : f32
    %jit3A_771 = arith.constant 0.000000e+00 : f32
    %broadcast_in_dim3A_772 = vector.broadcast %jit3A_770 : f32 to vector<16xf32>
    %broadcast_in_dim3A_773 = vector.broadcast %jit3A_771 : f32 to vector<16xf32>
    %select_n3A_774 = arith.select %gt3A_769, %broadcast_in_dim3A_772, %broadcast_in_dim3A_773 : vector<16xi1>, vector<16xf32>
    %add3A_775 = arith.addf %add3A_768, %select_n3A_774 : vector<16xf32>
    %gt3A_776 = arith.cmpf ogt, %div3A_752, %div3A_748 : vector<16xf32>
    %jit3A_777 = arith.constant 1.000000e+00 : f32
    %jit3A_778 = arith.constant 0.000000e+00 : f32
    %broadcast_in_dim3A_779 = vector.broadcast %jit3A_777 : f32 to vector<16xf32>
    %broadcast_in_dim3A_780 = vector.broadcast %jit3A_778 : f32 to vector<16xf32>
    %select_n3A_781 = arith.select %gt3A_776, %broadcast_in_dim3A_779, %broadcast_in_dim3A_780 : vector<16xi1>, vector<16xf32>
    %add3A_782 = arith.addf %add3A_775, %select_n3A_781 : vector<16xf32>
    %lt3A_783 = arith.constant 3.000000e+00 : f32
    %lt3A_784 = vector.broadcast %lt3A_783 : f32 to vector<16xf32>
    %lt3A_785 = arith.cmpf olt, %add3A_782, %lt3A_784 : vector<16xf32>
    %jit3A_786 = arith.constant 0.000000e+00 : f32
    %broadcast_in_dim3A_787 = vector.broadcast %jit3A_786 : f32 to vector<16xf32>
    %select_n3A_788 = arith.select %lt3A_785, %div3A_748, %broadcast_in_dim3A_787 : vector<16xi1>, vector<16xf32>
    %swap3A_789 = arith.constant 48 : index
    %swap3A_790 = tpu.vector_load %arg5[%swap3A_789] {strides = array<i32>} : memref<640xf32, #tpu.memory_space<vmem>>, vector<16xf32>,
    %swap3A_791 = vector.shape_cast %swap3A_790 : vector<16xf32> to vector<16xf32>
    %swap3A_792 = vector.shape_cast %select_n3A_788 : vector<16xf32> to vector<16xf32>
    tpu.vector_store %arg5[%swap3A_789], %swap3A_792 {strides = array<i32>} : memref<640xf32, #tpu.memory_space<vmem>>, vector<16xf32>,
    %broadcast_in_dim3A_793 = arith.constant 0.000000e+00 : f32
    %broadcast_in_dim3A_794 = vector.broadcast %broadcast_in_dim3A_793 : f32 to vector<16xf32>
    %ge3A_795 = arith.cmpf oge, %div3A_748, %div3A_749 : vector<16xf32>
    %jit3A_796 = arith.constant 1.000000e+00 : f32
    %jit3A_797 = arith.constant 0.000000e+00 : f32
    %broadcast_in_dim3A_798 = vector.broadcast %jit3A_796 : f32 to vector<16xf32>
    %broadcast_in_dim3A_799 = vector.broadcast %jit3A_797 : f32 to vector<16xf32>
    %select_n3A_800 = arith.select %ge3A_795, %broadcast_in_dim3A_798, %broadcast_in_dim3A_799 : vector<16xi1>, vector<16xf32>
    %add3A_801 = arith.addf %broadcast_in_dim3A_794, %select_n3A_800 : vector<16xf32>
    %gt3A_802 = arith.cmpf ogt, %div3A_750, %div3A_749 : vector<16xf32>
    %jit3A_803 = arith.constant 1.000000e+00 : f32
    %jit3A_804 = arith.constant 0.000000e+00 : f32
    %broadcast_in_dim3A_805 = vector.broadcast %jit3A_803 : f32 to vector<16xf32>
    %broadcast_in_dim3A_806 = vector.broadcast %jit3A_804 : f32 to vector<16xf32>
    %select_n3A_807 = arith.select %gt3A_802, %broadcast_in_dim3A_805, %broadcast_in_dim3A_806 : vector<16xi1>, vector<16xf32>
    %add3A_808 = arith.addf %add3A_801, %select_n3A_807 : vector<16xf32>
    %gt3A_809 = arith.cmpf ogt, %div3A_751, %div3A_749 : vector<16xf32>
    %jit3A_810 = arith.constant 1.000000e+00 : f32
    %jit3A_811 = arith.constant 0.000000e+00 : f32
    %broadcast_in_dim3A_812 = vector.broadcast %jit3A_810 : f32 to vector<16xf32>
    %broadcast_in_dim3A_813 = vector.broadcast %jit3A_811 : f32 to vector<16xf32>
    %select_n3A_814 = arith.select %gt3A_809, %broadcast_in_dim3A_812, %broadcast_in_dim3A_813 : vector<16xi1>, vector<16xf32>
    %add3A_815 = arith.addf %add3A_808, %select_n3A_814 : vector<16xf32>
    %gt3A_816 = arith.cmpf ogt, %div3A_752, %div3A_749 : vector<16xf32>
    %jit3A_817 = arith.constant 1.000000e+00 : f32
    %jit3A_818 = arith.constant 0.000000e+00 : f32
    %broadcast_in_dim3A_819 = vector.broadcast %jit3A_817 : f32 to vector<16xf32>
    %broadcast_in_dim3A_820 = vector.broadcast %jit3A_818 : f32 to vector<16xf32>
    %select_n3A_821 = arith.select %gt3A_816, %broadcast_in_dim3A_819, %broadcast_in_dim3A_820 : vector<16xi1>, vector<16xf32>
    %add3A_822 = arith.addf %add3A_815, %select_n3A_821 : vector<16xf32>
    %lt3A_823 = arith.constant 3.000000e+00 : f32
    %lt3A_824 = vector.broadcast %lt3A_823 : f32 to vector<16xf32>
    %lt3A_825 = arith.cmpf olt, %add3A_822, %lt3A_824 : vector<16xf32>
    %jit3A_826 = arith.constant 0.000000e+00 : f32
    %broadcast_in_dim3A_827 = vector.broadcast %jit3A_826 : f32 to vector<16xf32>
    %select_n3A_828 = arith.select %lt3A_825, %div3A_749, %broadcast_in_dim3A_827 : vector<16xi1>, vector<16xf32>
    %swap3A_829 = arith.constant 176 : index
    %swap3A_830 = tpu.vector_load %arg5[%swap3A_829] {strides = array<i32>} : memref<640xf32, #tpu.memory_space<vmem>>, vector<16xf32>,
    %swap3A_831 = vector.shape_cast %swap3A_830 : vector<16xf32> to vector<16xf32>
    %swap3A_832 = vector.shape_cast %select_n3A_828 : vector<16xf32> to vector<16xf32>
    tpu.vector_store %arg5[%swap3A_829], %swap3A_832 {strides = array<i32>} : memref<640xf32, #tpu.memory_space<vmem>>, vector<16xf32>,
    %broadcast_in_dim3A_833 = arith.constant 0.000000e+00 : f32
    %broadcast_in_dim3A_834 = vector.broadcast %broadcast_in_dim3A_833 : f32 to vector<16xf32>
    %ge3A_835 = arith.cmpf oge, %div3A_748, %div3A_750 : vector<16xf32>
    %jit3A_836 = arith.constant 1.000000e+00 : f32
    %jit3A_837 = arith.constant 0.000000e+00 : f32
    %broadcast_in_dim3A_838 = vector.broadcast %jit3A_836 : f32 to vector<16xf32>
    %broadcast_in_dim3A_839 = vector.broadcast %jit3A_837 : f32 to vector<16xf32>
    %select_n3A_840 = arith.select %ge3A_835, %broadcast_in_dim3A_838, %broadcast_in_dim3A_839 : vector<16xi1>, vector<16xf32>
    %add3A_841 = arith.addf %broadcast_in_dim3A_834, %select_n3A_840 : vector<16xf32>
    %ge3A_842 = arith.cmpf oge, %div3A_749, %div3A_750 : vector<16xf32>
    %jit3A_843 = arith.constant 1.000000e+00 : f32
    %jit3A_844 = arith.constant 0.000000e+00 : f32
    %broadcast_in_dim3A_845 = vector.broadcast %jit3A_843 : f32 to vector<16xf32>
    %broadcast_in_dim3A_846 = vector.broadcast %jit3A_844 : f32 to vector<16xf32>
    %select_n3A_847 = arith.select %ge3A_842, %broadcast_in_dim3A_845, %broadcast_in_dim3A_846 : vector<16xi1>, vector<16xf32>
    %add3A_848 = arith.addf %add3A_841, %select_n3A_847 : vector<16xf32>
    %gt3A_849 = arith.cmpf ogt, %div3A_751, %div3A_750 : vector<16xf32>
    %jit3A_850 = arith.constant 1.000000e+00 : f32
    %jit3A_851 = arith.constant 0.000000e+00 : f32
    %broadcast_in_dim3A_852 = vector.broadcast %jit3A_850 : f32 to vector<16xf32>
    %broadcast_in_dim3A_853 = vector.broadcast %jit3A_851 : f32 to vector<16xf32>
    %select_n3A_854 = arith.select %gt3A_849, %broadcast_in_dim3A_852, %broadcast_in_dim3A_853 : vector<16xi1>, vector<16xf32>
    %add3A_855 = arith.addf %add3A_848, %select_n3A_854 : vector<16xf32>
    %gt3A_856 = arith.cmpf ogt, %div3A_752, %div3A_750 : vector<16xf32>
    %jit3A_857 = arith.constant 1.000000e+00 : f32
    %jit3A_858 = arith.constant 0.000000e+00 : f32
    %broadcast_in_dim3A_859 = vector.broadcast %jit3A_857 : f32 to vector<16xf32>
    %broadcast_in_dim3A_860 = vector.broadcast %jit3A_858 : f32 to vector<16xf32>
    %select_n3A_861 = arith.select %gt3A_856, %broadcast_in_dim3A_859, %broadcast_in_dim3A_860 : vector<16xi1>, vector<16xf32>
    %add3A_862 = arith.addf %add3A_855, %select_n3A_861 : vector<16xf32>
    %lt3A_863 = arith.constant 3.000000e+00 : f32
    %lt3A_864 = vector.broadcast %lt3A_863 : f32 to vector<16xf32>
    %lt3A_865 = arith.cmpf olt, %add3A_862, %lt3A_864 : vector<16xf32>
    %jit3A_866 = arith.constant 0.000000e+00 : f32
    %broadcast_in_dim3A_867 = vector.broadcast %jit3A_866 : f32 to vector<16xf32>
    %select_n3A_868 = arith.select %lt3A_865, %div3A_750, %broadcast_in_dim3A_867 : vector<16xi1>, vector<16xf32>
    %swap3A_869 = arith.constant 304 : index
    %swap3A_870 = tpu.vector_load %arg5[%swap3A_869] {strides = array<i32>} : memref<640xf32, #tpu.memory_space<vmem>>, vector<16xf32>,
    %swap3A_871 = vector.shape_cast %swap3A_870 : vector<16xf32> to vector<16xf32>
    %swap3A_872 = vector.shape_cast %select_n3A_868 : vector<16xf32> to vector<16xf32>
    tpu.vector_store %arg5[%swap3A_869], %swap3A_872 {strides = array<i32>} : memref<640xf32, #tpu.memory_space<vmem>>, vector<16xf32>,
    %broadcast_in_dim3A_873 = arith.constant 0.000000e+00 : f32
    %broadcast_in_dim3A_874 = vector.broadcast %broadcast_in_dim3A_873 : f32 to vector<16xf32>
    %ge3A_875 = arith.cmpf oge, %div3A_748, %div3A_751 : vector<16xf32>
    %jit3A_876 = arith.constant 1.000000e+00 : f32
    %jit3A_877 = arith.constant 0.000000e+00 : f32
    %broadcast_in_dim3A_878 = vector.broadcast %jit3A_876 : f32 to vector<16xf32>
    %broadcast_in_dim3A_879 = vector.broadcast %jit3A_877 : f32 to vector<16xf32>
    %select_n3A_880 = arith.select %ge3A_875, %broadcast_in_dim3A_878, %broadcast_in_dim3A_879 : vector<16xi1>, vector<16xf32>
    %add3A_881 = arith.addf %broadcast_in_dim3A_874, %select_n3A_880 : vector<16xf32>
    %ge3A_882 = arith.cmpf oge, %div3A_749, %div3A_751 : vector<16xf32>
    %jit3A_883 = arith.constant 1.000000e+00 : f32
    %jit3A_884 = arith.constant 0.000000e+00 : f32
    %broadcast_in_dim3A_885 = vector.broadcast %jit3A_883 : f32 to vector<16xf32>
    %broadcast_in_dim3A_886 = vector.broadcast %jit3A_884 : f32 to vector<16xf32>
    %select_n3A_887 = arith.select %ge3A_882, %broadcast_in_dim3A_885, %broadcast_in_dim3A_886 : vector<16xi1>, vector<16xf32>
    %add3A_888 = arith.addf %add3A_881, %select_n3A_887 : vector<16xf32>
    %ge3A_889 = arith.cmpf oge, %div3A_750, %div3A_751 : vector<16xf32>
    %jit3A_890 = arith.constant 1.000000e+00 : f32
    %jit3A_891 = arith.constant 0.000000e+00 : f32
    %broadcast_in_dim3A_892 = vector.broadcast %jit3A_890 : f32 to vector<16xf32>
    %broadcast_in_dim3A_893 = vector.broadcast %jit3A_891 : f32 to vector<16xf32>
    %select_n3A_894 = arith.select %ge3A_889, %broadcast_in_dim3A_892, %broadcast_in_dim3A_893 : vector<16xi1>, vector<16xf32>
    %add3A_895 = arith.addf %add3A_888, %select_n3A_894 : vector<16xf32>
    %gt3A_896 = arith.cmpf ogt, %div3A_752, %div3A_751 : vector<16xf32>
    %jit3A_897 = arith.constant 1.000000e+00 : f32
    %jit3A_898 = arith.constant 0.000000e+00 : f32
    %broadcast_in_dim3A_899 = vector.broadcast %jit3A_897 : f32 to vector<16xf32>
    %broadcast_in_dim3A_900 = vector.broadcast %jit3A_898 : f32 to vector<16xf32>
    %select_n3A_901 = arith.select %gt3A_896, %broadcast_in_dim3A_899, %broadcast_in_dim3A_900 : vector<16xi1>, vector<16xf32>
    %add3A_902 = arith.addf %add3A_895, %select_n3A_901 : vector<16xf32>
    %lt3A_903 = arith.constant 3.000000e+00 : f32
    %lt3A_904 = vector.broadcast %lt3A_903 : f32 to vector<16xf32>
    %lt3A_905 = arith.cmpf olt, %add3A_902, %lt3A_904 : vector<16xf32>
    %jit3A_906 = arith.constant 0.000000e+00 : f32
    %broadcast_in_dim3A_907 = vector.broadcast %jit3A_906 : f32 to vector<16xf32>
    %select_n3A_908 = arith.select %lt3A_905, %div3A_751, %broadcast_in_dim3A_907 : vector<16xi1>, vector<16xf32>
    %swap3A_909 = arith.constant 432 : index
    %swap3A_910 = tpu.vector_load %arg5[%swap3A_909] {strides = array<i32>} : memref<640xf32, #tpu.memory_space<vmem>>, vector<16xf32>,
    %swap3A_911 = vector.shape_cast %swap3A_910 : vector<16xf32> to vector<16xf32>
    %swap3A_912 = vector.shape_cast %select_n3A_908 : vector<16xf32> to vector<16xf32>
    tpu.vector_store %arg5[%swap3A_909], %swap3A_912 {strides = array<i32>} : memref<640xf32, #tpu.memory_space<vmem>>, vector<16xf32>,
    %broadcast_in_dim3A_913 = arith.constant 0.000000e+00 : f32
    %broadcast_in_dim3A_914 = vector.broadcast %broadcast_in_dim3A_913 : f32 to vector<16xf32>
    %ge3A_915 = arith.cmpf oge, %div3A_748, %div3A_752 : vector<16xf32>
    %jit3A_916 = arith.constant 1.000000e+00 : f32
    %jit3A_917 = arith.constant 0.000000e+00 : f32
    %broadcast_in_dim3A_918 = vector.broadcast %jit3A_916 : f32 to vector<16xf32>
    %broadcast_in_dim3A_919 = vector.broadcast %jit3A_917 : f32 to vector<16xf32>
    %select_n3A_920 = arith.select %ge3A_915, %broadcast_in_dim3A_918, %broadcast_in_dim3A_919 : vector<16xi1>, vector<16xf32>
    %add3A_921 = arith.addf %broadcast_in_dim3A_914, %select_n3A_920 : vector<16xf32>
    %ge3A_922 = arith.cmpf oge, %div3A_749, %div3A_752 : vector<16xf32>
    %jit3A_923 = arith.constant 1.000000e+00 : f32
    %jit3A_924 = arith.constant 0.000000e+00 : f32
    %broadcast_in_dim3A_925 = vector.broadcast %jit3A_923 : f32 to vector<16xf32>
    %broadcast_in_dim3A_926 = vector.broadcast %jit3A_924 : f32 to vector<16xf32>
    %select_n3A_927 = arith.select %ge3A_922, %broadcast_in_dim3A_925, %broadcast_in_dim3A_926 : vector<16xi1>, vector<16xf32>
    %add3A_928 = arith.addf %add3A_921, %select_n3A_927 : vector<16xf32>
    %ge3A_929 = arith.cmpf oge, %div3A_750, %div3A_752 : vector<16xf32>
    %jit3A_930 = arith.constant 1.000000e+00 : f32
    %jit3A_931 = arith.constant 0.000000e+00 : f32
    %broadcast_in_dim3A_932 = vector.broadcast %jit3A_930 : f32 to vector<16xf32>
    %broadcast_in_dim3A_933 = vector.broadcast %jit3A_931 : f32 to vector<16xf32>
    %select_n3A_934 = arith.select %ge3A_929, %broadcast_in_dim3A_932, %broadcast_in_dim3A_933 : vector<16xi1>, vector<16xf32>
    %add3A_935 = arith.addf %add3A_928, %select_n3A_934 : vector<16xf32>
    %ge3A_936 = arith.cmpf oge, %div3A_751, %div3A_752 : vector<16xf32>
    %jit3A_937 = arith.constant 1.000000e+00 : f32
    %jit3A_938 = arith.constant 0.000000e+00 : f32
    %broadcast_in_dim3A_939 = vector.broadcast %jit3A_937 : f32 to vector<16xf32>
    %broadcast_in_dim3A_940 = vector.broadcast %jit3A_938 : f32 to vector<16xf32>
    %select_n3A_941 = arith.select %ge3A_936, %broadcast_in_dim3A_939, %broadcast_in_dim3A_940 : vector<16xi1>, vector<16xf32>
    %add3A_942 = arith.addf %add3A_935, %select_n3A_941 : vector<16xf32>
    %lt3A_943 = arith.constant 3.000000e+00 : f32
    %lt3A_944 = vector.broadcast %lt3A_943 : f32 to vector<16xf32>
    %lt3A_945 = arith.cmpf olt, %add3A_942, %lt3A_944 : vector<16xf32>
    %jit3A_946 = arith.constant 0.000000e+00 : f32
    %broadcast_in_dim3A_947 = vector.broadcast %jit3A_946 : f32 to vector<16xf32>
    %select_n3A_948 = arith.select %lt3A_945, %div3A_752, %broadcast_in_dim3A_947 : vector<16xi1>, vector<16xf32>
    %swap3A_949 = arith.constant 560 : index
    %swap3A_950 = tpu.vector_load %arg5[%swap3A_949] {strides = array<i32>} : memref<640xf32, #tpu.memory_space<vmem>>, vector<16xf32>,
    %swap3A_951 = vector.shape_cast %swap3A_950 : vector<16xf32> to vector<16xf32>
    %swap3A_952 = vector.shape_cast %select_n3A_948 : vector<16xf32> to vector<16xf32>
    tpu.vector_store %arg5[%swap3A_949], %swap3A_952 {strides = array<i32>} : memref<640xf32, #tpu.memory_space<vmem>>, vector<16xf32>,
    %get3A_953 = arith.constant 64 : index
    %get3A_954 = tpu.vector_load %arg4[%get3A_953] {strides = array<i32>} : memref<640xf32, #tpu.memory_space<vmem>>, vector<16xf32>,
    %get3A_955 = vector.shape_cast %get3A_954 : vector<16xf32> to vector<16xf32>
    %get3A_956 = arith.constant 192 : index
    %get3A_957 = tpu.vector_load %arg4[%get3A_956] {strides = array<i32>} : memref<640xf32, #tpu.memory_space<vmem>>, vector<16xf32>,
    %get3A_958 = vector.shape_cast %get3A_957 : vector<16xf32> to vector<16xf32>
    %get3A_959 = arith.constant 320 : index
    %get3A_960 = tpu.vector_load %arg4[%get3A_959] {strides = array<i32>} : memref<640xf32, #tpu.memory_space<vmem>>, vector<16xf32>,
    %get3A_961 = vector.shape_cast %get3A_960 : vector<16xf32> to vector<16xf32>
    %get3A_962 = arith.constant 448 : index
    %get3A_963 = tpu.vector_load %arg4[%get3A_962] {strides = array<i32>} : memref<640xf32, #tpu.memory_space<vmem>>, vector<16xf32>,
    %get3A_964 = vector.shape_cast %get3A_963 : vector<16xf32> to vector<16xf32>
    %get3A_965 = arith.constant 576 : index
    %get3A_966 = tpu.vector_load %arg4[%get3A_965] {strides = array<i32>} : memref<640xf32, #tpu.memory_space<vmem>>, vector<16xf32>,
    %get3A_967 = vector.shape_cast %get3A_966 : vector<16xf32> to vector<16xf32>
    %max3A_968 = arith.maximumf %get3A_955, %get3A_958 : vector<16xf32>
    %max3A_969 = arith.maximumf %max3A_968, %get3A_961 : vector<16xf32>
    %max3A_970 = arith.maximumf %max3A_969, %get3A_964 : vector<16xf32>
    %max3A_971 = arith.maximumf %max3A_970, %get3A_967 : vector<16xf32>
    %sub3A_972 = arith.subf %get3A_955, %max3A_971 : vector<16xf32>
    %exp3A_973 = math.exp %sub3A_972 : vector<16xf32>
    %sub3A_974 = arith.subf %get3A_958, %max3A_971 : vector<16xf32>
    %exp3A_975 = math.exp %sub3A_974 : vector<16xf32>
    %sub3A_976 = arith.subf %get3A_961, %max3A_971 : vector<16xf32>
    %exp3A_977 = math.exp %sub3A_976 : vector<16xf32>
    %sub3A_978 = arith.subf %get3A_964, %max3A_971 : vector<16xf32>
    %exp3A_979 = math.exp %sub3A_978 : vector<16xf32>
    %sub3A_980 = arith.subf %get3A_967, %max3A_971 : vector<16xf32>
    %exp3A_981 = math.exp %sub3A_980 : vector<16xf32>
    %add3A_982 = arith.addf %exp3A_973, %exp3A_975 : vector<16xf32>
    %add3A_983 = arith.addf %add3A_982, %exp3A_977 : vector<16xf32>
    %add3A_984 = arith.addf %add3A_983, %exp3A_979 : vector<16xf32>
    %add3A_985 = arith.addf %add3A_984, %exp3A_981 : vector<16xf32>
    %div3A_986 = arith.divf %exp3A_973, %add3A_985 : vector<16xf32>
    %div3A_987 = arith.divf %exp3A_975, %add3A_985 : vector<16xf32>
    %div3A_988 = arith.divf %exp3A_977, %add3A_985 : vector<16xf32>
    %div3A_989 = arith.divf %exp3A_979, %add3A_985 : vector<16xf32>
    %div3A_990 = arith.divf %exp3A_981, %add3A_985 : vector<16xf32>
    %broadcast_in_dim3A_991 = arith.constant 0.000000e+00 : f32
    %broadcast_in_dim3A_992 = vector.broadcast %broadcast_in_dim3A_991 : f32 to vector<16xf32>
    %gt3A_993 = arith.cmpf ogt, %div3A_987, %div3A_986 : vector<16xf32>
    %jit3A_994 = arith.constant 1.000000e+00 : f32
    %jit3A_995 = arith.constant 0.000000e+00 : f32
    %broadcast_in_dim3A_996 = vector.broadcast %jit3A_994 : f32 to vector<16xf32>
    %broadcast_in_dim3A_997 = vector.broadcast %jit3A_995 : f32 to vector<16xf32>
    %select_n3A_998 = arith.select %gt3A_993, %broadcast_in_dim3A_996, %broadcast_in_dim3A_997 : vector<16xi1>, vector<16xf32>
    %add3A_999 = arith.addf %broadcast_in_dim3A_992, %select_n3A_998 : vector<16xf32>
    %gt3A_1000 = arith.cmpf ogt, %div3A_988, %div3A_986 : vector<16xf32>
    %jit3A_1001 = arith.constant 1.000000e+00 : f32
    %jit3A_1002 = arith.constant 0.000000e+00 : f32
    %broadcast_in_dim3A_1003 = vector.broadcast %jit3A_1001 : f32 to vector<16xf32>
    %broadcast_in_dim3A_1004 = vector.broadcast %jit3A_1002 : f32 to vector<16xf32>
    %select_n3A_1005 = arith.select %gt3A_1000, %broadcast_in_dim3A_1003, %broadcast_in_dim3A_1004 : vector<16xi1>, vector<16xf32>
    %add3A_1006 = arith.addf %add3A_999, %select_n3A_1005 : vector<16xf32>
    %gt3A_1007 = arith.cmpf ogt, %div3A_989, %div3A_986 : vector<16xf32>
    %jit3A_1008 = arith.constant 1.000000e+00 : f32
    %jit3A_1009 = arith.constant 0.000000e+00 : f32
    %broadcast_in_dim3A_1010 = vector.broadcast %jit3A_1008 : f32 to vector<16xf32>
    %broadcast_in_dim3A_1011 = vector.broadcast %jit3A_1009 : f32 to vector<16xf32>
    %select_n3A_1012 = arith.select %gt3A_1007, %broadcast_in_dim3A_1010, %broadcast_in_dim3A_1011 : vector<16xi1>, vector<16xf32>
    %add3A_1013 = arith.addf %add3A_1006, %select_n3A_1012 : vector<16xf32>
    %gt3A_1014 = arith.cmpf ogt, %div3A_990, %div3A_986 : vector<16xf32>
    %jit3A_1015 = arith.constant 1.000000e+00 : f32
    %jit3A_1016 = arith.constant 0.000000e+00 : f32
    %broadcast_in_dim3A_1017 = vector.broadcast %jit3A_1015 : f32 to vector<16xf32>
    %broadcast_in_dim3A_1018 = vector.broadcast %jit3A_1016 : f32 to vector<16xf32>
    %select_n3A_1019 = arith.select %gt3A_1014, %broadcast_in_dim3A_1017, %broadcast_in_dim3A_1018 : vector<16xi1>, vector<16xf32>
    %add3A_1020 = arith.addf %add3A_1013, %select_n3A_1019 : vector<16xf32>
    %lt3A_1021 = arith.constant 3.000000e+00 : f32
    %lt3A_1022 = vector.broadcast %lt3A_1021 : f32 to vector<16xf32>
    %lt3A_1023 = arith.cmpf olt, %add3A_1020, %lt3A_1022 : vector<16xf32>
    %jit3A_1024 = arith.constant 0.000000e+00 : f32
    %broadcast_in_dim3A_1025 = vector.broadcast %jit3A_1024 : f32 to vector<16xf32>
    %select_n3A_1026 = arith.select %lt3A_1023, %div3A_986, %broadcast_in_dim3A_1025 : vector<16xi1>, vector<16xf32>
    %swap3A_1027 = arith.constant 64 : index
    %swap3A_1028 = tpu.vector_load %arg5[%swap3A_1027] {strides = array<i32>} : memref<640xf32, #tpu.memory_space<vmem>>, vector<16xf32>,
    %swap3A_1029 = vector.shape_cast %swap3A_1028 : vector<16xf32> to vector<16xf32>
    %swap3A_1030 = vector.shape_cast %select_n3A_1026 : vector<16xf32> to vector<16xf32>
    tpu.vector_store %arg5[%swap3A_1027], %swap3A_1030 {strides = array<i32>} : memref<640xf32, #tpu.memory_space<vmem>>, vector<16xf32>,
    %broadcast_in_dim3A_1031 = arith.constant 0.000000e+00 : f32
    %broadcast_in_dim3A_1032 = vector.broadcast %broadcast_in_dim3A_1031 : f32 to vector<16xf32>
    %ge3A_1033 = arith.cmpf oge, %div3A_986, %div3A_987 : vector<16xf32>
    %jit3A_1034 = arith.constant 1.000000e+00 : f32
    %jit3A_1035 = arith.constant 0.000000e+00 : f32
    %broadcast_in_dim3A_1036 = vector.broadcast %jit3A_1034 : f32 to vector<16xf32>
    %broadcast_in_dim3A_1037 = vector.broadcast %jit3A_1035 : f32 to vector<16xf32>
    %select_n3A_1038 = arith.select %ge3A_1033, %broadcast_in_dim3A_1036, %broadcast_in_dim3A_1037 : vector<16xi1>, vector<16xf32>
    %add3A_1039 = arith.addf %broadcast_in_dim3A_1032, %select_n3A_1038 : vector<16xf32>
    %gt3A_1040 = arith.cmpf ogt, %div3A_988, %div3A_987 : vector<16xf32>
    %jit3A_1041 = arith.constant 1.000000e+00 : f32
    %jit3A_1042 = arith.constant 0.000000e+00 : f32
    %broadcast_in_dim3A_1043 = vector.broadcast %jit3A_1041 : f32 to vector<16xf32>
    %broadcast_in_dim3A_1044 = vector.broadcast %jit3A_1042 : f32 to vector<16xf32>
    %select_n3A_1045 = arith.select %gt3A_1040, %broadcast_in_dim3A_1043, %broadcast_in_dim3A_1044 : vector<16xi1>, vector<16xf32>
    %add3A_1046 = arith.addf %add3A_1039, %select_n3A_1045 : vector<16xf32>
    %gt3A_1047 = arith.cmpf ogt, %div3A_989, %div3A_987 : vector<16xf32>
    %jit3A_1048 = arith.constant 1.000000e+00 : f32
    %jit3A_1049 = arith.constant 0.000000e+00 : f32
    %broadcast_in_dim3A_1050 = vector.broadcast %jit3A_1048 : f32 to vector<16xf32>
    %broadcast_in_dim3A_1051 = vector.broadcast %jit3A_1049 : f32 to vector<16xf32>
    %select_n3A_1052 = arith.select %gt3A_1047, %broadcast_in_dim3A_1050, %broadcast_in_dim3A_1051 : vector<16xi1>, vector<16xf32>
    %add3A_1053 = arith.addf %add3A_1046, %select_n3A_1052 : vector<16xf32>
    %gt3A_1054 = arith.cmpf ogt, %div3A_990, %div3A_987 : vector<16xf32>
    %jit3A_1055 = arith.constant 1.000000e+00 : f32
    %jit3A_1056 = arith.constant 0.000000e+00 : f32
    %broadcast_in_dim3A_1057 = vector.broadcast %jit3A_1055 : f32 to vector<16xf32>
    %broadcast_in_dim3A_1058 = vector.broadcast %jit3A_1056 : f32 to vector<16xf32>
    %select_n3A_1059 = arith.select %gt3A_1054, %broadcast_in_dim3A_1057, %broadcast_in_dim3A_1058 : vector<16xi1>, vector<16xf32>
    %add3A_1060 = arith.addf %add3A_1053, %select_n3A_1059 : vector<16xf32>
    %lt3A_1061 = arith.constant 3.000000e+00 : f32
    %lt3A_1062 = vector.broadcast %lt3A_1061 : f32 to vector<16xf32>
    %lt3A_1063 = arith.cmpf olt, %add3A_1060, %lt3A_1062 : vector<16xf32>
    %jit3A_1064 = arith.constant 0.000000e+00 : f32
    %broadcast_in_dim3A_1065 = vector.broadcast %jit3A_1064 : f32 to vector<16xf32>
    %select_n3A_1066 = arith.select %lt3A_1063, %div3A_987, %broadcast_in_dim3A_1065 : vector<16xi1>, vector<16xf32>
    %swap3A_1067 = arith.constant 192 : index
    %swap3A_1068 = tpu.vector_load %arg5[%swap3A_1067] {strides = array<i32>} : memref<640xf32, #tpu.memory_space<vmem>>, vector<16xf32>,
    %swap3A_1069 = vector.shape_cast %swap3A_1068 : vector<16xf32> to vector<16xf32>
    %swap3A_1070 = vector.shape_cast %select_n3A_1066 : vector<16xf32> to vector<16xf32>
    tpu.vector_store %arg5[%swap3A_1067], %swap3A_1070 {strides = array<i32>} : memref<640xf32, #tpu.memory_space<vmem>>, vector<16xf32>,
    %broadcast_in_dim3A_1071 = arith.constant 0.000000e+00 : f32
    %broadcast_in_dim3A_1072 = vector.broadcast %broadcast_in_dim3A_1071 : f32 to vector<16xf32>
    %ge3A_1073 = arith.cmpf oge, %div3A_986, %div3A_988 : vector<16xf32>
    %jit3A_1074 = arith.constant 1.000000e+00 : f32
    %jit3A_1075 = arith.constant 0.000000e+00 : f32
    %broadcast_in_dim3A_1076 = vector.broadcast %jit3A_1074 : f32 to vector<16xf32>
    %broadcast_in_dim3A_1077 = vector.broadcast %jit3A_1075 : f32 to vector<16xf32>
    %select_n3A_1078 = arith.select %ge3A_1073, %broadcast_in_dim3A_1076, %broadcast_in_dim3A_1077 : vector<16xi1>, vector<16xf32>
    %add3A_1079 = arith.addf %broadcast_in_dim3A_1072, %select_n3A_1078 : vector<16xf32>
    %ge3A_1080 = arith.cmpf oge, %div3A_987, %div3A_988 : vector<16xf32>
    %jit3A_1081 = arith.constant 1.000000e+00 : f32
    %jit3A_1082 = arith.constant 0.000000e+00 : f32
    %broadcast_in_dim3A_1083 = vector.broadcast %jit3A_1081 : f32 to vector<16xf32>
    %broadcast_in_dim3A_1084 = vector.broadcast %jit3A_1082 : f32 to vector<16xf32>
    %select_n3A_1085 = arith.select %ge3A_1080, %broadcast_in_dim3A_1083, %broadcast_in_dim3A_1084 : vector<16xi1>, vector<16xf32>
    %add3A_1086 = arith.addf %add3A_1079, %select_n3A_1085 : vector<16xf32>
    %gt3A_1087 = arith.cmpf ogt, %div3A_989, %div3A_988 : vector<16xf32>
    %jit3A_1088 = arith.constant 1.000000e+00 : f32
    %jit3A_1089 = arith.constant 0.000000e+00 : f32
    %broadcast_in_dim3A_1090 = vector.broadcast %jit3A_1088 : f32 to vector<16xf32>
    %broadcast_in_dim3A_1091 = vector.broadcast %jit3A_1089 : f32 to vector<16xf32>
    %select_n3A_1092 = arith.select %gt3A_1087, %broadcast_in_dim3A_1090, %broadcast_in_dim3A_1091 : vector<16xi1>, vector<16xf32>
    %add3A_1093 = arith.addf %add3A_1086, %select_n3A_1092 : vector<16xf32>
    %gt3A_1094 = arith.cmpf ogt, %div3A_990, %div3A_988 : vector<16xf32>
    %jit3A_1095 = arith.constant 1.000000e+00 : f32
    %jit3A_1096 = arith.constant 0.000000e+00 : f32
    %broadcast_in_dim3A_1097 = vector.broadcast %jit3A_1095 : f32 to vector<16xf32>
    %broadcast_in_dim3A_1098 = vector.broadcast %jit3A_1096 : f32 to vector<16xf32>
    %select_n3A_1099 = arith.select %gt3A_1094, %broadcast_in_dim3A_1097, %broadcast_in_dim3A_1098 : vector<16xi1>, vector<16xf32>
    %add3A_1100 = arith.addf %add3A_1093, %select_n3A_1099 : vector<16xf32>
    %lt3A_1101 = arith.constant 3.000000e+00 : f32
    %lt3A_1102 = vector.broadcast %lt3A_1101 : f32 to vector<16xf32>
    %lt3A_1103 = arith.cmpf olt, %add3A_1100, %lt3A_1102 : vector<16xf32>
    %jit3A_1104 = arith.constant 0.000000e+00 : f32
    %broadcast_in_dim3A_1105 = vector.broadcast %jit3A_1104 : f32 to vector<16xf32>
    %select_n3A_1106 = arith.select %lt3A_1103, %div3A_988, %broadcast_in_dim3A_1105 : vector<16xi1>, vector<16xf32>
    %swap3A_1107 = arith.constant 320 : index
    %swap3A_1108 = tpu.vector_load %arg5[%swap3A_1107] {strides = array<i32>} : memref<640xf32, #tpu.memory_space<vmem>>, vector<16xf32>,
    %swap3A_1109 = vector.shape_cast %swap3A_1108 : vector<16xf32> to vector<16xf32>
    %swap3A_1110 = vector.shape_cast %select_n3A_1106 : vector<16xf32> to vector<16xf32>
    tpu.vector_store %arg5[%swap3A_1107], %swap3A_1110 {strides = array<i32>} : memref<640xf32, #tpu.memory_space<vmem>>, vector<16xf32>,
    %broadcast_in_dim3A_1111 = arith.constant 0.000000e+00 : f32
    %broadcast_in_dim3A_1112 = vector.broadcast %broadcast_in_dim3A_1111 : f32 to vector<16xf32>
    %ge3A_1113 = arith.cmpf oge, %div3A_986, %div3A_989 : vector<16xf32>
    %jit3A_1114 = arith.constant 1.000000e+00 : f32
    %jit3A_1115 = arith.constant 0.000000e+00 : f32
    %broadcast_in_dim3A_1116 = vector.broadcast %jit3A_1114 : f32 to vector<16xf32>
    %broadcast_in_dim3A_1117 = vector.broadcast %jit3A_1115 : f32 to vector<16xf32>
    %select_n3A_1118 = arith.select %ge3A_1113, %broadcast_in_dim3A_1116, %broadcast_in_dim3A_1117 : vector<16xi1>, vector<16xf32>
    %add3A_1119 = arith.addf %broadcast_in_dim3A_1112, %select_n3A_1118 : vector<16xf32>
    %ge3A_1120 = arith.cmpf oge, %div3A_987, %div3A_989 : vector<16xf32>
    %jit3A_1121 = arith.constant 1.000000e+00 : f32
    %jit3A_1122 = arith.constant 0.000000e+00 : f32
    %broadcast_in_dim3A_1123 = vector.broadcast %jit3A_1121 : f32 to vector<16xf32>
    %broadcast_in_dim3A_1124 = vector.broadcast %jit3A_1122 : f32 to vector<16xf32>
    %select_n3A_1125 = arith.select %ge3A_1120, %broadcast_in_dim3A_1123, %broadcast_in_dim3A_1124 : vector<16xi1>, vector<16xf32>
    %add3A_1126 = arith.addf %add3A_1119, %select_n3A_1125 : vector<16xf32>
    %ge3A_1127 = arith.cmpf oge, %div3A_988, %div3A_989 : vector<16xf32>
    %jit3A_1128 = arith.constant 1.000000e+00 : f32
    %jit3A_1129 = arith.constant 0.000000e+00 : f32
    %broadcast_in_dim3A_1130 = vector.broadcast %jit3A_1128 : f32 to vector<16xf32>
    %broadcast_in_dim3A_1131 = vector.broadcast %jit3A_1129 : f32 to vector<16xf32>
    %select_n3A_1132 = arith.select %ge3A_1127, %broadcast_in_dim3A_1130, %broadcast_in_dim3A_1131 : vector<16xi1>, vector<16xf32>
    %add3A_1133 = arith.addf %add3A_1126, %select_n3A_1132 : vector<16xf32>
    %gt3A_1134 = arith.cmpf ogt, %div3A_990, %div3A_989 : vector<16xf32>
    %jit3A_1135 = arith.constant 1.000000e+00 : f32
    %jit3A_1136 = arith.constant 0.000000e+00 : f32
    %broadcast_in_dim3A_1137 = vector.broadcast %jit3A_1135 : f32 to vector<16xf32>
    %broadcast_in_dim3A_1138 = vector.broadcast %jit3A_1136 : f32 to vector<16xf32>
    %select_n3A_1139 = arith.select %gt3A_1134, %broadcast_in_dim3A_1137, %broadcast_in_dim3A_1138 : vector<16xi1>, vector<16xf32>
    %add3A_1140 = arith.addf %add3A_1133, %select_n3A_1139 : vector<16xf32>
    %lt3A_1141 = arith.constant 3.000000e+00 : f32
    %lt3A_1142 = vector.broadcast %lt3A_1141 : f32 to vector<16xf32>
    %lt3A_1143 = arith.cmpf olt, %add3A_1140, %lt3A_1142 : vector<16xf32>
    %jit3A_1144 = arith.constant 0.000000e+00 : f32
    %broadcast_in_dim3A_1145 = vector.broadcast %jit3A_1144 : f32 to vector<16xf32>
    %select_n3A_1146 = arith.select %lt3A_1143, %div3A_989, %broadcast_in_dim3A_1145 : vector<16xi1>, vector<16xf32>
    %swap3A_1147 = arith.constant 448 : index
    %swap3A_1148 = tpu.vector_load %arg5[%swap3A_1147] {strides = array<i32>} : memref<640xf32, #tpu.memory_space<vmem>>, vector<16xf32>,
    %swap3A_1149 = vector.shape_cast %swap3A_1148 : vector<16xf32> to vector<16xf32>
    %swap3A_1150 = vector.shape_cast %select_n3A_1146 : vector<16xf32> to vector<16xf32>
    tpu.vector_store %arg5[%swap3A_1147], %swap3A_1150 {strides = array<i32>} : memref<640xf32, #tpu.memory_space<vmem>>, vector<16xf32>,
    %broadcast_in_dim3A_1151 = arith.constant 0.000000e+00 : f32
    %broadcast_in_dim3A_1152 = vector.broadcast %broadcast_in_dim3A_1151 : f32 to vector<16xf32>
    %ge3A_1153 = arith.cmpf oge, %div3A_986, %div3A_990 : vector<16xf32>
    %jit3A_1154 = arith.constant 1.000000e+00 : f32
    %jit3A_1155 = arith.constant 0.000000e+00 : f32
    %broadcast_in_dim3A_1156 = vector.broadcast %jit3A_1154 : f32 to vector<16xf32>
    %broadcast_in_dim3A_1157 = vector.broadcast %jit3A_1155 : f32 to vector<16xf32>
    %select_n3A_1158 = arith.select %ge3A_1153, %broadcast_in_dim3A_1156, %broadcast_in_dim3A_1157 : vector<16xi1>, vector<16xf32>
    %add3A_1159 = arith.addf %broadcast_in_dim3A_1152, %select_n3A_1158 : vector<16xf32>
    %ge3A_1160 = arith.cmpf oge, %div3A_987, %div3A_990 : vector<16xf32>
    %jit3A_1161 = arith.constant 1.000000e+00 : f32
    %jit3A_1162 = arith.constant 0.000000e+00 : f32
    %broadcast_in_dim3A_1163 = vector.broadcast %jit3A_1161 : f32 to vector<16xf32>
    %broadcast_in_dim3A_1164 = vector.broadcast %jit3A_1162 : f32 to vector<16xf32>
    %select_n3A_1165 = arith.select %ge3A_1160, %broadcast_in_dim3A_1163, %broadcast_in_dim3A_1164 : vector<16xi1>, vector<16xf32>
    %add3A_1166 = arith.addf %add3A_1159, %select_n3A_1165 : vector<16xf32>
    %ge3A_1167 = arith.cmpf oge, %div3A_988, %div3A_990 : vector<16xf32>
    %jit3A_1168 = arith.constant 1.000000e+00 : f32
    %jit3A_1169 = arith.constant 0.000000e+00 : f32
    %broadcast_in_dim3A_1170 = vector.broadcast %jit3A_1168 : f32 to vector<16xf32>
    %broadcast_in_dim3A_1171 = vector.broadcast %jit3A_1169 : f32 to vector<16xf32>
    %select_n3A_1172 = arith.select %ge3A_1167, %broadcast_in_dim3A_1170, %broadcast_in_dim3A_1171 : vector<16xi1>, vector<16xf32>
    %add3A_1173 = arith.addf %add3A_1166, %select_n3A_1172 : vector<16xf32>
    %ge3A_1174 = arith.cmpf oge, %div3A_989, %div3A_990 : vector<16xf32>
    %jit3A_1175 = arith.constant 1.000000e+00 : f32
    %jit3A_1176 = arith.constant 0.000000e+00 : f32
    %broadcast_in_dim3A_1177 = vector.broadcast %jit3A_1175 : f32 to vector<16xf32>
    %broadcast_in_dim3A_1178 = vector.broadcast %jit3A_1176 : f32 to vector<16xf32>
    %select_n3A_1179 = arith.select %ge3A_1174, %broadcast_in_dim3A_1177, %broadcast_in_dim3A_1178 : vector<16xi1>, vector<16xf32>
    %add3A_1180 = arith.addf %add3A_1173, %select_n3A_1179 : vector<16xf32>
    %lt3A_1181 = arith.constant 3.000000e+00 : f32
    %lt3A_1182 = vector.broadcast %lt3A_1181 : f32 to vector<16xf32>
    %lt3A_1183 = arith.cmpf olt, %add3A_1180, %lt3A_1182 : vector<16xf32>
    %jit3A_1184 = arith.constant 0.000000e+00 : f32
    %broadcast_in_dim3A_1185 = vector.broadcast %jit3A_1184 : f32 to vector<16xf32>
    %select_n3A_1186 = arith.select %lt3A_1183, %div3A_990, %broadcast_in_dim3A_1185 : vector<16xi1>, vector<16xf32>
    %swap3A_1187 = arith.constant 576 : index
    %swap3A_1188 = tpu.vector_load %arg5[%swap3A_1187] {strides = array<i32>} : memref<640xf32, #tpu.memory_space<vmem>>, vector<16xf32>,
    %swap3A_1189 = vector.shape_cast %swap3A_1188 : vector<16xf32> to vector<16xf32>
    %swap3A_1190 = vector.shape_cast %select_n3A_1186 : vector<16xf32> to vector<16xf32>
    tpu.vector_store %arg5[%swap3A_1187], %swap3A_1190 {strides = array<i32>} : memref<640xf32, #tpu.memory_space<vmem>>, vector<16xf32>,
    %get3A_1191 = arith.constant 80 : index
    %get3A_1192 = tpu.vector_load %arg4[%get3A_1191] {strides = array<i32>} : memref<640xf32, #tpu.memory_space<vmem>>, vector<16xf32>,
    %get3A_1193 = vector.shape_cast %get3A_1192 : vector<16xf32> to vector<16xf32>
    %get3A_1194 = arith.constant 208 : index
    %get3A_1195 = tpu.vector_load %arg4[%get3A_1194] {strides = array<i32>} : memref<640xf32, #tpu.memory_space<vmem>>, vector<16xf32>,
    %get3A_1196 = vector.shape_cast %get3A_1195 : vector<16xf32> to vector<16xf32>
    %get3A_1197 = arith.constant 336 : index
    %get3A_1198 = tpu.vector_load %arg4[%get3A_1197] {strides = array<i32>} : memref<640xf32, #tpu.memory_space<vmem>>, vector<16xf32>,
    %get3A_1199 = vector.shape_cast %get3A_1198 : vector<16xf32> to vector<16xf32>
    %get3A_1200 = arith.constant 464 : index
    %get3A_1201 = tpu.vector_load %arg4[%get3A_1200] {strides = array<i32>} : memref<640xf32, #tpu.memory_space<vmem>>, vector<16xf32>,
    %get3A_1202 = vector.shape_cast %get3A_1201 : vector<16xf32> to vector<16xf32>
    %get3A_1203 = arith.constant 592 : index
    %get3A_1204 = tpu.vector_load %arg4[%get3A_1203] {strides = array<i32>} : memref<640xf32, #tpu.memory_space<vmem>>, vector<16xf32>,
    %get3A_1205 = vector.shape_cast %get3A_1204 : vector<16xf32> to vector<16xf32>
    %max3A_1206 = arith.maximumf %get3A_1193, %get3A_1196 : vector<16xf32>
    %max3A_1207 = arith.maximumf %max3A_1206, %get3A_1199 : vector<16xf32>
    %max3A_1208 = arith.maximumf %max3A_1207, %get3A_1202 : vector<16xf32>
    %max3A_1209 = arith.maximumf %max3A_1208, %get3A_1205 : vector<16xf32>
    %sub3A_1210 = arith.subf %get3A_1193, %max3A_1209 : vector<16xf32>
    %exp3A_1211 = math.exp %sub3A_1210 : vector<16xf32>
    %sub3A_1212 = arith.subf %get3A_1196, %max3A_1209 : vector<16xf32>
    %exp3A_1213 = math.exp %sub3A_1212 : vector<16xf32>
    %sub3A_1214 = arith.subf %get3A_1199, %max3A_1209 : vector<16xf32>
    %exp3A_1215 = math.exp %sub3A_1214 : vector<16xf32>
    %sub3A_1216 = arith.subf %get3A_1202, %max3A_1209 : vector<16xf32>
    %exp3A_1217 = math.exp %sub3A_1216 : vector<16xf32>
    %sub3A_1218 = arith.subf %get3A_1205, %max3A_1209 : vector<16xf32>
    %exp3A_1219 = math.exp %sub3A_1218 : vector<16xf32>
    %add3A_1220 = arith.addf %exp3A_1211, %exp3A_1213 : vector<16xf32>
    %add3A_1221 = arith.addf %add3A_1220, %exp3A_1215 : vector<16xf32>
    %add3A_1222 = arith.addf %add3A_1221, %exp3A_1217 : vector<16xf32>
    %add3A_1223 = arith.addf %add3A_1222, %exp3A_1219 : vector<16xf32>
    %div3A_1224 = arith.divf %exp3A_1211, %add3A_1223 : vector<16xf32>
    %div3A_1225 = arith.divf %exp3A_1213, %add3A_1223 : vector<16xf32>
    %div3A_1226 = arith.divf %exp3A_1215, %add3A_1223 : vector<16xf32>
    %div3A_1227 = arith.divf %exp3A_1217, %add3A_1223 : vector<16xf32>
    %div3A_1228 = arith.divf %exp3A_1219, %add3A_1223 : vector<16xf32>
    %broadcast_in_dim3A_1229 = arith.constant 0.000000e+00 : f32
    %broadcast_in_dim3A_1230 = vector.broadcast %broadcast_in_dim3A_1229 : f32 to vector<16xf32>
    %gt3A_1231 = arith.cmpf ogt, %div3A_1225, %div3A_1224 : vector<16xf32>
    %jit3A_1232 = arith.constant 1.000000e+00 : f32
    %jit3A_1233 = arith.constant 0.000000e+00 : f32
    %broadcast_in_dim3A_1234 = vector.broadcast %jit3A_1232 : f32 to vector<16xf32>
    %broadcast_in_dim3A_1235 = vector.broadcast %jit3A_1233 : f32 to vector<16xf32>
    %select_n3A_1236 = arith.select %gt3A_1231, %broadcast_in_dim3A_1234, %broadcast_in_dim3A_1235 : vector<16xi1>, vector<16xf32>
    %add3A_1237 = arith.addf %broadcast_in_dim3A_1230, %select_n3A_1236 : vector<16xf32>
    %gt3A_1238 = arith.cmpf ogt, %div3A_1226, %div3A_1224 : vector<16xf32>
    %jit3A_1239 = arith.constant 1.000000e+00 : f32
    %jit3A_1240 = arith.constant 0.000000e+00 : f32
    %broadcast_in_dim3A_1241 = vector.broadcast %jit3A_1239 : f32 to vector<16xf32>
    %broadcast_in_dim3A_1242 = vector.broadcast %jit3A_1240 : f32 to vector<16xf32>
    %select_n3A_1243 = arith.select %gt3A_1238, %broadcast_in_dim3A_1241, %broadcast_in_dim3A_1242 : vector<16xi1>, vector<16xf32>
    %add3A_1244 = arith.addf %add3A_1237, %select_n3A_1243 : vector<16xf32>
    %gt3A_1245 = arith.cmpf ogt, %div3A_1227, %div3A_1224 : vector<16xf32>
    %jit3A_1246 = arith.constant 1.000000e+00 : f32
    %jit3A_1247 = arith.constant 0.000000e+00 : f32
    %broadcast_in_dim3A_1248 = vector.broadcast %jit3A_1246 : f32 to vector<16xf32>
    %broadcast_in_dim3A_1249 = vector.broadcast %jit3A_1247 : f32 to vector<16xf32>
    %select_n3A_1250 = arith.select %gt3A_1245, %broadcast_in_dim3A_1248, %broadcast_in_dim3A_1249 : vector<16xi1>, vector<16xf32>
    %add3A_1251 = arith.addf %add3A_1244, %select_n3A_1250 : vector<16xf32>
    %gt3A_1252 = arith.cmpf ogt, %div3A_1228, %div3A_1224 : vector<16xf32>
    %jit3A_1253 = arith.constant 1.000000e+00 : f32
    %jit3A_1254 = arith.constant 0.000000e+00 : f32
    %broadcast_in_dim3A_1255 = vector.broadcast %jit3A_1253 : f32 to vector<16xf32>
    %broadcast_in_dim3A_1256 = vector.broadcast %jit3A_1254 : f32 to vector<16xf32>
    %select_n3A_1257 = arith.select %gt3A_1252, %broadcast_in_dim3A_1255, %broadcast_in_dim3A_1256 : vector<16xi1>, vector<16xf32>
    %add3A_1258 = arith.addf %add3A_1251, %select_n3A_1257 : vector<16xf32>
    %lt3A_1259 = arith.constant 3.000000e+00 : f32
    %lt3A_1260 = vector.broadcast %lt3A_1259 : f32 to vector<16xf32>
    %lt3A_1261 = arith.cmpf olt, %add3A_1258, %lt3A_1260 : vector<16xf32>
    %jit3A_1262 = arith.constant 0.000000e+00 : f32
    %broadcast_in_dim3A_1263 = vector.broadcast %jit3A_1262 : f32 to vector<16xf32>
    %select_n3A_1264 = arith.select %lt3A_1261, %div3A_1224, %broadcast_in_dim3A_1263 : vector<16xi1>, vector<16xf32>
    %swap3A_1265 = arith.constant 80 : index
    %swap3A_1266 = tpu.vector_load %arg5[%swap3A_1265] {strides = array<i32>} : memref<640xf32, #tpu.memory_space<vmem>>, vector<16xf32>,
    %swap3A_1267 = vector.shape_cast %swap3A_1266 : vector<16xf32> to vector<16xf32>
    %swap3A_1268 = vector.shape_cast %select_n3A_1264 : vector<16xf32> to vector<16xf32>
    tpu.vector_store %arg5[%swap3A_1265], %swap3A_1268 {strides = array<i32>} : memref<640xf32, #tpu.memory_space<vmem>>, vector<16xf32>,
    %broadcast_in_dim3A_1269 = arith.constant 0.000000e+00 : f32
    %broadcast_in_dim3A_1270 = vector.broadcast %broadcast_in_dim3A_1269 : f32 to vector<16xf32>
    %ge3A_1271 = arith.cmpf oge, %div3A_1224, %div3A_1225 : vector<16xf32>
    %jit3A_1272 = arith.constant 1.000000e+00 : f32
    %jit3A_1273 = arith.constant 0.000000e+00 : f32
    %broadcast_in_dim3A_1274 = vector.broadcast %jit3A_1272 : f32 to vector<16xf32>
    %broadcast_in_dim3A_1275 = vector.broadcast %jit3A_1273 : f32 to vector<16xf32>
    %select_n3A_1276 = arith.select %ge3A_1271, %broadcast_in_dim3A_1274, %broadcast_in_dim3A_1275 : vector<16xi1>, vector<16xf32>
    %add3A_1277 = arith.addf %broadcast_in_dim3A_1270, %select_n3A_1276 : vector<16xf32>
    %gt3A_1278 = arith.cmpf ogt, %div3A_1226, %div3A_1225 : vector<16xf32>
    %jit3A_1279 = arith.constant 1.000000e+00 : f32
    %jit3A_1280 = arith.constant 0.000000e+00 : f32
    %broadcast_in_dim3A_1281 = vector.broadcast %jit3A_1279 : f32 to vector<16xf32>
    %broadcast_in_dim3A_1282 = vector.broadcast %jit3A_1280 : f32 to vector<16xf32>
    %select_n3A_1283 = arith.select %gt3A_1278, %broadcast_in_dim3A_1281, %broadcast_in_dim3A_1282 : vector<16xi1>, vector<16xf32>
    %add3A_1284 = arith.addf %add3A_1277, %select_n3A_1283 : vector<16xf32>
    %gt3A_1285 = arith.cmpf ogt, %div3A_1227, %div3A_1225 : vector<16xf32>
    %jit3A_1286 = arith.constant 1.000000e+00 : f32
    %jit3A_1287 = arith.constant 0.000000e+00 : f32
    %broadcast_in_dim3A_1288 = vector.broadcast %jit3A_1286 : f32 to vector<16xf32>
    %broadcast_in_dim3A_1289 = vector.broadcast %jit3A_1287 : f32 to vector<16xf32>
    %select_n3A_1290 = arith.select %gt3A_1285, %broadcast_in_dim3A_1288, %broadcast_in_dim3A_1289 : vector<16xi1>, vector<16xf32>
    %add3A_1291 = arith.addf %add3A_1284, %select_n3A_1290 : vector<16xf32>
    %gt3A_1292 = arith.cmpf ogt, %div3A_1228, %div3A_1225 : vector<16xf32>
    %jit3A_1293 = arith.constant 1.000000e+00 : f32
    %jit3A_1294 = arith.constant 0.000000e+00 : f32
    %broadcast_in_dim3A_1295 = vector.broadcast %jit3A_1293 : f32 to vector<16xf32>
    %broadcast_in_dim3A_1296 = vector.broadcast %jit3A_1294 : f32 to vector<16xf32>
    %select_n3A_1297 = arith.select %gt3A_1292, %broadcast_in_dim3A_1295, %broadcast_in_dim3A_1296 : vector<16xi1>, vector<16xf32>
    %add3A_1298 = arith.addf %add3A_1291, %select_n3A_1297 : vector<16xf32>
    %lt3A_1299 = arith.constant 3.000000e+00 : f32
    %lt3A_1300 = vector.broadcast %lt3A_1299 : f32 to vector<16xf32>
    %lt3A_1301 = arith.cmpf olt, %add3A_1298, %lt3A_1300 : vector<16xf32>
    %jit3A_1302 = arith.constant 0.000000e+00 : f32
    %broadcast_in_dim3A_1303 = vector.broadcast %jit3A_1302 : f32 to vector<16xf32>
    %select_n3A_1304 = arith.select %lt3A_1301, %div3A_1225, %broadcast_in_dim3A_1303 : vector<16xi1>, vector<16xf32>
    %swap3A_1305 = arith.constant 208 : index
    %swap3A_1306 = tpu.vector_load %arg5[%swap3A_1305] {strides = array<i32>} : memref<640xf32, #tpu.memory_space<vmem>>, vector<16xf32>,
    %swap3A_1307 = vector.shape_cast %swap3A_1306 : vector<16xf32> to vector<16xf32>
    %swap3A_1308 = vector.shape_cast %select_n3A_1304 : vector<16xf32> to vector<16xf32>
    tpu.vector_store %arg5[%swap3A_1305], %swap3A_1308 {strides = array<i32>} : memref<640xf32, #tpu.memory_space<vmem>>, vector<16xf32>,
    %broadcast_in_dim3A_1309 = arith.constant 0.000000e+00 : f32
    %broadcast_in_dim3A_1310 = vector.broadcast %broadcast_in_dim3A_1309 : f32 to vector<16xf32>
    %ge3A_1311 = arith.cmpf oge, %div3A_1224, %div3A_1226 : vector<16xf32>
    %jit3A_1312 = arith.constant 1.000000e+00 : f32
    %jit3A_1313 = arith.constant 0.000000e+00 : f32
    %broadcast_in_dim3A_1314 = vector.broadcast %jit3A_1312 : f32 to vector<16xf32>
    %broadcast_in_dim3A_1315 = vector.broadcast %jit3A_1313 : f32 to vector<16xf32>
    %select_n3A_1316 = arith.select %ge3A_1311, %broadcast_in_dim3A_1314, %broadcast_in_dim3A_1315 : vector<16xi1>, vector<16xf32>
    %add3A_1317 = arith.addf %broadcast_in_dim3A_1310, %select_n3A_1316 : vector<16xf32>
    %ge3A_1318 = arith.cmpf oge, %div3A_1225, %div3A_1226 : vector<16xf32>
    %jit3A_1319 = arith.constant 1.000000e+00 : f32
    %jit3A_1320 = arith.constant 0.000000e+00 : f32
    %broadcast_in_dim3A_1321 = vector.broadcast %jit3A_1319 : f32 to vector<16xf32>
    %broadcast_in_dim3A_1322 = vector.broadcast %jit3A_1320 : f32 to vector<16xf32>
    %select_n3A_1323 = arith.select %ge3A_1318, %broadcast_in_dim3A_1321, %broadcast_in_dim3A_1322 : vector<16xi1>, vector<16xf32>
    %add3A_1324 = arith.addf %add3A_1317, %select_n3A_1323 : vector<16xf32>
    %gt3A_1325 = arith.cmpf ogt, %div3A_1227, %div3A_1226 : vector<16xf32>
    %jit3A_1326 = arith.constant 1.000000e+00 : f32
    %jit3A_1327 = arith.constant 0.000000e+00 : f32
    %broadcast_in_dim3A_1328 = vector.broadcast %jit3A_1326 : f32 to vector<16xf32>
    %broadcast_in_dim3A_1329 = vector.broadcast %jit3A_1327 : f32 to vector<16xf32>
    %select_n3A_1330 = arith.select %gt3A_1325, %broadcast_in_dim3A_1328, %broadcast_in_dim3A_1329 : vector<16xi1>, vector<16xf32>
    %add3A_1331 = arith.addf %add3A_1324, %select_n3A_1330 : vector<16xf32>
    %gt3A_1332 = arith.cmpf ogt, %div3A_1228, %div3A_1226 : vector<16xf32>
    %jit3A_1333 = arith.constant 1.000000e+00 : f32
    %jit3A_1334 = arith.constant 0.000000e+00 : f32
    %broadcast_in_dim3A_1335 = vector.broadcast %jit3A_1333 : f32 to vector<16xf32>
    %broadcast_in_dim3A_1336 = vector.broadcast %jit3A_1334 : f32 to vector<16xf32>
    %select_n3A_1337 = arith.select %gt3A_1332, %broadcast_in_dim3A_1335, %broadcast_in_dim3A_1336 : vector<16xi1>, vector<16xf32>
    %add3A_1338 = arith.addf %add3A_1331, %select_n3A_1337 : vector<16xf32>
    %lt3A_1339 = arith.constant 3.000000e+00 : f32
    %lt3A_1340 = vector.broadcast %lt3A_1339 : f32 to vector<16xf32>
    %lt3A_1341 = arith.cmpf olt, %add3A_1338, %lt3A_1340 : vector<16xf32>
    %jit3A_1342 = arith.constant 0.000000e+00 : f32
    %broadcast_in_dim3A_1343 = vector.broadcast %jit3A_1342 : f32 to vector<16xf32>
    %select_n3A_1344 = arith.select %lt3A_1341, %div3A_1226, %broadcast_in_dim3A_1343 : vector<16xi1>, vector<16xf32>
    %swap3A_1345 = arith.constant 336 : index
    %swap3A_1346 = tpu.vector_load %arg5[%swap3A_1345] {strides = array<i32>} : memref<640xf32, #tpu.memory_space<vmem>>, vector<16xf32>,
    %swap3A_1347 = vector.shape_cast %swap3A_1346 : vector<16xf32> to vector<16xf32>
    %swap3A_1348 = vector.shape_cast %select_n3A_1344 : vector<16xf32> to vector<16xf32>
    tpu.vector_store %arg5[%swap3A_1345], %swap3A_1348 {strides = array<i32>} : memref<640xf32, #tpu.memory_space<vmem>>, vector<16xf32>,
    %broadcast_in_dim3A_1349 = arith.constant 0.000000e+00 : f32
    %broadcast_in_dim3A_1350 = vector.broadcast %broadcast_in_dim3A_1349 : f32 to vector<16xf32>
    %ge3A_1351 = arith.cmpf oge, %div3A_1224, %div3A_1227 : vector<16xf32>
    %jit3A_1352 = arith.constant 1.000000e+00 : f32
    %jit3A_1353 = arith.constant 0.000000e+00 : f32
    %broadcast_in_dim3A_1354 = vector.broadcast %jit3A_1352 : f32 to vector<16xf32>
    %broadcast_in_dim3A_1355 = vector.broadcast %jit3A_1353 : f32 to vector<16xf32>
    %select_n3A_1356 = arith.select %ge3A_1351, %broadcast_in_dim3A_1354, %broadcast_in_dim3A_1355 : vector<16xi1>, vector<16xf32>
    %add3A_1357 = arith.addf %broadcast_in_dim3A_1350, %select_n3A_1356 : vector<16xf32>
    %ge3A_1358 = arith.cmpf oge, %div3A_1225, %div3A_1227 : vector<16xf32>
    %jit3A_1359 = arith.constant 1.000000e+00 : f32
    %jit3A_1360 = arith.constant 0.000000e+00 : f32
    %broadcast_in_dim3A_1361 = vector.broadcast %jit3A_1359 : f32 to vector<16xf32>
    %broadcast_in_dim3A_1362 = vector.broadcast %jit3A_1360 : f32 to vector<16xf32>
    %select_n3A_1363 = arith.select %ge3A_1358, %broadcast_in_dim3A_1361, %broadcast_in_dim3A_1362 : vector<16xi1>, vector<16xf32>
    %add3A_1364 = arith.addf %add3A_1357, %select_n3A_1363 : vector<16xf32>
    %ge3A_1365 = arith.cmpf oge, %div3A_1226, %div3A_1227 : vector<16xf32>
    %jit3A_1366 = arith.constant 1.000000e+00 : f32
    %jit3A_1367 = arith.constant 0.000000e+00 : f32
    %broadcast_in_dim3A_1368 = vector.broadcast %jit3A_1366 : f32 to vector<16xf32>
    %broadcast_in_dim3A_1369 = vector.broadcast %jit3A_1367 : f32 to vector<16xf32>
    %select_n3A_1370 = arith.select %ge3A_1365, %broadcast_in_dim3A_1368, %broadcast_in_dim3A_1369 : vector<16xi1>, vector<16xf32>
    %add3A_1371 = arith.addf %add3A_1364, %select_n3A_1370 : vector<16xf32>
    %gt3A_1372 = arith.cmpf ogt, %div3A_1228, %div3A_1227 : vector<16xf32>
    %jit3A_1373 = arith.constant 1.000000e+00 : f32
    %jit3A_1374 = arith.constant 0.000000e+00 : f32
    %broadcast_in_dim3A_1375 = vector.broadcast %jit3A_1373 : f32 to vector<16xf32>
    %broadcast_in_dim3A_1376 = vector.broadcast %jit3A_1374 : f32 to vector<16xf32>
    %select_n3A_1377 = arith.select %gt3A_1372, %broadcast_in_dim3A_1375, %broadcast_in_dim3A_1376 : vector<16xi1>, vector<16xf32>
    %add3A_1378 = arith.addf %add3A_1371, %select_n3A_1377 : vector<16xf32>
    %lt3A_1379 = arith.constant 3.000000e+00 : f32
    %lt3A_1380 = vector.broadcast %lt3A_1379 : f32 to vector<16xf32>
    %lt3A_1381 = arith.cmpf olt, %add3A_1378, %lt3A_1380 : vector<16xf32>
    %jit3A_1382 = arith.constant 0.000000e+00 : f32
    %broadcast_in_dim3A_1383 = vector.broadcast %jit3A_1382 : f32 to vector<16xf32>
    %select_n3A_1384 = arith.select %lt3A_1381, %div3A_1227, %broadcast_in_dim3A_1383 : vector<16xi1>, vector<16xf32>
    %swap3A_1385 = arith.constant 464 : index
    %swap3A_1386 = tpu.vector_load %arg5[%swap3A_1385] {strides = array<i32>} : memref<640xf32, #tpu.memory_space<vmem>>, vector<16xf32>,
    %swap3A_1387 = vector.shape_cast %swap3A_1386 : vector<16xf32> to vector<16xf32>
    %swap3A_1388 = vector.shape_cast %select_n3A_1384 : vector<16xf32> to vector<16xf32>
    tpu.vector_store %arg5[%swap3A_1385], %swap3A_1388 {strides = array<i32>} : memref<640xf32, #tpu.memory_space<vmem>>, vector<16xf32>,
    %broadcast_in_dim3A_1389 = arith.constant 0.000000e+00 : f32
    %broadcast_in_dim3A_1390 = vector.broadcast %broadcast_in_dim3A_1389 : f32 to vector<16xf32>
    %ge3A_1391 = arith.cmpf oge, %div3A_1224, %div3A_1228 : vector<16xf32>
    %jit3A_1392 = arith.constant 1.000000e+00 : f32
    %jit3A_1393 = arith.constant 0.000000e+00 : f32
    %broadcast_in_dim3A_1394 = vector.broadcast %jit3A_1392 : f32 to vector<16xf32>
    %broadcast_in_dim3A_1395 = vector.broadcast %jit3A_1393 : f32 to vector<16xf32>
    %select_n3A_1396 = arith.select %ge3A_1391, %broadcast_in_dim3A_1394, %broadcast_in_dim3A_1395 : vector<16xi1>, vector<16xf32>
    %add3A_1397 = arith.addf %broadcast_in_dim3A_1390, %select_n3A_1396 : vector<16xf32>
    %ge3A_1398 = arith.cmpf oge, %div3A_1225, %div3A_1228 : vector<16xf32>
    %jit3A_1399 = arith.constant 1.000000e+00 : f32
    %jit3A_1400 = arith.constant 0.000000e+00 : f32
    %broadcast_in_dim3A_1401 = vector.broadcast %jit3A_1399 : f32 to vector<16xf32>
    %broadcast_in_dim3A_1402 = vector.broadcast %jit3A_1400 : f32 to vector<16xf32>
    %select_n3A_1403 = arith.select %ge3A_1398, %broadcast_in_dim3A_1401, %broadcast_in_dim3A_1402 : vector<16xi1>, vector<16xf32>
    %add3A_1404 = arith.addf %add3A_1397, %select_n3A_1403 : vector<16xf32>
    %ge3A_1405 = arith.cmpf oge, %div3A_1226, %div3A_1228 : vector<16xf32>
    %jit3A_1406 = arith.constant 1.000000e+00 : f32
    %jit3A_1407 = arith.constant 0.000000e+00 : f32
    %broadcast_in_dim3A_1408 = vector.broadcast %jit3A_1406 : f32 to vector<16xf32>
    %broadcast_in_dim3A_1409 = vector.broadcast %jit3A_1407 : f32 to vector<16xf32>
    %select_n3A_1410 = arith.select %ge3A_1405, %broadcast_in_dim3A_1408, %broadcast_in_dim3A_1409 : vector<16xi1>, vector<16xf32>
    %add3A_1411 = arith.addf %add3A_1404, %select_n3A_1410 : vector<16xf32>
    %ge3A_1412 = arith.cmpf oge, %div3A_1227, %div3A_1228 : vector<16xf32>
    %jit3A_1413 = arith.constant 1.000000e+00 : f32
    %jit3A_1414 = arith.constant 0.000000e+00 : f32
    %broadcast_in_dim3A_1415 = vector.broadcast %jit3A_1413 : f32 to vector<16xf32>
    %broadcast_in_dim3A_1416 = vector.broadcast %jit3A_1414 : f32 to vector<16xf32>
    %select_n3A_1417 = arith.select %ge3A_1412, %broadcast_in_dim3A_1415, %broadcast_in_dim3A_1416 : vector<16xi1>, vector<16xf32>
    %add3A_1418 = arith.addf %add3A_1411, %select_n3A_1417 : vector<16xf32>
    %lt3A_1419 = arith.constant 3.000000e+00 : f32
    %lt3A_1420 = vector.broadcast %lt3A_1419 : f32 to vector<16xf32>
    %lt3A_1421 = arith.cmpf olt, %add3A_1418, %lt3A_1420 : vector<16xf32>
    %jit3A_1422 = arith.constant 0.000000e+00 : f32
    %broadcast_in_dim3A_1423 = vector.broadcast %jit3A_1422 : f32 to vector<16xf32>
    %select_n3A_1424 = arith.select %lt3A_1421, %div3A_1228, %broadcast_in_dim3A_1423 : vector<16xi1>, vector<16xf32>
    %swap3A_1425 = arith.constant 592 : index
    %swap3A_1426 = tpu.vector_load %arg5[%swap3A_1425] {strides = array<i32>} : memref<640xf32, #tpu.memory_space<vmem>>, vector<16xf32>,
    %swap3A_1427 = vector.shape_cast %swap3A_1426 : vector<16xf32> to vector<16xf32>
    %swap3A_1428 = vector.shape_cast %select_n3A_1424 : vector<16xf32> to vector<16xf32>
    tpu.vector_store %arg5[%swap3A_1425], %swap3A_1428 {strides = array<i32>} : memref<640xf32, #tpu.memory_space<vmem>>, vector<16xf32>,
    %get3A_1429 = arith.constant 96 : index
    %get3A_1430 = tpu.vector_load %arg4[%get3A_1429] {strides = array<i32>} : memref<640xf32, #tpu.memory_space<vmem>>, vector<16xf32>,
    %get3A_1431 = vector.shape_cast %get3A_1430 : vector<16xf32> to vector<16xf32>
    %get3A_1432 = arith.constant 224 : index
    %get3A_1433 = tpu.vector_load %arg4[%get3A_1432] {strides = array<i32>} : memref<640xf32, #tpu.memory_space<vmem>>, vector<16xf32>,
    %get3A_1434 = vector.shape_cast %get3A_1433 : vector<16xf32> to vector<16xf32>
    %get3A_1435 = arith.constant 352 : index
    %get3A_1436 = tpu.vector_load %arg4[%get3A_1435] {strides = array<i32>} : memref<640xf32, #tpu.memory_space<vmem>>, vector<16xf32>,
    %get3A_1437 = vector.shape_cast %get3A_1436 : vector<16xf32> to vector<16xf32>
    %get3A_1438 = arith.constant 480 : index
    %get3A_1439 = tpu.vector_load %arg4[%get3A_1438] {strides = array<i32>} : memref<640xf32, #tpu.memory_space<vmem>>, vector<16xf32>,
    %get3A_1440 = vector.shape_cast %get3A_1439 : vector<16xf32> to vector<16xf32>
    %get3A_1441 = arith.constant 608 : index
    %get3A_1442 = tpu.vector_load %arg4[%get3A_1441] {strides = array<i32>} : memref<640xf32, #tpu.memory_space<vmem>>, vector<16xf32>,
    %get3A_1443 = vector.shape_cast %get3A_1442 : vector<16xf32> to vector<16xf32>
    %max3A_1444 = arith.maximumf %get3A_1431, %get3A_1434 : vector<16xf32>
    %max3A_1445 = arith.maximumf %max3A_1444, %get3A_1437 : vector<16xf32>
    %max3A_1446 = arith.maximumf %max3A_1445, %get3A_1440 : vector<16xf32>
    %max3A_1447 = arith.maximumf %max3A_1446, %get3A_1443 : vector<16xf32>
    %sub3A_1448 = arith.subf %get3A_1431, %max3A_1447 : vector<16xf32>
    %exp3A_1449 = math.exp %sub3A_1448 : vector<16xf32>
    %sub3A_1450 = arith.subf %get3A_1434, %max3A_1447 : vector<16xf32>
    %exp3A_1451 = math.exp %sub3A_1450 : vector<16xf32>
    %sub3A_1452 = arith.subf %get3A_1437, %max3A_1447 : vector<16xf32>
    %exp3A_1453 = math.exp %sub3A_1452 : vector<16xf32>
    %sub3A_1454 = arith.subf %get3A_1440, %max3A_1447 : vector<16xf32>
    %exp3A_1455 = math.exp %sub3A_1454 : vector<16xf32>
    %sub3A_1456 = arith.subf %get3A_1443, %max3A_1447 : vector<16xf32>
    %exp3A_1457 = math.exp %sub3A_1456 : vector<16xf32>
    %add3A_1458 = arith.addf %exp3A_1449, %exp3A_1451 : vector<16xf32>
    %add3A_1459 = arith.addf %add3A_1458, %exp3A_1453 : vector<16xf32>
    %add3A_1460 = arith.addf %add3A_1459, %exp3A_1455 : vector<16xf32>
    %add3A_1461 = arith.addf %add3A_1460, %exp3A_1457 : vector<16xf32>
    %div3A_1462 = arith.divf %exp3A_1449, %add3A_1461 : vector<16xf32>
    %div3A_1463 = arith.divf %exp3A_1451, %add3A_1461 : vector<16xf32>
    %div3A_1464 = arith.divf %exp3A_1453, %add3A_1461 : vector<16xf32>
    %div3A_1465 = arith.divf %exp3A_1455, %add3A_1461 : vector<16xf32>
    %div3A_1466 = arith.divf %exp3A_1457, %add3A_1461 : vector<16xf32>
    %broadcast_in_dim3A_1467 = arith.constant 0.000000e+00 : f32
    %broadcast_in_dim3A_1468 = vector.broadcast %broadcast_in_dim3A_1467 : f32 to vector<16xf32>
    %gt3A_1469 = arith.cmpf ogt, %div3A_1463, %div3A_1462 : vector<16xf32>
    %jit3A_1470 = arith.constant 1.000000e+00 : f32
    %jit3A_1471 = arith.constant 0.000000e+00 : f32
    %broadcast_in_dim3A_1472 = vector.broadcast %jit3A_1470 : f32 to vector<16xf32>
    %broadcast_in_dim3A_1473 = vector.broadcast %jit3A_1471 : f32 to vector<16xf32>
    %select_n3A_1474 = arith.select %gt3A_1469, %broadcast_in_dim3A_1472, %broadcast_in_dim3A_1473 : vector<16xi1>, vector<16xf32>
    %add3A_1475 = arith.addf %broadcast_in_dim3A_1468, %select_n3A_1474 : vector<16xf32>
    %gt3A_1476 = arith.cmpf ogt, %div3A_1464, %div3A_1462 : vector<16xf32>
    %jit3A_1477 = arith.constant 1.000000e+00 : f32
    %jit3A_1478 = arith.constant 0.000000e+00 : f32
    %broadcast_in_dim3A_1479 = vector.broadcast %jit3A_1477 : f32 to vector<16xf32>
    %broadcast_in_dim3A_1480 = vector.broadcast %jit3A_1478 : f32 to vector<16xf32>
    %select_n3A_1481 = arith.select %gt3A_1476, %broadcast_in_dim3A_1479, %broadcast_in_dim3A_1480 : vector<16xi1>, vector<16xf32>
    %add3A_1482 = arith.addf %add3A_1475, %select_n3A_1481 : vector<16xf32>
    %gt3A_1483 = arith.cmpf ogt, %div3A_1465, %div3A_1462 : vector<16xf32>
    %jit3A_1484 = arith.constant 1.000000e+00 : f32
    %jit3A_1485 = arith.constant 0.000000e+00 : f32
    %broadcast_in_dim3A_1486 = vector.broadcast %jit3A_1484 : f32 to vector<16xf32>
    %broadcast_in_dim3A_1487 = vector.broadcast %jit3A_1485 : f32 to vector<16xf32>
    %select_n3A_1488 = arith.select %gt3A_1483, %broadcast_in_dim3A_1486, %broadcast_in_dim3A_1487 : vector<16xi1>, vector<16xf32>
    %add3A_1489 = arith.addf %add3A_1482, %select_n3A_1488 : vector<16xf32>
    %gt3A_1490 = arith.cmpf ogt, %div3A_1466, %div3A_1462 : vector<16xf32>
    %jit3A_1491 = arith.constant 1.000000e+00 : f32
    %jit3A_1492 = arith.constant 0.000000e+00 : f32
    %broadcast_in_dim3A_1493 = vector.broadcast %jit3A_1491 : f32 to vector<16xf32>
    %broadcast_in_dim3A_1494 = vector.broadcast %jit3A_1492 : f32 to vector<16xf32>
    %select_n3A_1495 = arith.select %gt3A_1490, %broadcast_in_dim3A_1493, %broadcast_in_dim3A_1494 : vector<16xi1>, vector<16xf32>
    %add3A_1496 = arith.addf %add3A_1489, %select_n3A_1495 : vector<16xf32>
    %lt3A_1497 = arith.constant 3.000000e+00 : f32
    %lt3A_1498 = vector.broadcast %lt3A_1497 : f32 to vector<16xf32>
    %lt3A_1499 = arith.cmpf olt, %add3A_1496, %lt3A_1498 : vector<16xf32>
    %jit3A_1500 = arith.constant 0.000000e+00 : f32
    %broadcast_in_dim3A_1501 = vector.broadcast %jit3A_1500 : f32 to vector<16xf32>
    %select_n3A_1502 = arith.select %lt3A_1499, %div3A_1462, %broadcast_in_dim3A_1501 : vector<16xi1>, vector<16xf32>
    %swap3A_1503 = arith.constant 96 : index
    %swap3A_1504 = tpu.vector_load %arg5[%swap3A_1503] {strides = array<i32>} : memref<640xf32, #tpu.memory_space<vmem>>, vector<16xf32>,
    %swap3A_1505 = vector.shape_cast %swap3A_1504 : vector<16xf32> to vector<16xf32>
    %swap3A_1506 = vector.shape_cast %select_n3A_1502 : vector<16xf32> to vector<16xf32>
    tpu.vector_store %arg5[%swap3A_1503], %swap3A_1506 {strides = array<i32>} : memref<640xf32, #tpu.memory_space<vmem>>, vector<16xf32>,
    %broadcast_in_dim3A_1507 = arith.constant 0.000000e+00 : f32
    %broadcast_in_dim3A_1508 = vector.broadcast %broadcast_in_dim3A_1507 : f32 to vector<16xf32>
    %ge3A_1509 = arith.cmpf oge, %div3A_1462, %div3A_1463 : vector<16xf32>
    %jit3A_1510 = arith.constant 1.000000e+00 : f32
    %jit3A_1511 = arith.constant 0.000000e+00 : f32
    %broadcast_in_dim3A_1512 = vector.broadcast %jit3A_1510 : f32 to vector<16xf32>
    %broadcast_in_dim3A_1513 = vector.broadcast %jit3A_1511 : f32 to vector<16xf32>
    %select_n3A_1514 = arith.select %ge3A_1509, %broadcast_in_dim3A_1512, %broadcast_in_dim3A_1513 : vector<16xi1>, vector<16xf32>
    %add3A_1515 = arith.addf %broadcast_in_dim3A_1508, %select_n3A_1514 : vector<16xf32>
    %gt3A_1516 = arith.cmpf ogt, %div3A_1464, %div3A_1463 : vector<16xf32>
    %jit3A_1517 = arith.constant 1.000000e+00 : f32
    %jit3A_1518 = arith.constant 0.000000e+00 : f32
    %broadcast_in_dim3A_1519 = vector.broadcast %jit3A_1517 : f32 to vector<16xf32>
    %broadcast_in_dim3A_1520 = vector.broadcast %jit3A_1518 : f32 to vector<16xf32>
    %select_n3A_1521 = arith.select %gt3A_1516, %broadcast_in_dim3A_1519, %broadcast_in_dim3A_1520 : vector<16xi1>, vector<16xf32>
    %add3A_1522 = arith.addf %add3A_1515, %select_n3A_1521 : vector<16xf32>
    %gt3A_1523 = arith.cmpf ogt, %div3A_1465, %div3A_1463 : vector<16xf32>
    %jit3A_1524 = arith.constant 1.000000e+00 : f32
    %jit3A_1525 = arith.constant 0.000000e+00 : f32
    %broadcast_in_dim3A_1526 = vector.broadcast %jit3A_1524 : f32 to vector<16xf32>
    %broadcast_in_dim3A_1527 = vector.broadcast %jit3A_1525 : f32 to vector<16xf32>
    %select_n3A_1528 = arith.select %gt3A_1523, %broadcast_in_dim3A_1526, %broadcast_in_dim3A_1527 : vector<16xi1>, vector<16xf32>
    %add3A_1529 = arith.addf %add3A_1522, %select_n3A_1528 : vector<16xf32>
    %gt3A_1530 = arith.cmpf ogt, %div3A_1466, %div3A_1463 : vector<16xf32>
    %jit3A_1531 = arith.constant 1.000000e+00 : f32
    %jit3A_1532 = arith.constant 0.000000e+00 : f32
    %broadcast_in_dim3A_1533 = vector.broadcast %jit3A_1531 : f32 to vector<16xf32>
    %broadcast_in_dim3A_1534 = vector.broadcast %jit3A_1532 : f32 to vector<16xf32>
    %select_n3A_1535 = arith.select %gt3A_1530, %broadcast_in_dim3A_1533, %broadcast_in_dim3A_1534 : vector<16xi1>, vector<16xf32>
    %add3A_1536 = arith.addf %add3A_1529, %select_n3A_1535 : vector<16xf32>
    %lt3A_1537 = arith.constant 3.000000e+00 : f32
    %lt3A_1538 = vector.broadcast %lt3A_1537 : f32 to vector<16xf32>
    %lt3A_1539 = arith.cmpf olt, %add3A_1536, %lt3A_1538 : vector<16xf32>
    %jit3A_1540 = arith.constant 0.000000e+00 : f32
    %broadcast_in_dim3A_1541 = vector.broadcast %jit3A_1540 : f32 to vector<16xf32>
    %select_n3A_1542 = arith.select %lt3A_1539, %div3A_1463, %broadcast_in_dim3A_1541 : vector<16xi1>, vector<16xf32>
    %swap3A_1543 = arith.constant 224 : index
    %swap3A_1544 = tpu.vector_load %arg5[%swap3A_1543] {strides = array<i32>} : memref<640xf32, #tpu.memory_space<vmem>>, vector<16xf32>,
    %swap3A_1545 = vector.shape_cast %swap3A_1544 : vector<16xf32> to vector<16xf32>
    %swap3A_1546 = vector.shape_cast %select_n3A_1542 : vector<16xf32> to vector<16xf32>
    tpu.vector_store %arg5[%swap3A_1543], %swap3A_1546 {strides = array<i32>} : memref<640xf32, #tpu.memory_space<vmem>>, vector<16xf32>,
    %broadcast_in_dim3A_1547 = arith.constant 0.000000e+00 : f32
    %broadcast_in_dim3A_1548 = vector.broadcast %broadcast_in_dim3A_1547 : f32 to vector<16xf32>
    %ge3A_1549 = arith.cmpf oge, %div3A_1462, %div3A_1464 : vector<16xf32>
    %jit3A_1550 = arith.constant 1.000000e+00 : f32
    %jit3A_1551 = arith.constant 0.000000e+00 : f32
    %broadcast_in_dim3A_1552 = vector.broadcast %jit3A_1550 : f32 to vector<16xf32>
    %broadcast_in_dim3A_1553 = vector.broadcast %jit3A_1551 : f32 to vector<16xf32>
    %select_n3A_1554 = arith.select %ge3A_1549, %broadcast_in_dim3A_1552, %broadcast_in_dim3A_1553 : vector<16xi1>, vector<16xf32>
    %add3A_1555 = arith.addf %broadcast_in_dim3A_1548, %select_n3A_1554 : vector<16xf32>
    %ge3A_1556 = arith.cmpf oge, %div3A_1463, %div3A_1464 : vector<16xf32>
    %jit3A_1557 = arith.constant 1.000000e+00 : f32
    %jit3A_1558 = arith.constant 0.000000e+00 : f32
    %broadcast_in_dim3A_1559 = vector.broadcast %jit3A_1557 : f32 to vector<16xf32>
    %broadcast_in_dim3A_1560 = vector.broadcast %jit3A_1558 : f32 to vector<16xf32>
    %select_n3A_1561 = arith.select %ge3A_1556, %broadcast_in_dim3A_1559, %broadcast_in_dim3A_1560 : vector<16xi1>, vector<16xf32>
    %add3A_1562 = arith.addf %add3A_1555, %select_n3A_1561 : vector<16xf32>
    %gt3A_1563 = arith.cmpf ogt, %div3A_1465, %div3A_1464 : vector<16xf32>
    %jit3A_1564 = arith.constant 1.000000e+00 : f32
    %jit3A_1565 = arith.constant 0.000000e+00 : f32
    %broadcast_in_dim3A_1566 = vector.broadcast %jit3A_1564 : f32 to vector<16xf32>
    %broadcast_in_dim3A_1567 = vector.broadcast %jit3A_1565 : f32 to vector<16xf32>
    %select_n3A_1568 = arith.select %gt3A_1563, %broadcast_in_dim3A_1566, %broadcast_in_dim3A_1567 : vector<16xi1>, vector<16xf32>
    %add3A_1569 = arith.addf %add3A_1562, %select_n3A_1568 : vector<16xf32>
    %gt3A_1570 = arith.cmpf ogt, %div3A_1466, %div3A_1464 : vector<16xf32>
    %jit3A_1571 = arith.constant 1.000000e+00 : f32
    %jit3A_1572 = arith.constant 0.000000e+00 : f32
    %broadcast_in_dim3A_1573 = vector.broadcast %jit3A_1571 : f32 to vector<16xf32>
    %broadcast_in_dim3A_1574 = vector.broadcast %jit3A_1572 : f32 to vector<16xf32>
    %select_n3A_1575 = arith.select %gt3A_1570, %broadcast_in_dim3A_1573, %broadcast_in_dim3A_1574 : vector<16xi1>, vector<16xf32>
    %add3A_1576 = arith.addf %add3A_1569, %select_n3A_1575 : vector<16xf32>
    %lt3A_1577 = arith.constant 3.000000e+00 : f32
    %lt3A_1578 = vector.broadcast %lt3A_1577 : f32 to vector<16xf32>
    %lt3A_1579 = arith.cmpf olt, %add3A_1576, %lt3A_1578 : vector<16xf32>
    %jit3A_1580 = arith.constant 0.000000e+00 : f32
    %broadcast_in_dim3A_1581 = vector.broadcast %jit3A_1580 : f32 to vector<16xf32>
    %select_n3A_1582 = arith.select %lt3A_1579, %div3A_1464, %broadcast_in_dim3A_1581 : vector<16xi1>, vector<16xf32>
    %swap3A_1583 = arith.constant 352 : index
    %swap3A_1584 = tpu.vector_load %arg5[%swap3A_1583] {strides = array<i32>} : memref<640xf32, #tpu.memory_space<vmem>>, vector<16xf32>,
    %swap3A_1585 = vector.shape_cast %swap3A_1584 : vector<16xf32> to vector<16xf32>
    %swap3A_1586 = vector.shape_cast %select_n3A_1582 : vector<16xf32> to vector<16xf32>
    tpu.vector_store %arg5[%swap3A_1583], %swap3A_1586 {strides = array<i32>} : memref<640xf32, #tpu.memory_space<vmem>>, vector<16xf32>,
    %broadcast_in_dim3A_1587 = arith.constant 0.000000e+00 : f32
    %broadcast_in_dim3A_1588 = vector.broadcast %broadcast_in_dim3A_1587 : f32 to vector<16xf32>
    %ge3A_1589 = arith.cmpf oge, %div3A_1462, %div3A_1465 : vector<16xf32>
    %jit3A_1590 = arith.constant 1.000000e+00 : f32
    %jit3A_1591 = arith.constant 0.000000e+00 : f32
    %broadcast_in_dim3A_1592 = vector.broadcast %jit3A_1590 : f32 to vector<16xf32>
    %broadcast_in_dim3A_1593 = vector.broadcast %jit3A_1591 : f32 to vector<16xf32>
    %select_n3A_1594 = arith.select %ge3A_1589, %broadcast_in_dim3A_1592, %broadcast_in_dim3A_1593 : vector<16xi1>, vector<16xf32>
    %add3A_1595 = arith.addf %broadcast_in_dim3A_1588, %select_n3A_1594 : vector<16xf32>
    %ge3A_1596 = arith.cmpf oge, %div3A_1463, %div3A_1465 : vector<16xf32>
    %jit3A_1597 = arith.constant 1.000000e+00 : f32
    %jit3A_1598 = arith.constant 0.000000e+00 : f32
    %broadcast_in_dim3A_1599 = vector.broadcast %jit3A_1597 : f32 to vector<16xf32>
    %broadcast_in_dim3A_1600 = vector.broadcast %jit3A_1598 : f32 to vector<16xf32>
    %select_n3A_1601 = arith.select %ge3A_1596, %broadcast_in_dim3A_1599, %broadcast_in_dim3A_1600 : vector<16xi1>, vector<16xf32>
    %add3A_1602 = arith.addf %add3A_1595, %select_n3A_1601 : vector<16xf32>
    %ge3A_1603 = arith.cmpf oge, %div3A_1464, %div3A_1465 : vector<16xf32>
    %jit3A_1604 = arith.constant 1.000000e+00 : f32
    %jit3A_1605 = arith.constant 0.000000e+00 : f32
    %broadcast_in_dim3A_1606 = vector.broadcast %jit3A_1604 : f32 to vector<16xf32>
    %broadcast_in_dim3A_1607 = vector.broadcast %jit3A_1605 : f32 to vector<16xf32>
    %select_n3A_1608 = arith.select %ge3A_1603, %broadcast_in_dim3A_1606, %broadcast_in_dim3A_1607 : vector<16xi1>, vector<16xf32>
    %add3A_1609 = arith.addf %add3A_1602, %select_n3A_1608 : vector<16xf32>
    %gt3A_1610 = arith.cmpf ogt, %div3A_1466, %div3A_1465 : vector<16xf32>
    %jit3A_1611 = arith.constant 1.000000e+00 : f32
    %jit3A_1612 = arith.constant 0.000000e+00 : f32
    %broadcast_in_dim3A_1613 = vector.broadcast %jit3A_1611 : f32 to vector<16xf32>
    %broadcast_in_dim3A_1614 = vector.broadcast %jit3A_1612 : f32 to vector<16xf32>
    %select_n3A_1615 = arith.select %gt3A_1610, %broadcast_in_dim3A_1613, %broadcast_in_dim3A_1614 : vector<16xi1>, vector<16xf32>
    %add3A_1616 = arith.addf %add3A_1609, %select_n3A_1615 : vector<16xf32>
    %lt3A_1617 = arith.constant 3.000000e+00 : f32
    %lt3A_1618 = vector.broadcast %lt3A_1617 : f32 to vector<16xf32>
    %lt3A_1619 = arith.cmpf olt, %add3A_1616, %lt3A_1618 : vector<16xf32>
    %jit3A_1620 = arith.constant 0.000000e+00 : f32
    %broadcast_in_dim3A_1621 = vector.broadcast %jit3A_1620 : f32 to vector<16xf32>
    %select_n3A_1622 = arith.select %lt3A_1619, %div3A_1465, %broadcast_in_dim3A_1621 : vector<16xi1>, vector<16xf32>
    %swap3A_1623 = arith.constant 480 : index
    %swap3A_1624 = tpu.vector_load %arg5[%swap3A_1623] {strides = array<i32>} : memref<640xf32, #tpu.memory_space<vmem>>, vector<16xf32>,
    %swap3A_1625 = vector.shape_cast %swap3A_1624 : vector<16xf32> to vector<16xf32>
    %swap3A_1626 = vector.shape_cast %select_n3A_1622 : vector<16xf32> to vector<16xf32>
    tpu.vector_store %arg5[%swap3A_1623], %swap3A_1626 {strides = array<i32>} : memref<640xf32, #tpu.memory_space<vmem>>, vector<16xf32>,
    %broadcast_in_dim3A_1627 = arith.constant 0.000000e+00 : f32
    %broadcast_in_dim3A_1628 = vector.broadcast %broadcast_in_dim3A_1627 : f32 to vector<16xf32>
    %ge3A_1629 = arith.cmpf oge, %div3A_1462, %div3A_1466 : vector<16xf32>
    %jit3A_1630 = arith.constant 1.000000e+00 : f32
    %jit3A_1631 = arith.constant 0.000000e+00 : f32
    %broadcast_in_dim3A_1632 = vector.broadcast %jit3A_1630 : f32 to vector<16xf32>
    %broadcast_in_dim3A_1633 = vector.broadcast %jit3A_1631 : f32 to vector<16xf32>
    %select_n3A_1634 = arith.select %ge3A_1629, %broadcast_in_dim3A_1632, %broadcast_in_dim3A_1633 : vector<16xi1>, vector<16xf32>
    %add3A_1635 = arith.addf %broadcast_in_dim3A_1628, %select_n3A_1634 : vector<16xf32>
    %ge3A_1636 = arith.cmpf oge, %div3A_1463, %div3A_1466 : vector<16xf32>
    %jit3A_1637 = arith.constant 1.000000e+00 : f32
    %jit3A_1638 = arith.constant 0.000000e+00 : f32
    %broadcast_in_dim3A_1639 = vector.broadcast %jit3A_1637 : f32 to vector<16xf32>
    %broadcast_in_dim3A_1640 = vector.broadcast %jit3A_1638 : f32 to vector<16xf32>
    %select_n3A_1641 = arith.select %ge3A_1636, %broadcast_in_dim3A_1639, %broadcast_in_dim3A_1640 : vector<16xi1>, vector<16xf32>
    %add3A_1642 = arith.addf %add3A_1635, %select_n3A_1641 : vector<16xf32>
    %ge3A_1643 = arith.cmpf oge, %div3A_1464, %div3A_1466 : vector<16xf32>
    %jit3A_1644 = arith.constant 1.000000e+00 : f32
    %jit3A_1645 = arith.constant 0.000000e+00 : f32
    %broadcast_in_dim3A_1646 = vector.broadcast %jit3A_1644 : f32 to vector<16xf32>
    %broadcast_in_dim3A_1647 = vector.broadcast %jit3A_1645 : f32 to vector<16xf32>
    %select_n3A_1648 = arith.select %ge3A_1643, %broadcast_in_dim3A_1646, %broadcast_in_dim3A_1647 : vector<16xi1>, vector<16xf32>
    %add3A_1649 = arith.addf %add3A_1642, %select_n3A_1648 : vector<16xf32>
    %ge3A_1650 = arith.cmpf oge, %div3A_1465, %div3A_1466 : vector<16xf32>
    %jit3A_1651 = arith.constant 1.000000e+00 : f32
    %jit3A_1652 = arith.constant 0.000000e+00 : f32
    %broadcast_in_dim3A_1653 = vector.broadcast %jit3A_1651 : f32 to vector<16xf32>
    %broadcast_in_dim3A_1654 = vector.broadcast %jit3A_1652 : f32 to vector<16xf32>
    %select_n3A_1655 = arith.select %ge3A_1650, %broadcast_in_dim3A_1653, %broadcast_in_dim3A_1654 : vector<16xi1>, vector<16xf32>
    %add3A_1656 = arith.addf %add3A_1649, %select_n3A_1655 : vector<16xf32>
    %lt3A_1657 = arith.constant 3.000000e+00 : f32
    %lt3A_1658 = vector.broadcast %lt3A_1657 : f32 to vector<16xf32>
    %lt3A_1659 = arith.cmpf olt, %add3A_1656, %lt3A_1658 : vector<16xf32>
    %jit3A_1660 = arith.constant 0.000000e+00 : f32
    %broadcast_in_dim3A_1661 = vector.broadcast %jit3A_1660 : f32 to vector<16xf32>
    %select_n3A_1662 = arith.select %lt3A_1659, %div3A_1466, %broadcast_in_dim3A_1661 : vector<16xi1>, vector<16xf32>
    %swap3A_1663 = arith.constant 608 : index
    %swap3A_1664 = tpu.vector_load %arg5[%swap3A_1663] {strides = array<i32>} : memref<640xf32, #tpu.memory_space<vmem>>, vector<16xf32>,
    %swap3A_1665 = vector.shape_cast %swap3A_1664 : vector<16xf32> to vector<16xf32>
    %swap3A_1666 = vector.shape_cast %select_n3A_1662 : vector<16xf32> to vector<16xf32>
    tpu.vector_store %arg5[%swap3A_1663], %swap3A_1666 {strides = array<i32>} : memref<640xf32, #tpu.memory_space<vmem>>, vector<16xf32>,
    %get3A_1667 = arith.constant 112 : index
    %get3A_1668 = tpu.vector_load %arg4[%get3A_1667] {strides = array<i32>} : memref<640xf32, #tpu.memory_space<vmem>>, vector<16xf32>,
    %get3A_1669 = vector.shape_cast %get3A_1668 : vector<16xf32> to vector<16xf32>
    %get3A_1670 = arith.constant 240 : index
    %get3A_1671 = tpu.vector_load %arg4[%get3A_1670] {strides = array<i32>} : memref<640xf32, #tpu.memory_space<vmem>>, vector<16xf32>,
    %get3A_1672 = vector.shape_cast %get3A_1671 : vector<16xf32> to vector<16xf32>
    %get3A_1673 = arith.constant 368 : index
    %get3A_1674 = tpu.vector_load %arg4[%get3A_1673] {strides = array<i32>} : memref<640xf32, #tpu.memory_space<vmem>>, vector<16xf32>,
    %get3A_1675 = vector.shape_cast %get3A_1674 : vector<16xf32> to vector<16xf32>
    %get3A_1676 = arith.constant 496 : index
    %get3A_1677 = tpu.vector_load %arg4[%get3A_1676] {strides = array<i32>} : memref<640xf32, #tpu.memory_space<vmem>>, vector<16xf32>,
    %get3A_1678 = vector.shape_cast %get3A_1677 : vector<16xf32> to vector<16xf32>
    %get3A_1679 = arith.constant 624 : index
    %get3A_1680 = tpu.vector_load %arg4[%get3A_1679] {strides = array<i32>} : memref<640xf32, #tpu.memory_space<vmem>>, vector<16xf32>,
    %get3A_1681 = vector.shape_cast %get3A_1680 : vector<16xf32> to vector<16xf32>
    %max3A_1682 = arith.maximumf %get3A_1669, %get3A_1672 : vector<16xf32>
    %max3A_1683 = arith.maximumf %max3A_1682, %get3A_1675 : vector<16xf32>
    %max3A_1684 = arith.maximumf %max3A_1683, %get3A_1678 : vector<16xf32>
    %max3A_1685 = arith.maximumf %max3A_1684, %get3A_1681 : vector<16xf32>
    %sub3A_1686 = arith.subf %get3A_1669, %max3A_1685 : vector<16xf32>
    %exp3A_1687 = math.exp %sub3A_1686 : vector<16xf32>
    %sub3A_1688 = arith.subf %get3A_1672, %max3A_1685 : vector<16xf32>
    %exp3A_1689 = math.exp %sub3A_1688 : vector<16xf32>
    %sub3A_1690 = arith.subf %get3A_1675, %max3A_1685 : vector<16xf32>
    %exp3A_1691 = math.exp %sub3A_1690 : vector<16xf32>
    %sub3A_1692 = arith.subf %get3A_1678, %max3A_1685 : vector<16xf32>
    %exp3A_1693 = math.exp %sub3A_1692 : vector<16xf32>
    %sub3A_1694 = arith.subf %get3A_1681, %max3A_1685 : vector<16xf32>
    %exp3A_1695 = math.exp %sub3A_1694 : vector<16xf32>
    %add3A_1696 = arith.addf %exp3A_1687, %exp3A_1689 : vector<16xf32>
    %add3A_1697 = arith.addf %add3A_1696, %exp3A_1691 : vector<16xf32>
    %add3A_1698 = arith.addf %add3A_1697, %exp3A_1693 : vector<16xf32>
    %add3A_1699 = arith.addf %add3A_1698, %exp3A_1695 : vector<16xf32>
    %div3A_1700 = arith.divf %exp3A_1687, %add3A_1699 : vector<16xf32>
    %div3A_1701 = arith.divf %exp3A_1689, %add3A_1699 : vector<16xf32>
    %div3A_1702 = arith.divf %exp3A_1691, %add3A_1699 : vector<16xf32>
    %div3A_1703 = arith.divf %exp3A_1693, %add3A_1699 : vector<16xf32>
    %div3A_1704 = arith.divf %exp3A_1695, %add3A_1699 : vector<16xf32>
    %broadcast_in_dim3A_1705 = arith.constant 0.000000e+00 : f32
    %broadcast_in_dim3A_1706 = vector.broadcast %broadcast_in_dim3A_1705 : f32 to vector<16xf32>
    %gt3A_1707 = arith.cmpf ogt, %div3A_1701, %div3A_1700 : vector<16xf32>
    %jit3A_1708 = arith.constant 1.000000e+00 : f32
    %jit3A_1709 = arith.constant 0.000000e+00 : f32
    %broadcast_in_dim3A_1710 = vector.broadcast %jit3A_1708 : f32 to vector<16xf32>
    %broadcast_in_dim3A_1711 = vector.broadcast %jit3A_1709 : f32 to vector<16xf32>
    %select_n3A_1712 = arith.select %gt3A_1707, %broadcast_in_dim3A_1710, %broadcast_in_dim3A_1711 : vector<16xi1>, vector<16xf32>
    %add3A_1713 = arith.addf %broadcast_in_dim3A_1706, %select_n3A_1712 : vector<16xf32>
    %gt3A_1714 = arith.cmpf ogt, %div3A_1702, %div3A_1700 : vector<16xf32>
    %jit3A_1715 = arith.constant 1.000000e+00 : f32
    %jit3A_1716 = arith.constant 0.000000e+00 : f32
    %broadcast_in_dim3A_1717 = vector.broadcast %jit3A_1715 : f32 to vector<16xf32>
    %broadcast_in_dim3A_1718 = vector.broadcast %jit3A_1716 : f32 to vector<16xf32>
    %select_n3A_1719 = arith.select %gt3A_1714, %broadcast_in_dim3A_1717, %broadcast_in_dim3A_1718 : vector<16xi1>, vector<16xf32>
    %add3A_1720 = arith.addf %add3A_1713, %select_n3A_1719 : vector<16xf32>
    %gt3A_1721 = arith.cmpf ogt, %div3A_1703, %div3A_1700 : vector<16xf32>
    %jit3A_1722 = arith.constant 1.000000e+00 : f32
    %jit3A_1723 = arith.constant 0.000000e+00 : f32
    %broadcast_in_dim3A_1724 = vector.broadcast %jit3A_1722 : f32 to vector<16xf32>
    %broadcast_in_dim3A_1725 = vector.broadcast %jit3A_1723 : f32 to vector<16xf32>
    %select_n3A_1726 = arith.select %gt3A_1721, %broadcast_in_dim3A_1724, %broadcast_in_dim3A_1725 : vector<16xi1>, vector<16xf32>
    %add3A_1727 = arith.addf %add3A_1720, %select_n3A_1726 : vector<16xf32>
    %gt3A_1728 = arith.cmpf ogt, %div3A_1704, %div3A_1700 : vector<16xf32>
    %jit3A_1729 = arith.constant 1.000000e+00 : f32
    %jit3A_1730 = arith.constant 0.000000e+00 : f32
    %broadcast_in_dim3A_1731 = vector.broadcast %jit3A_1729 : f32 to vector<16xf32>
    %broadcast_in_dim3A_1732 = vector.broadcast %jit3A_1730 : f32 to vector<16xf32>
    %select_n3A_1733 = arith.select %gt3A_1728, %broadcast_in_dim3A_1731, %broadcast_in_dim3A_1732 : vector<16xi1>, vector<16xf32>
    %add3A_1734 = arith.addf %add3A_1727, %select_n3A_1733 : vector<16xf32>
    %lt3A_1735 = arith.constant 3.000000e+00 : f32
    %lt3A_1736 = vector.broadcast %lt3A_1735 : f32 to vector<16xf32>
    %lt3A_1737 = arith.cmpf olt, %add3A_1734, %lt3A_1736 : vector<16xf32>
    %jit3A_1738 = arith.constant 0.000000e+00 : f32
    %broadcast_in_dim3A_1739 = vector.broadcast %jit3A_1738 : f32 to vector<16xf32>
    %select_n3A_1740 = arith.select %lt3A_1737, %div3A_1700, %broadcast_in_dim3A_1739 : vector<16xi1>, vector<16xf32>
    %swap3A_1741 = arith.constant 112 : index
    %swap3A_1742 = tpu.vector_load %arg5[%swap3A_1741] {strides = array<i32>} : memref<640xf32, #tpu.memory_space<vmem>>, vector<16xf32>,
    %swap3A_1743 = vector.shape_cast %swap3A_1742 : vector<16xf32> to vector<16xf32>
    %swap3A_1744 = vector.shape_cast %select_n3A_1740 : vector<16xf32> to vector<16xf32>
    tpu.vector_store %arg5[%swap3A_1741], %swap3A_1744 {strides = array<i32>} : memref<640xf32, #tpu.memory_space<vmem>>, vector<16xf32>,
    %broadcast_in_dim3A_1745 = arith.constant 0.000000e+00 : f32
    %broadcast_in_dim3A_1746 = vector.broadcast %broadcast_in_dim3A_1745 : f32 to vector<16xf32>
    %ge3A_1747 = arith.cmpf oge, %div3A_1700, %div3A_1701 : vector<16xf32>
    %jit3A_1748 = arith.constant 1.000000e+00 : f32
    %jit3A_1749 = arith.constant 0.000000e+00 : f32
    %broadcast_in_dim3A_1750 = vector.broadcast %jit3A_1748 : f32 to vector<16xf32>
    %broadcast_in_dim3A_1751 = vector.broadcast %jit3A_1749 : f32 to vector<16xf32>
    %select_n3A_1752 = arith.select %ge3A_1747, %broadcast_in_dim3A_1750, %broadcast_in_dim3A_1751 : vector<16xi1>, vector<16xf32>
    %add3A_1753 = arith.addf %broadcast_in_dim3A_1746, %select_n3A_1752 : vector<16xf32>
    %gt3A_1754 = arith.cmpf ogt, %div3A_1702, %div3A_1701 : vector<16xf32>
    %jit3A_1755 = arith.constant 1.000000e+00 : f32
    %jit3A_1756 = arith.constant 0.000000e+00 : f32
    %broadcast_in_dim3A_1757 = vector.broadcast %jit3A_1755 : f32 to vector<16xf32>
    %broadcast_in_dim3A_1758 = vector.broadcast %jit3A_1756 : f32 to vector<16xf32>
    %select_n3A_1759 = arith.select %gt3A_1754, %broadcast_in_dim3A_1757, %broadcast_in_dim3A_1758 : vector<16xi1>, vector<16xf32>
    %add3A_1760 = arith.addf %add3A_1753, %select_n3A_1759 : vector<16xf32>
    %gt3A_1761 = arith.cmpf ogt, %div3A_1703, %div3A_1701 : vector<16xf32>
    %jit3A_1762 = arith.constant 1.000000e+00 : f32
    %jit3A_1763 = arith.constant 0.000000e+00 : f32
    %broadcast_in_dim3A_1764 = vector.broadcast %jit3A_1762 : f32 to vector<16xf32>
    %broadcast_in_dim3A_1765 = vector.broadcast %jit3A_1763 : f32 to vector<16xf32>
    %select_n3A_1766 = arith.select %gt3A_1761, %broadcast_in_dim3A_1764, %broadcast_in_dim3A_1765 : vector<16xi1>, vector<16xf32>
    %add3A_1767 = arith.addf %add3A_1760, %select_n3A_1766 : vector<16xf32>
    %gt3A_1768 = arith.cmpf ogt, %div3A_1704, %div3A_1701 : vector<16xf32>
    %jit3A_1769 = arith.constant 1.000000e+00 : f32
    %jit3A_1770 = arith.constant 0.000000e+00 : f32
    %broadcast_in_dim3A_1771 = vector.broadcast %jit3A_1769 : f32 to vector<16xf32>
    %broadcast_in_dim3A_1772 = vector.broadcast %jit3A_1770 : f32 to vector<16xf32>
    %select_n3A_1773 = arith.select %gt3A_1768, %broadcast_in_dim3A_1771, %broadcast_in_dim3A_1772 : vector<16xi1>, vector<16xf32>
    %add3A_1774 = arith.addf %add3A_1767, %select_n3A_1773 : vector<16xf32>
    %lt3A_1775 = arith.constant 3.000000e+00 : f32
    %lt3A_1776 = vector.broadcast %lt3A_1775 : f32 to vector<16xf32>
    %lt3A_1777 = arith.cmpf olt, %add3A_1774, %lt3A_1776 : vector<16xf32>
    %jit3A_1778 = arith.constant 0.000000e+00 : f32
    %broadcast_in_dim3A_1779 = vector.broadcast %jit3A_1778 : f32 to vector<16xf32>
    %select_n3A_1780 = arith.select %lt3A_1777, %div3A_1701, %broadcast_in_dim3A_1779 : vector<16xi1>, vector<16xf32>
    %swap3A_1781 = arith.constant 240 : index
    %swap3A_1782 = tpu.vector_load %arg5[%swap3A_1781] {strides = array<i32>} : memref<640xf32, #tpu.memory_space<vmem>>, vector<16xf32>,
    %swap3A_1783 = vector.shape_cast %swap3A_1782 : vector<16xf32> to vector<16xf32>
    %swap3A_1784 = vector.shape_cast %select_n3A_1780 : vector<16xf32> to vector<16xf32>
    tpu.vector_store %arg5[%swap3A_1781], %swap3A_1784 {strides = array<i32>} : memref<640xf32, #tpu.memory_space<vmem>>, vector<16xf32>,
    %broadcast_in_dim3A_1785 = arith.constant 0.000000e+00 : f32
    %broadcast_in_dim3A_1786 = vector.broadcast %broadcast_in_dim3A_1785 : f32 to vector<16xf32>
    %ge3A_1787 = arith.cmpf oge, %div3A_1700, %div3A_1702 : vector<16xf32>
    %jit3A_1788 = arith.constant 1.000000e+00 : f32
    %jit3A_1789 = arith.constant 0.000000e+00 : f32
    %broadcast_in_dim3A_1790 = vector.broadcast %jit3A_1788 : f32 to vector<16xf32>
    %broadcast_in_dim3A_1791 = vector.broadcast %jit3A_1789 : f32 to vector<16xf32>
    %select_n3A_1792 = arith.select %ge3A_1787, %broadcast_in_dim3A_1790, %broadcast_in_dim3A_1791 : vector<16xi1>, vector<16xf32>
    %add3A_1793 = arith.addf %broadcast_in_dim3A_1786, %select_n3A_1792 : vector<16xf32>
    %ge3A_1794 = arith.cmpf oge, %div3A_1701, %div3A_1702 : vector<16xf32>
    %jit3A_1795 = arith.constant 1.000000e+00 : f32
    %jit3A_1796 = arith.constant 0.000000e+00 : f32
    %broadcast_in_dim3A_1797 = vector.broadcast %jit3A_1795 : f32 to vector<16xf32>
    %broadcast_in_dim3A_1798 = vector.broadcast %jit3A_1796 : f32 to vector<16xf32>
    %select_n3A_1799 = arith.select %ge3A_1794, %broadcast_in_dim3A_1797, %broadcast_in_dim3A_1798 : vector<16xi1>, vector<16xf32>
    %add3A_1800 = arith.addf %add3A_1793, %select_n3A_1799 : vector<16xf32>
    %gt3A_1801 = arith.cmpf ogt, %div3A_1703, %div3A_1702 : vector<16xf32>
    %jit3A_1802 = arith.constant 1.000000e+00 : f32
    %jit3A_1803 = arith.constant 0.000000e+00 : f32
    %broadcast_in_dim3A_1804 = vector.broadcast %jit3A_1802 : f32 to vector<16xf32>
    %broadcast_in_dim3A_1805 = vector.broadcast %jit3A_1803 : f32 to vector<16xf32>
    %select_n3A_1806 = arith.select %gt3A_1801, %broadcast_in_dim3A_1804, %broadcast_in_dim3A_1805 : vector<16xi1>, vector<16xf32>
    %add3A_1807 = arith.addf %add3A_1800, %select_n3A_1806 : vector<16xf32>
    %gt3A_1808 = arith.cmpf ogt, %div3A_1704, %div3A_1702 : vector<16xf32>
    %jit3A_1809 = arith.constant 1.000000e+00 : f32
    %jit3A_1810 = arith.constant 0.000000e+00 : f32
    %broadcast_in_dim3A_1811 = vector.broadcast %jit3A_1809 : f32 to vector<16xf32>
    %broadcast_in_dim3A_1812 = vector.broadcast %jit3A_1810 : f32 to vector<16xf32>
    %select_n3A_1813 = arith.select %gt3A_1808, %broadcast_in_dim3A_1811, %broadcast_in_dim3A_1812 : vector<16xi1>, vector<16xf32>
    %add3A_1814 = arith.addf %add3A_1807, %select_n3A_1813 : vector<16xf32>
    %lt3A_1815 = arith.constant 3.000000e+00 : f32
    %lt3A_1816 = vector.broadcast %lt3A_1815 : f32 to vector<16xf32>
    %lt3A_1817 = arith.cmpf olt, %add3A_1814, %lt3A_1816 : vector<16xf32>
    %jit3A_1818 = arith.constant 0.000000e+00 : f32
    %broadcast_in_dim3A_1819 = vector.broadcast %jit3A_1818 : f32 to vector<16xf32>
    %select_n3A_1820 = arith.select %lt3A_1817, %div3A_1702, %broadcast_in_dim3A_1819 : vector<16xi1>, vector<16xf32>
    %swap3A_1821 = arith.constant 368 : index
    %swap3A_1822 = tpu.vector_load %arg5[%swap3A_1821] {strides = array<i32>} : memref<640xf32, #tpu.memory_space<vmem>>, vector<16xf32>,
    %swap3A_1823 = vector.shape_cast %swap3A_1822 : vector<16xf32> to vector<16xf32>
    %swap3A_1824 = vector.shape_cast %select_n3A_1820 : vector<16xf32> to vector<16xf32>
    tpu.vector_store %arg5[%swap3A_1821], %swap3A_1824 {strides = array<i32>} : memref<640xf32, #tpu.memory_space<vmem>>, vector<16xf32>,
    %broadcast_in_dim3A_1825 = arith.constant 0.000000e+00 : f32
    %broadcast_in_dim3A_1826 = vector.broadcast %broadcast_in_dim3A_1825 : f32 to vector<16xf32>
    %ge3A_1827 = arith.cmpf oge, %div3A_1700, %div3A_1703 : vector<16xf32>
    %jit3A_1828 = arith.constant 1.000000e+00 : f32
    %jit3A_1829 = arith.constant 0.000000e+00 : f32
    %broadcast_in_dim3A_1830 = vector.broadcast %jit3A_1828 : f32 to vector<16xf32>
    %broadcast_in_dim3A_1831 = vector.broadcast %jit3A_1829 : f32 to vector<16xf32>
    %select_n3A_1832 = arith.select %ge3A_1827, %broadcast_in_dim3A_1830, %broadcast_in_dim3A_1831 : vector<16xi1>, vector<16xf32>
    %add3A_1833 = arith.addf %broadcast_in_dim3A_1826, %select_n3A_1832 : vector<16xf32>
    %ge3A_1834 = arith.cmpf oge, %div3A_1701, %div3A_1703 : vector<16xf32>
    %jit3A_1835 = arith.constant 1.000000e+00 : f32
    %jit3A_1836 = arith.constant 0.000000e+00 : f32
    %broadcast_in_dim3A_1837 = vector.broadcast %jit3A_1835 : f32 to vector<16xf32>
    %broadcast_in_dim3A_1838 = vector.broadcast %jit3A_1836 : f32 to vector<16xf32>
    %select_n3A_1839 = arith.select %ge3A_1834, %broadcast_in_dim3A_1837, %broadcast_in_dim3A_1838 : vector<16xi1>, vector<16xf32>
    %add3A_1840 = arith.addf %add3A_1833, %select_n3A_1839 : vector<16xf32>
    %ge3A_1841 = arith.cmpf oge, %div3A_1702, %div3A_1703 : vector<16xf32>
    %jit3A_1842 = arith.constant 1.000000e+00 : f32
    %jit3A_1843 = arith.constant 0.000000e+00 : f32
    %broadcast_in_dim3A_1844 = vector.broadcast %jit3A_1842 : f32 to vector<16xf32>
    %broadcast_in_dim3A_1845 = vector.broadcast %jit3A_1843 : f32 to vector<16xf32>
    %select_n3A_1846 = arith.select %ge3A_1841, %broadcast_in_dim3A_1844, %broadcast_in_dim3A_1845 : vector<16xi1>, vector<16xf32>
    %add3A_1847 = arith.addf %add3A_1840, %select_n3A_1846 : vector<16xf32>
    %gt3A_1848 = arith.cmpf ogt, %div3A_1704, %div3A_1703 : vector<16xf32>
    %jit3A_1849 = arith.constant 1.000000e+00 : f32
    %jit3A_1850 = arith.constant 0.000000e+00 : f32
    %broadcast_in_dim3A_1851 = vector.broadcast %jit3A_1849 : f32 to vector<16xf32>
    %broadcast_in_dim3A_1852 = vector.broadcast %jit3A_1850 : f32 to vector<16xf32>
    %select_n3A_1853 = arith.select %gt3A_1848, %broadcast_in_dim3A_1851, %broadcast_in_dim3A_1852 : vector<16xi1>, vector<16xf32>
    %add3A_1854 = arith.addf %add3A_1847, %select_n3A_1853 : vector<16xf32>
    %lt3A_1855 = arith.constant 3.000000e+00 : f32
    %lt3A_1856 = vector.broadcast %lt3A_1855 : f32 to vector<16xf32>
    %lt3A_1857 = arith.cmpf olt, %add3A_1854, %lt3A_1856 : vector<16xf32>
    %jit3A_1858 = arith.constant 0.000000e+00 : f32
    %broadcast_in_dim3A_1859 = vector.broadcast %jit3A_1858 : f32 to vector<16xf32>
    %select_n3A_1860 = arith.select %lt3A_1857, %div3A_1703, %broadcast_in_dim3A_1859 : vector<16xi1>, vector<16xf32>
    %swap3A_1861 = arith.constant 496 : index
    %swap3A_1862 = tpu.vector_load %arg5[%swap3A_1861] {strides = array<i32>} : memref<640xf32, #tpu.memory_space<vmem>>, vector<16xf32>,
    %swap3A_1863 = vector.shape_cast %swap3A_1862 : vector<16xf32> to vector<16xf32>
    %swap3A_1864 = vector.shape_cast %select_n3A_1860 : vector<16xf32> to vector<16xf32>
    tpu.vector_store %arg5[%swap3A_1861], %swap3A_1864 {strides = array<i32>} : memref<640xf32, #tpu.memory_space<vmem>>, vector<16xf32>,
    %broadcast_in_dim3A_1865 = arith.constant 0.000000e+00 : f32
    %broadcast_in_dim3A_1866 = vector.broadcast %broadcast_in_dim3A_1865 : f32 to vector<16xf32>
    %ge3A_1867 = arith.cmpf oge, %div3A_1700, %div3A_1704 : vector<16xf32>
    %jit3A_1868 = arith.constant 1.000000e+00 : f32
    %jit3A_1869 = arith.constant 0.000000e+00 : f32
    %broadcast_in_dim3A_1870 = vector.broadcast %jit3A_1868 : f32 to vector<16xf32>
    %broadcast_in_dim3A_1871 = vector.broadcast %jit3A_1869 : f32 to vector<16xf32>
    %select_n3A_1872 = arith.select %ge3A_1867, %broadcast_in_dim3A_1870, %broadcast_in_dim3A_1871 : vector<16xi1>, vector<16xf32>
    %add3A_1873 = arith.addf %broadcast_in_dim3A_1866, %select_n3A_1872 : vector<16xf32>
    %ge3A_1874 = arith.cmpf oge, %div3A_1701, %div3A_1704 : vector<16xf32>
    %jit3A_1875 = arith.constant 1.000000e+00 : f32
    %jit3A_1876 = arith.constant 0.000000e+00 : f32
    %broadcast_in_dim3A_1877 = vector.broadcast %jit3A_1875 : f32 to vector<16xf32>
    %broadcast_in_dim3A_1878 = vector.broadcast %jit3A_1876 : f32 to vector<16xf32>
    %select_n3A_1879 = arith.select %ge3A_1874, %broadcast_in_dim3A_1877, %broadcast_in_dim3A_1878 : vector<16xi1>, vector<16xf32>
    %add3A_1880 = arith.addf %add3A_1873, %select_n3A_1879 : vector<16xf32>
    %ge3A_1881 = arith.cmpf oge, %div3A_1702, %div3A_1704 : vector<16xf32>
    %jit3A_1882 = arith.constant 1.000000e+00 : f32
    %jit3A_1883 = arith.constant 0.000000e+00 : f32
    %broadcast_in_dim3A_1884 = vector.broadcast %jit3A_1882 : f32 to vector<16xf32>
    %broadcast_in_dim3A_1885 = vector.broadcast %jit3A_1883 : f32 to vector<16xf32>
    %select_n3A_1886 = arith.select %ge3A_1881, %broadcast_in_dim3A_1884, %broadcast_in_dim3A_1885 : vector<16xi1>, vector<16xf32>
    %add3A_1887 = arith.addf %add3A_1880, %select_n3A_1886 : vector<16xf32>
    %ge3A_1888 = arith.cmpf oge, %div3A_1703, %div3A_1704 : vector<16xf32>
    %jit3A_1889 = arith.constant 1.000000e+00 : f32
    %jit3A_1890 = arith.constant 0.000000e+00 : f32
    %broadcast_in_dim3A_1891 = vector.broadcast %jit3A_1889 : f32 to vector<16xf32>
    %broadcast_in_dim3A_1892 = vector.broadcast %jit3A_1890 : f32 to vector<16xf32>
    %select_n3A_1893 = arith.select %ge3A_1888, %broadcast_in_dim3A_1891, %broadcast_in_dim3A_1892 : vector<16xi1>, vector<16xf32>
    %add3A_1894 = arith.addf %add3A_1887, %select_n3A_1893 : vector<16xf32>
    %lt3A_1895 = arith.constant 3.000000e+00 : f32
    %lt3A_1896 = vector.broadcast %lt3A_1895 : f32 to vector<16xf32>
    %lt3A_1897 = arith.cmpf olt, %add3A_1894, %lt3A_1896 : vector<16xf32>
    %jit3A_1898 = arith.constant 0.000000e+00 : f32
    %broadcast_in_dim3A_1899 = vector.broadcast %jit3A_1898 : f32 to vector<16xf32>
    %select_n3A_1900 = arith.select %lt3A_1897, %div3A_1704, %broadcast_in_dim3A_1899 : vector<16xi1>, vector<16xf32>
    %swap3A_1901 = arith.constant 624 : index
    %swap3A_1902 = tpu.vector_load %arg5[%swap3A_1901] {strides = array<i32>} : memref<640xf32, #tpu.memory_space<vmem>>, vector<16xf32>,
    %swap3A_1903 = vector.shape_cast %swap3A_1902 : vector<16xf32> to vector<16xf32>
    %swap3A_1904 = vector.shape_cast %select_n3A_1900 : vector<16xf32> to vector<16xf32>
    tpu.vector_store %arg5[%swap3A_1901], %swap3A_1904 {strides = array<i32>} : memref<640xf32, #tpu.memory_space<vmem>>, vector<16xf32>,
    %add3A_1905 = arith.constant 0 : i32
    %add3A_1906 = arith.addi %add3A_1905, %mul3A_2 : i32
    "tpu.region"() ({
      %run_scoped3A = tpu.sem_alloc : memref<!tpu.dma_semaphore, #tpu.memory_space<semaphore_mem>>
      %dma_start3A = arith.constant 0 : i32
      %dma_start3A_1915 = tpu.memref_slice %arg5[%dma_start3A] : memref<640xf32, #tpu.memory_space<vmem>> -> memref<128xf32, #tpu.memory_space<vmem>>
      %dma_start3A_1916 = tpu.memref_slice %arg3[%add3A_1906] : memref<20480xf32, #tpu.memory_space<hbm>> -> memref<128xf32, #tpu.memory_space<hbm>>
      %dma_start3A_1917 = tpu.memref_slice %arg3[%add3A_1906] : memref<20480xf32, #tpu.memory_space<hbm>> -> memref<128xf32, #tpu.memory_space<hbm>>
      %dma_start3A_1918 = arith.constant 0 : i32
      %dma_start3A_1919 = tpu.memref_slice %arg5[%dma_start3A_1918] : memref<640xf32, #tpu.memory_space<vmem>> -> memref<128xf32, #tpu.memory_space<vmem>>
      tpu.enqueue_dma source(%dma_start3A_1919 : memref<128xf32, #tpu.memory_space<vmem>>) target(%dma_start3A_1917 : memref<128xf32, #tpu.memory_space<hbm>>) target_semaphore(%run_scoped3A : memref<!tpu.dma_semaphore, #tpu.memory_space<semaphore_mem>>)
      %dma_wait3A = arith.constant 0 : i32
      %dma_wait3A_1920 = tpu.memref_slice %arg5[%dma_wait3A] : memref<640xf32, #tpu.memory_space<vmem>> -> memref<128xf32, #tpu.memory_space<vmem>>
      %dma_wait3A_1921 = tpu.memref_slice %arg3[%add3A_1906] : memref<20480xf32, #tpu.memory_space<hbm>> -> memref<128xf32, #tpu.memory_space<hbm>>
      %dma_wait3A_1922 = tpu.memref_slice %arg3[%add3A_1906] : memref<20480xf32, #tpu.memory_space<hbm>> -> memref<128xf32, #tpu.memory_space<hbm>>
      %dma_wait3A_1923 = arith.constant 0 : i32
      %dma_wait3A_1924 = tpu.memref_slice %arg5[%dma_wait3A_1923] : memref<640xf32, #tpu.memory_space<vmem>> -> memref<128xf32, #tpu.memory_space<vmem>>
      tpu.wait_dma2 semaphore(%run_scoped3A : memref<!tpu.dma_semaphore, #tpu.memory_space<semaphore_mem>>) src(%dma_wait3A_1924 : memref<128xf32, #tpu.memory_space<vmem>>) dst(%dma_wait3A_1922 : memref<128xf32, #tpu.memory_space<hbm>>)
      tpu.yield
    }) : () -> ()
    %add3A_1907 = arith.constant 4096 : i32
    %add3A_1908 = arith.addi %add3A_1907, %mul3A_2 : i32
    "tpu.region"() ({
      %run_scoped3A = tpu.sem_alloc : memref<!tpu.dma_semaphore, #tpu.memory_space<semaphore_mem>>
      %dma_start3A = arith.constant 128 : i32
      %dma_start3A_1915 = tpu.memref_slice %arg5[%dma_start3A] : memref<640xf32, #tpu.memory_space<vmem>> -> memref<128xf32, #tpu.memory_space<vmem>>
      %dma_start3A_1916 = tpu.memref_slice %arg3[%add3A_1908] : memref<20480xf32, #tpu.memory_space<hbm>> -> memref<128xf32, #tpu.memory_space<hbm>>
      %dma_start3A_1917 = tpu.memref_slice %arg3[%add3A_1908] : memref<20480xf32, #tpu.memory_space<hbm>> -> memref<128xf32, #tpu.memory_space<hbm>>
      %dma_start3A_1918 = arith.constant 128 : i32
      %dma_start3A_1919 = tpu.memref_slice %arg5[%dma_start3A_1918] : memref<640xf32, #tpu.memory_space<vmem>> -> memref<128xf32, #tpu.memory_space<vmem>>
      tpu.enqueue_dma source(%dma_start3A_1919 : memref<128xf32, #tpu.memory_space<vmem>>) target(%dma_start3A_1917 : memref<128xf32, #tpu.memory_space<hbm>>) target_semaphore(%run_scoped3A : memref<!tpu.dma_semaphore, #tpu.memory_space<semaphore_mem>>)
      %dma_wait3A = arith.constant 128 : i32
      %dma_wait3A_1920 = tpu.memref_slice %arg5[%dma_wait3A] : memref<640xf32, #tpu.memory_space<vmem>> -> memref<128xf32, #tpu.memory_space<vmem>>
      %dma_wait3A_1921 = tpu.memref_slice %arg3[%add3A_1908] : memref<20480xf32, #tpu.memory_space<hbm>> -> memref<128xf32, #tpu.memory_space<hbm>>
      %dma_wait3A_1922 = tpu.memref_slice %arg3[%add3A_1908] : memref<20480xf32, #tpu.memory_space<hbm>> -> memref<128xf32, #tpu.memory_space<hbm>>
      %dma_wait3A_1923 = arith.constant 128 : i32
      %dma_wait3A_1924 = tpu.memref_slice %arg5[%dma_wait3A_1923] : memref<640xf32, #tpu.memory_space<vmem>> -> memref<128xf32, #tpu.memory_space<vmem>>
      tpu.wait_dma2 semaphore(%run_scoped3A : memref<!tpu.dma_semaphore, #tpu.memory_space<semaphore_mem>>) src(%dma_wait3A_1924 : memref<128xf32, #tpu.memory_space<vmem>>) dst(%dma_wait3A_1922 : memref<128xf32, #tpu.memory_space<hbm>>)
      tpu.yield
    }) : () -> ()
    %add3A_1909 = arith.constant 8192 : i32
    %add3A_1910 = arith.addi %add3A_1909, %mul3A_2 : i32
    "tpu.region"() ({
      %run_scoped3A = tpu.sem_alloc : memref<!tpu.dma_semaphore, #tpu.memory_space<semaphore_mem>>
      %dma_start3A = arith.constant 256 : i32
      %dma_start3A_1915 = tpu.memref_slice %arg5[%dma_start3A] : memref<640xf32, #tpu.memory_space<vmem>> -> memref<128xf32, #tpu.memory_space<vmem>>
      %dma_start3A_1916 = tpu.memref_slice %arg3[%add3A_1910] : memref<20480xf32, #tpu.memory_space<hbm>> -> memref<128xf32, #tpu.memory_space<hbm>>
      %dma_start3A_1917 = tpu.memref_slice %arg3[%add3A_1910] : memref<20480xf32, #tpu.memory_space<hbm>> -> memref<128xf32, #tpu.memory_space<hbm>>
      %dma_start3A_1918 = arith.constant 256 : i32
      %dma_start3A_1919 = tpu.memref_slice %arg5[%dma_start3A_1918] : memref<640xf32, #tpu.memory_space<vmem>> -> memref<128xf32, #tpu.memory_space<vmem>>
      tpu.enqueue_dma source(%dma_start3A_1919 : memref<128xf32, #tpu.memory_space<vmem>>) target(%dma_start3A_1917 : memref<128xf32, #tpu.memory_space<hbm>>) target_semaphore(%run_scoped3A : memref<!tpu.dma_semaphore, #tpu.memory_space<semaphore_mem>>)
      %dma_wait3A = arith.constant 256 : i32
      %dma_wait3A_1920 = tpu.memref_slice %arg5[%dma_wait3A] : memref<640xf32, #tpu.memory_space<vmem>> -> memref<128xf32, #tpu.memory_space<vmem>>
      %dma_wait3A_1921 = tpu.memref_slice %arg3[%add3A_1910] : memref<20480xf32, #tpu.memory_space<hbm>> -> memref<128xf32, #tpu.memory_space<hbm>>
      %dma_wait3A_1922 = tpu.memref_slice %arg3[%add3A_1910] : memref<20480xf32, #tpu.memory_space<hbm>> -> memref<128xf32, #tpu.memory_space<hbm>>
      %dma_wait3A_1923 = arith.constant 256 : i32
      %dma_wait3A_1924 = tpu.memref_slice %arg5[%dma_wait3A_1923] : memref<640xf32, #tpu.memory_space<vmem>> -> memref<128xf32, #tpu.memory_space<vmem>>
      tpu.wait_dma2 semaphore(%run_scoped3A : memref<!tpu.dma_semaphore, #tpu.memory_space<semaphore_mem>>) src(%dma_wait3A_1924 : memref<128xf32, #tpu.memory_space<vmem>>) dst(%dma_wait3A_1922 : memref<128xf32, #tpu.memory_space<hbm>>)
      tpu.yield
    }) : () -> ()
    %add3A_1911 = arith.constant 12288 : i32
    %add3A_1912 = arith.addi %add3A_1911, %mul3A_2 : i32
    "tpu.region"() ({
      %run_scoped3A = tpu.sem_alloc : memref<!tpu.dma_semaphore, #tpu.memory_space<semaphore_mem>>
      %dma_start3A = arith.constant 384 : i32
      %dma_start3A_1915 = tpu.memref_slice %arg5[%dma_start3A] : memref<640xf32, #tpu.memory_space<vmem>> -> memref<128xf32, #tpu.memory_space<vmem>>
      %dma_start3A_1916 = tpu.memref_slice %arg3[%add3A_1912] : memref<20480xf32, #tpu.memory_space<hbm>> -> memref<128xf32, #tpu.memory_space<hbm>>
      %dma_start3A_1917 = tpu.memref_slice %arg3[%add3A_1912] : memref<20480xf32, #tpu.memory_space<hbm>> -> memref<128xf32, #tpu.memory_space<hbm>>
      %dma_start3A_1918 = arith.constant 384 : i32
      %dma_start3A_1919 = tpu.memref_slice %arg5[%dma_start3A_1918] : memref<640xf32, #tpu.memory_space<vmem>> -> memref<128xf32, #tpu.memory_space<vmem>>
      tpu.enqueue_dma source(%dma_start3A_1919 : memref<128xf32, #tpu.memory_space<vmem>>) target(%dma_start3A_1917 : memref<128xf32, #tpu.memory_space<hbm>>) target_semaphore(%run_scoped3A : memref<!tpu.dma_semaphore, #tpu.memory_space<semaphore_mem>>)
      %dma_wait3A = arith.constant 384 : i32
      %dma_wait3A_1920 = tpu.memref_slice %arg5[%dma_wait3A] : memref<640xf32, #tpu.memory_space<vmem>> -> memref<128xf32, #tpu.memory_space<vmem>>
      %dma_wait3A_1921 = tpu.memref_slice %arg3[%add3A_1912] : memref<20480xf32, #tpu.memory_space<hbm>> -> memref<128xf32, #tpu.memory_space<hbm>>
      %dma_wait3A_1922 = tpu.memref_slice %arg3[%add3A_1912] : memref<20480xf32, #tpu.memory_space<hbm>> -> memref<128xf32, #tpu.memory_space<hbm>>
      %dma_wait3A_1923 = arith.constant 384 : i32
      %dma_wait3A_1924 = tpu.memref_slice %arg5[%dma_wait3A_1923] : memref<640xf32, #tpu.memory_space<vmem>> -> memref<128xf32, #tpu.memory_space<vmem>>
      tpu.wait_dma2 semaphore(%run_scoped3A : memref<!tpu.dma_semaphore, #tpu.memory_space<semaphore_mem>>) src(%dma_wait3A_1924 : memref<128xf32, #tpu.memory_space<vmem>>) dst(%dma_wait3A_1922 : memref<128xf32, #tpu.memory_space<hbm>>)
      tpu.yield
    }) : () -> ()
    %add3A_1913 = arith.constant 16384 : i32
    %add3A_1914 = arith.addi %add3A_1913, %mul3A_2 : i32
    "tpu.region"() ({
      %run_scoped3A = tpu.sem_alloc : memref<!tpu.dma_semaphore, #tpu.memory_space<semaphore_mem>>
      %dma_start3A = arith.constant 512 : i32
      %dma_start3A_1915 = tpu.memref_slice %arg5[%dma_start3A] : memref<640xf32, #tpu.memory_space<vmem>> -> memref<128xf32, #tpu.memory_space<vmem>>
      %dma_start3A_1916 = tpu.memref_slice %arg3[%add3A_1914] : memref<20480xf32, #tpu.memory_space<hbm>> -> memref<128xf32, #tpu.memory_space<hbm>>
      %dma_start3A_1917 = tpu.memref_slice %arg3[%add3A_1914] : memref<20480xf32, #tpu.memory_space<hbm>> -> memref<128xf32, #tpu.memory_space<hbm>>
      %dma_start3A_1918 = arith.constant 512 : i32
      %dma_start3A_1919 = tpu.memref_slice %arg5[%dma_start3A_1918] : memref<640xf32, #tpu.memory_space<vmem>> -> memref<128xf32, #tpu.memory_space<vmem>>
      tpu.enqueue_dma source(%dma_start3A_1919 : memref<128xf32, #tpu.memory_space<vmem>>) target(%dma_start3A_1917 : memref<128xf32, #tpu.memory_space<hbm>>) target_semaphore(%run_scoped3A : memref<!tpu.dma_semaphore, #tpu.memory_space<semaphore_mem>>)
      %dma_wait3A = arith.constant 512 : i32
      %dma_wait3A_1920 = tpu.memref_slice %arg5[%dma_wait3A] : memref<640xf32, #tpu.memory_space<vmem>> -> memref<128xf32, #tpu.memory_space<vmem>>
      %dma_wait3A_1921 = tpu.memref_slice %arg3[%add3A_1914] : memref<20480xf32, #tpu.memory_space<hbm>> -> memref<128xf32, #tpu.memory_space<hbm>>
      %dma_wait3A_1922 = tpu.memref_slice %arg3[%add3A_1914] : memref<20480xf32, #tpu.memory_space<hbm>> -> memref<128xf32, #tpu.memory_space<hbm>>
      %dma_wait3A_1923 = arith.constant 512 : i32
      %dma_wait3A_1924 = tpu.memref_slice %arg5[%dma_wait3A_1923] : memref<640xf32, #tpu.memory_space<vmem>> -> memref<128xf32, #tpu.memory_space<vmem>>
      tpu.wait_dma2 semaphore(%run_scoped3A : memref<!tpu.dma_semaphore, #tpu.memory_space<semaphore_mem>>) src(%dma_wait3A_1924 : memref<128xf32, #tpu.memory_space<vmem>>) dst(%dma_wait3A_1922 : memref<128xf32, #tpu.memory_space<hbm>>)
      tpu.yield
    }) : () -> ()
    return
  }
}

module attributes {stable_mosaic.version = 14 : i64} {
  func.func @_gating_logits_kernel(%arg0: i32, %arg1: memref<512x2048xf32, #tpu.memory_space<vmem>>, %arg2: memref<2048x5xf32, #tpu.memory_space<vmem>>, %arg3: memref<1x5xf32, #tpu.memory_space<vmem>>, %arg4: memref<5x512xf32, #tpu.memory_space<vmem>>) attributes {dimension_semantics = [#tpu.dimension_semantics<arbitrary>], iteration_bounds = array<i64: 8>, scalar_prefetch = 0 : i64, scratch_operands = 0 : i64, tpu.core_type = #tpu.core_type<tc>, window_params = [{transform_indices = @transform_0, window_bounds = array<i64: 512, 2048>}, {pipeline_mode = #tpu.pipeline_mode<synchronous>, transform_indices = @transform_1, window_bounds = array<i64: 2048, 5>}, {pipeline_mode = #tpu.pipeline_mode<synchronous>, transform_indices = @transform_2, window_bounds = array<i64: 1, 5>}, {transform_indices = @transform_3, window_bounds = array<i64: 5, 512>}]} {
    %get3A = arith.constant 0 : index
    %get3A_0 = arith.constant 0 : index
    %get3A_1 = vector.load %arg1[%get3A, %get3A_0] : memref<512x2048xf32, #tpu.memory_space<vmem>>, vector<512x2048xf32>
    %get3A_2 = arith.constant 0 : index
    %get3A_3 = arith.constant 0 : index
    %get3A_4 = vector.load %arg2[%get3A_2, %get3A_3] : memref<2048x5xf32, #tpu.memory_space<vmem>>, vector<2048x5xf32>
    %dot_general3A = arith.constant dense<0.000000e+00> : vector<512x5xf32>
    %dot_general3A_5 = tpu.matmul %get3A_1, %get3A_4, %dot_general3A {dimension_numbers = #tpu.dot_dimension_numbers<[1], [0], [0], [1], [0, 0, 1, 1], [], []>, transpose_lhs_hint = false} : vector<512x2048xf32>, vector<2048x5xf32>, vector<512x5xf32> -> vector<512x5xf32>
    %get3A_6 = arith.constant 0 : index
    %get3A_7 = arith.constant 0 : index
    %get3A_8 = vector.load %arg3[%get3A_6, %get3A_7] : memref<1x5xf32, #tpu.memory_space<vmem>>, vector<1x5xf32>
    %add3A = vector.broadcast %get3A_8 : vector<1x5xf32> to vector<512x5xf32>
    %add3A_9 = arith.addf %dot_general3A_5, %add3A : vector<512x5xf32>
    %transpose3A = tpu.transpose %add3A_9, [1, 0] : vector<512x5xf32> -> vector<5x512xf32>
    %swap3A = arith.constant 0 : index
    %swap3A_10 = arith.constant 0 : index
    %swap3A_11 = vector.load %arg4[%swap3A, %swap3A_10] : memref<5x512xf32, #tpu.memory_space<vmem>>, vector<5x512xf32>
    tpu.vector_store %arg4[%swap3A, %swap3A_10], %transpose3A {strides = array<i32>} : memref<5x512xf32, #tpu.memory_space<vmem>>, vector<5x512xf32>,
    return
  }
  func.func @transform_0(%arg0: i32) -> (i32, i32) {
    %c0_i32 = arith.constant 0 : i32
    %c0_i32_0 = arith.constant 0 : i32
    return %arg0, %c0_i32 : i32, i32
  }
  func.func @transform_1(%arg0: i32) -> (i32, i32) {
    %c0_i32 = arith.constant 0 : i32
    %c0_i32_0 = arith.constant 0 : i32
    %c0_i32_1 = arith.constant 0 : i32
    return %c0_i32, %c0_i32_0 : i32, i32
  }
  func.func @transform_2(%arg0: i32) -> (i32, i32) {
    %c0_i32 = arith.constant 0 : i32
    %c0_i32_0 = arith.constant 0 : i32
    %c0_i32_1 = arith.constant 0 : i32
    return %c0_i32, %c0_i32_0 : i32, i32
  }
  func.func @transform_3(%arg0: i32) -> (i32, i32) {
    %c0_i32 = arith.constant 0 : i32
    %c0_i32_0 = arith.constant 0 : i32
    return %c0_i32, %arg0 : i32, i32
  }
}

module attributes {stable_mosaic.version = 14 : i64} {
  func.func @_combine_kernel(%arg0: i32, %arg1: i32, %arg2: memref<512x5xf32, #tpu.memory_space<vmem>>, %arg3: memref<512x2048xf32, #tpu.memory_space<vmem>>, %arg4: memref<5x2048x512xf32, #tpu.memory_space<vmem>>, %arg5: memref<5x512xf32, #tpu.memory_space<vmem>>, %arg6: memref<512x512xf32, #tpu.memory_space<vmem>>) attributes {dimension_semantics = [#tpu.dimension_semantics<arbitrary>, #tpu.dimension_semantics<arbitrary>], iteration_bounds = array<i64: 4, 8>, scalar_prefetch = 0 : i64, scratch_operands = 0 : i64, tpu.core_type = #tpu.core_type<tc>, window_params = [{transform_indices = @transform_0, window_bounds = array<i64: 512, 5>}, {transform_indices = @transform_1, window_bounds = array<i64: 512, 2048>}, {transform_indices = @transform_2, window_bounds = array<i64: 5, 2048, 512>}, {transform_indices = @transform_3, window_bounds = array<i64: 5, 512>}, {transform_indices = @transform_4, window_bounds = array<i64: 512, 512>}]} {
    %get3A = arith.constant 0 : index
    %get3A_0 = arith.constant 0 : index
    %get3A_1 = vector.load %arg3[%get3A, %get3A_0] : memref<512x2048xf32, #tpu.memory_space<vmem>>, vector<512x2048xf32>
    %get3A_2 = arith.constant 0 : index
    %get3A_3 = arith.constant 0 : index
    %get3A_4 = vector.load %arg2[%get3A_2, %get3A_3] : memref<512x5xf32, #tpu.memory_space<vmem>>, vector<512x5xf32>
    %broadcast_in_dim3A = arith.constant 0.000000e+00 : f32
    %broadcast_in_dim3A_5 = vector.broadcast %broadcast_in_dim3A : f32 to vector<512x512xf32>
    %get3A_6 = arith.constant 0 : index
    %get3A_7 = arith.constant 0 : index
    %get3A_8 = arith.constant 0 : index
    %get3A_9 = vector.load %arg4[%get3A_6, %get3A_7, %get3A_8] : memref<5x2048x512xf32, #tpu.memory_space<vmem>>, vector<1x2048x512xf32>
    %get3A_10 = vector.shape_cast %get3A_9 : vector<1x2048x512xf32> to vector<2048x512xf32>
    %dot_general3A = arith.constant dense<0.000000e+00> : vector<512x512xf32>
    %dot_general3A_11 = tpu.matmul %get3A_1, %get3A_10, %dot_general3A {dimension_numbers = #tpu.dot_dimension_numbers<[1], [0], [0], [1], [0, 0, 1, 1], [], []>, transpose_lhs_hint = false} : vector<512x2048xf32>, vector<2048x512xf32>, vector<512x512xf32> -> vector<512x512xf32>
    %slice3A = vector.extract_strided_slice %get3A_4 {offsets = [0, 0], sizes = [512, 1], strides = [1, 1]} : vector<512x5xf32> to vector<512x1xf32>
    %get3A_12 = arith.constant 0 : index
    %get3A_13 = arith.constant 0 : index
    %get3A_14 = vector.load %arg5[%get3A_12, %get3A_13] : memref<5x512xf32, #tpu.memory_space<vmem>>, vector<1x512xf32>
    %get3A_15 = vector.shape_cast %get3A_14 : vector<1x512xf32> to vector<512xf32>
    %broadcast_in_dim3A_16 = vector.shape_cast %get3A_15 : vector<512xf32> to vector<1x512xf32>
    %add3A = vector.broadcast %broadcast_in_dim3A_16 : vector<1x512xf32> to vector<512x512xf32>
    %add3A_17 = arith.addf %dot_general3A_11, %add3A : vector<512x512xf32>
    %mul3A = vector.broadcast %slice3A : vector<512x1xf32> to vector<512x512xf32>
    %mul3A_18 = arith.mulf %mul3A, %add3A_17 : vector<512x512xf32>
    %add3A_19 = arith.addf %broadcast_in_dim3A_5, %mul3A_18 : vector<512x512xf32>
    %get3A_20 = arith.constant 1 : index
    %get3A_21 = arith.constant 0 : index
    %get3A_22 = arith.constant 0 : index
    %get3A_23 = vector.load %arg4[%get3A_20, %get3A_21, %get3A_22] : memref<5x2048x512xf32, #tpu.memory_space<vmem>>, vector<1x2048x512xf32>
    %get3A_24 = vector.shape_cast %get3A_23 : vector<1x2048x512xf32> to vector<2048x512xf32>
    %dot_general3A_25 = arith.constant dense<0.000000e+00> : vector<512x512xf32>
    %dot_general3A_26 = tpu.matmul %get3A_1, %get3A_24, %dot_general3A_25 {dimension_numbers = #tpu.dot_dimension_numbers<[1], [0], [0], [1], [0, 0, 1, 1], [], []>, transpose_lhs_hint = false} : vector<512x2048xf32>, vector<2048x512xf32>, vector<512x512xf32> -> vector<512x512xf32>
    %slice3A_27 = vector.extract_strided_slice %get3A_4 {offsets = [0, 1], sizes = [512, 1], strides = [1, 1]} : vector<512x5xf32> to vector<512x1xf32>
    %get3A_28 = arith.constant 1 : index
    %get3A_29 = arith.constant 0 : index
    %get3A_30 = vector.load %arg5[%get3A_28, %get3A_29] : memref<5x512xf32, #tpu.memory_space<vmem>>, vector<1x512xf32>
    %get3A_31 = vector.shape_cast %get3A_30 : vector<1x512xf32> to vector<512xf32>
    %broadcast_in_dim3A_32 = vector.shape_cast %get3A_31 : vector<512xf32> to vector<1x512xf32>
    %add3A_33 = vector.broadcast %broadcast_in_dim3A_32 : vector<1x512xf32> to vector<512x512xf32>
    %add3A_34 = arith.addf %dot_general3A_26, %add3A_33 : vector<512x512xf32>
    %mul3A_35 = vector.broadcast %slice3A_27 : vector<512x1xf32> to vector<512x512xf32>
    %mul3A_36 = arith.mulf %mul3A_35, %add3A_34 : vector<512x512xf32>
    %add3A_37 = arith.addf %add3A_19, %mul3A_36 : vector<512x512xf32>
    %get3A_38 = arith.constant 2 : index
    %get3A_39 = arith.constant 0 : index
    %get3A_40 = arith.constant 0 : index
    %get3A_41 = vector.load %arg4[%get3A_38, %get3A_39, %get3A_40] : memref<5x2048x512xf32, #tpu.memory_space<vmem>>, vector<1x2048x512xf32>
    %get3A_42 = vector.shape_cast %get3A_41 : vector<1x2048x512xf32> to vector<2048x512xf32>
    %dot_general3A_43 = arith.constant dense<0.000000e+00> : vector<512x512xf32>
    %dot_general3A_44 = tpu.matmul %get3A_1, %get3A_42, %dot_general3A_43 {dimension_numbers = #tpu.dot_dimension_numbers<[1], [0], [0], [1], [0, 0, 1, 1], [], []>, transpose_lhs_hint = false} : vector<512x2048xf32>, vector<2048x512xf32>, vector<512x512xf32> -> vector<512x512xf32>
    %slice3A_45 = vector.extract_strided_slice %get3A_4 {offsets = [0, 2], sizes = [512, 1], strides = [1, 1]} : vector<512x5xf32> to vector<512x1xf32>
    %get3A_46 = arith.constant 2 : index
    %get3A_47 = arith.constant 0 : index
    %get3A_48 = vector.load %arg5[%get3A_46, %get3A_47] : memref<5x512xf32, #tpu.memory_space<vmem>>, vector<1x512xf32>
    %get3A_49 = vector.shape_cast %get3A_48 : vector<1x512xf32> to vector<512xf32>
    %broadcast_in_dim3A_50 = vector.shape_cast %get3A_49 : vector<512xf32> to vector<1x512xf32>
    %add3A_51 = vector.broadcast %broadcast_in_dim3A_50 : vector<1x512xf32> to vector<512x512xf32>
    %add3A_52 = arith.addf %dot_general3A_44, %add3A_51 : vector<512x512xf32>
    %mul3A_53 = vector.broadcast %slice3A_45 : vector<512x1xf32> to vector<512x512xf32>
    %mul3A_54 = arith.mulf %mul3A_53, %add3A_52 : vector<512x512xf32>
    %add3A_55 = arith.addf %add3A_37, %mul3A_54 : vector<512x512xf32>
    %get3A_56 = arith.constant 3 : index
    %get3A_57 = arith.constant 0 : index
    %get3A_58 = arith.constant 0 : index
    %get3A_59 = vector.load %arg4[%get3A_56, %get3A_57, %get3A_58] : memref<5x2048x512xf32, #tpu.memory_space<vmem>>, vector<1x2048x512xf32>
    %get3A_60 = vector.shape_cast %get3A_59 : vector<1x2048x512xf32> to vector<2048x512xf32>
    %dot_general3A_61 = arith.constant dense<0.000000e+00> : vector<512x512xf32>
    %dot_general3A_62 = tpu.matmul %get3A_1, %get3A_60, %dot_general3A_61 {dimension_numbers = #tpu.dot_dimension_numbers<[1], [0], [0], [1], [0, 0, 1, 1], [], []>, transpose_lhs_hint = false} : vector<512x2048xf32>, vector<2048x512xf32>, vector<512x512xf32> -> vector<512x512xf32>
    %slice3A_63 = vector.extract_strided_slice %get3A_4 {offsets = [0, 3], sizes = [512, 1], strides = [1, 1]} : vector<512x5xf32> to vector<512x1xf32>
    %get3A_64 = arith.constant 3 : index
    %get3A_65 = arith.constant 0 : index
    %get3A_66 = vector.load %arg5[%get3A_64, %get3A_65] : memref<5x512xf32, #tpu.memory_space<vmem>>, vector<1x512xf32>
    %get3A_67 = vector.shape_cast %get3A_66 : vector<1x512xf32> to vector<512xf32>
    %broadcast_in_dim3A_68 = vector.shape_cast %get3A_67 : vector<512xf32> to vector<1x512xf32>
    %add3A_69 = vector.broadcast %broadcast_in_dim3A_68 : vector<1x512xf32> to vector<512x512xf32>
    %add3A_70 = arith.addf %dot_general3A_62, %add3A_69 : vector<512x512xf32>
    %mul3A_71 = vector.broadcast %slice3A_63 : vector<512x1xf32> to vector<512x512xf32>
    %mul3A_72 = arith.mulf %mul3A_71, %add3A_70 : vector<512x512xf32>
    %add3A_73 = arith.addf %add3A_55, %mul3A_72 : vector<512x512xf32>
    %get3A_74 = arith.constant 4 : index
    %get3A_75 = arith.constant 0 : index
    %get3A_76 = arith.constant 0 : index
    %get3A_77 = vector.load %arg4[%get3A_74, %get3A_75, %get3A_76] : memref<5x2048x512xf32, #tpu.memory_space<vmem>>, vector<1x2048x512xf32>
    %get3A_78 = vector.shape_cast %get3A_77 : vector<1x2048x512xf32> to vector<2048x512xf32>
    %dot_general3A_79 = arith.constant dense<0.000000e+00> : vector<512x512xf32>
    %dot_general3A_80 = tpu.matmul %get3A_1, %get3A_78, %dot_general3A_79 {dimension_numbers = #tpu.dot_dimension_numbers<[1], [0], [0], [1], [0, 0, 1, 1], [], []>, transpose_lhs_hint = false} : vector<512x2048xf32>, vector<2048x512xf32>, vector<512x512xf32> -> vector<512x512xf32>
    %slice3A_81 = vector.extract_strided_slice %get3A_4 {offsets = [0, 4], sizes = [512, 1], strides = [1, 1]} : vector<512x5xf32> to vector<512x1xf32>
    %get3A_82 = arith.constant 4 : index
    %get3A_83 = arith.constant 0 : index
    %get3A_84 = vector.load %arg5[%get3A_82, %get3A_83] : memref<5x512xf32, #tpu.memory_space<vmem>>, vector<1x512xf32>
    %get3A_85 = vector.shape_cast %get3A_84 : vector<1x512xf32> to vector<512xf32>
    %broadcast_in_dim3A_86 = vector.shape_cast %get3A_85 : vector<512xf32> to vector<1x512xf32>
    %add3A_87 = vector.broadcast %broadcast_in_dim3A_86 : vector<1x512xf32> to vector<512x512xf32>
    %add3A_88 = arith.addf %dot_general3A_80, %add3A_87 : vector<512x512xf32>
    %mul3A_89 = vector.broadcast %slice3A_81 : vector<512x1xf32> to vector<512x512xf32>
    %mul3A_90 = arith.mulf %mul3A_89, %add3A_88 : vector<512x512xf32>
    %add3A_91 = arith.addf %add3A_73, %mul3A_90 : vector<512x512xf32>
    %swap3A = arith.constant 0 : index
    %swap3A_92 = arith.constant 0 : index
    %swap3A_93 = vector.load %arg6[%swap3A, %swap3A_92] : memref<512x512xf32, #tpu.memory_space<vmem>>, vector<512x512xf32>
    tpu.vector_store %arg6[%swap3A, %swap3A_92], %add3A_91 {strides = array<i32>} : memref<512x512xf32, #tpu.memory_space<vmem>>, vector<512x512xf32>,
    return
  }
  func.func @transform_0(%arg0: i32, %arg1: i32) -> (i32, i32) {
    %c0_i32 = arith.constant 0 : i32
    %c0_i32_0 = arith.constant 0 : i32
    return %arg1, %c0_i32 : i32, i32
  }
  func.func @transform_1(%arg0: i32, %arg1: i32) -> (i32, i32) {
    %c0_i32 = arith.constant 0 : i32
    %c0_i32_0 = arith.constant 0 : i32
    return %arg1, %c0_i32 : i32, i32
  }
  func.func @transform_2(%arg0: i32, %arg1: i32) -> (i32, i32, i32) {
    %c0_i32 = arith.constant 0 : i32
    %c0_i32_0 = arith.constant 0 : i32
    %c0_i32_1 = arith.constant 0 : i32
    return %c0_i32, %c0_i32_0, %arg0 : i32, i32, i32
  }
  func.func @transform_3(%arg0: i32, %arg1: i32) -> (i32, i32) {
    %c0_i32 = arith.constant 0 : i32
    %c0_i32_0 = arith.constant 0 : i32
    return %c0_i32, %arg0 : i32, i32
  }
  func.func @transform_4(%arg0: i32, %arg1: i32) -> (i32, i32) {
    %c0_i32 = arith.constant 0 : i32
    return %arg1, %arg0 : i32, i32
  }
}

</mosaic_0001>

<sc_bundles>
// kernel: kernel.5.cloned.1.call-start
scs
__scs_entry_jumppad:
0x0: {  	(pc) =	sbr.rel $0x88, $3  }
0x1: {  	(tag) =	ssettag $0x0;
	lr =	simm.s32 $0x1  }
0x2: {  	[smem:$0x3F9C] =	sst lr;
	_ =	strace $0xD0000000  }
0x3: {  	_ = 	snop  }
0x4: {  	_ = 	snop  }
0x5: {  	_ = 	snop  }
0x6: {  	_ = 	snop  }
0x7: {  	_ = 	snop  }
__scs_overlays_trampoline_lowered:
0x8: {  	[smem:$0x3FAB] =	sst s0  }
0x9: {  	[smem:$0x3FAC] =	sst s1  }
0xa: {  	[smem:$0x3FAD] =	sst s2  }
0xb: {  	[smem:$0x3FAE] =	sst s3  }
0xc: {  	[smem:$0x3FAF] =	sst s4  }
0xd: {  	[smem:$0x3FB0] =	sst s5  }
0xe: {  	[smem:$0x3FB1] =	sst s6  }
0xf: {  	[smem:$0x3FB2] =	sst s7  }
0x10: {  	[smem:$0x3FB3] =	sst s8  }
0x11: {  	[smem:$0x3FB4] =	sst s9;
	s0 =	simm.s32 @!p0 $0x0  }
0x12: {  	s1 =	sld [smem:$0x3F9A];
	s0 =	simm.s32 @p0 $0x1  }
0x13: {  	[smem:$0x3FB5] =	sst s0;
	s0 =	simm.s32 @!p1 $0x0  }
0x14: {  	s2 =	sld [smem:$0x3F99];
	s0 =	simm.s32 @p1 $0x1  }
0x15: {  	[smem:$0x3FB6] =	sst s0;
	s0 =	simm.s32 @!p2 $0x0  }
0x16: {  	s3 =	sld [smem:$0x3FDB];
	s0 =	simm.s32 @p2 $0x1  }
0x17: {  	s4 =	simm.s32 $0x1BF5;
	[smem:$0x3FB8] =	sst s0  }
0x18: {  	s0 =	sld [smem:$0x3F9B];
	_ =	swait.ge [sflag:s4], $0x0  }
0x19: {  	s7 =	sld [smem:$0x3F9C]  }
0x1a: {  	s8 =	sadd.s32 $0xFFFFE003, lr  }
0x1b: {  	s9 =	sadd.s32 $0xFFFFFEF7, lr;
	s5 =	simm.s32 $0xFFFFFFFF;
	p2 =	slt.u32 s8, $0xFFFFF086  }
0x1c: {  	p1 =	slt.u32 s9, $0xF7A;
	s5 =	simm.s32 @!p2 $0x0  }
0x1d: {  	s5 =	simm.s32 @p1 $0x1;
	p0 =	seq.s32 s7, s2  }
0x1e: {  	s7 =	smul.u32 @!p0 $0xF7A, s2;
	p2 =	seq.s32 @!p0 s5, $0x0  }
0x1f: {  	s9 =	smul.u32 $0xF7A, s1;
	s8 =	simm.s32 @!p0 $0x1BF5;
	p2 =	por !p2, p0  }
0x20: {  	[sflag:s8] =	ssyncset.s32 @!p0 $0xFFFFF086;
	s6 =	sadd.s32 @!p0 s3, s7;
	s7 =	simm.s32 @!p0 $0x108  }
0x21: {  	s3 =	sadd.s32 s3, s9;
	s6 =	sadd.s32 @!p0 $0x88, s6;
	s7 =	simm.s32 @p2 $0x1082  }
0x22: {  	[simem:s7], [sflag:s8] =	dma.local @!p0 [hbm:s6], $0xF7A  }
0x23: {  	s9 =	sor.u32 $0xD0000000, s2;
	s6 =	simm.s32 $0x108;
	_ =	swait.ge @!p0 [sflag:s8], $0x0  }
0x24: {  	s3 =	sadd.s32 $0x88, s3;
	s6 =	simm.s32 @!p1 $0x1082;
	[sflag:s4] =	ssyncset.s32 $0xFFFFF086  }
0x25: {  	[simem:s6], [sflag:s4] =	dma.local [hbm:s3], $0xF7A  }
0x26: {  	[smem:$0x3F9C] =	sst s1;
	(tag) =	ssettag s2;
	_ =	strace s9  }
0x27: {  	s1 =	sld [smem:$0x3FAC]  }
0x28: {  	s2 =	sld [smem:$0x3FAD]  }
0x29: {  	s4 =	sld [smem:$0x3FAF]  }
0x2a: {  	p0 =	seq.s32 s5, $0x0;
	s5 =	sld [smem:$0x3FB0]  }
0x2b: {  	s6 =	sld [smem:$0x3FB1]  }
0x2c: {  	s7 =	sld [smem:$0x3FB2]  }
0x2d: {  	s3 =	simm.s32 $0x108;
	s8 =	sld [smem:$0x3FB3]  }
0x2e: {  	s3 =	simm.s32 @!p0 $0x1082;
	s9 =	sld [smem:$0x3FB4]  }
0x2f: {  	lr =	sadd.s32 s0, s3;
	s0 =	sld [smem:$0x3FAB]  }
0x30: {  	s3 =	sld [smem:$0x3FAE]  }
0x31: {  	[smem:$0x3FB7] =	sst s10  }
0x32: {  	s10 =	sld [smem:$0x3FB5];
	_ =	sdelay $0x3  }
0x33: {  	p0 =	seq.s32 s10, $0x1;
	s10 =	sld [smem:$0x3FB7];
	_ =	sdelay $0x3  }
0x34: {  	[smem:$0x3FB7] =	sst s10  }
0x35: {  	s10 =	sld [smem:$0x3FB6];
	_ =	sdelay $0x3  }
0x36: {  	p1 =	seq.s32 s10, $0x1;
	s10 =	sld [smem:$0x3FB7];
	_ =	sdelay $0x3  }
0x37: {  	[smem:$0x3FB7] =	sst s10  }
0x38: {  	s10 =	sld [smem:$0x3FB8]  }
0x39: {  	_ = 	snop;
	(pc) =	sbr.ind lr, $3  }
0x3a: {  	_ = 	snop  }
0x3b: {  	_ = 	snop  }
0x3c: {  	p2 =	seq.s32 s10, $0x1;
	s10 =	sld [smem:$0x3FB7]  }
0x3d: {  	_ =	shalt  }
0x3e: {  	_ =	shalt  }
0x3f: {  	_ =	shalt  }
0x40: {  	_ =	shalt  }
0x41: {  	_ =	shalt  }
0x42: {  	_ =	shalt  }
0x43: {  	_ =	shalt  }
0x44: {  	_ =	shalt  }
0x45: {  	_ =	shalt  }
0x46: {  	_ =	shalt  }
0x47: {  	_ =	shalt  }
0x48: {  	_ =	shalt  }
0x49: {  	_ =	shalt  }
0x4a: {  	_ =	shalt  }
0x4b: {  	_ =	shalt  }
0x4c: {  	_ =	shalt  }
0x4d: {  	_ =	shalt  }
0x4e: {  	_ =	shalt  }
0x4f: {  	_ =	shalt  }
0x50: {  	_ =	shalt  }
0x51: {  	_ =	shalt  }
0x52: {  	_ =	shalt  }
0x53: {  	_ =	shalt  }
0x54: {  	_ =	shalt  }
0x55: {  	_ =	shalt  }
0x56: {  	_ =	shalt  }
0x57: {  	_ =	shalt  }
0x58: {  	_ =	shalt  }
0x59: {  	_ =	shalt  }
0x5a: {  	_ =	shalt  }
0x5b: {  	_ =	shalt  }
0x5c: {  	_ =	shalt  }
0x5d: {  	_ =	shalt  }
0x5e: {  	_ =	shalt  }
0x5f: {  	_ =	shalt  }
0x60: {  	_ =	shalt  }
0x61: {  	_ =	shalt  }
0x62: {  	_ =	shalt  }
0x63: {  	_ =	shalt  }
0x64: {  	_ =	shalt  }
0x65: {  	_ =	shalt  }
0x66: {  	_ =	shalt  }
0x67: {  	_ =	shalt  }
0x68: {  	_ =	shalt  }
0x69: {  	_ =	shalt  }
0x6a: {  	_ =	shalt  }
0x6b: {  	_ =	shalt  }
0x6c: {  	_ =	shalt  }
0x6d: {  	_ =	shalt  }
0x6e: {  	_ =	shalt  }
0x6f: {  	_ =	shalt  }
0x70: {  	_ =	shalt  }
0x71: {  	_ =	shalt  }
0x72: {  	_ =	shalt  }
0x73: {  	_ =	shalt  }
0x74: {  	_ =	shalt  }
0x75: {  	_ =	shalt  }
0x76: {  	_ =	shalt  }
0x77: {  	_ =	shalt  }
0x78: {  	_ =	shalt  }
0x79: {  	_ =	shalt  }
0x7a: {  	_ =	shalt  }
0x7b: {  	_ =	shalt  }
0x7c: {  	_ =	shalt  }
0x7d: {  	_ =	shalt  }
0x7e: {  	_ =	shalt  }
0x7f: {  	_ =	shalt  }
0x80: {  	_ =	shalt  }
0x81: {  	_ =	shalt  }
0x82: {  	_ =	shalt  }
0x83: {  	_ =	shalt  }
0x84: {  	_ =	shalt  }
0x85: {  	_ =	shalt  }
0x86: {  	_ =	shalt  }
0x87: {  	_ =	shalt  }
.Lfunc_end0:
.L_simem_size_0:
called_computation_lowered:
.L_overlay_start_0:
0x88: {  	s2 =	sld [smem:$0x3FD9]  }
0x89: {  	s3 =	sld [smem:$0x3FFE];
	_ =	sdelay $0x1  }
0x8a: {  	s1 =	srdreg.scid  }
0x8b: {  	s0 =	sand.u32 $0x1, s1  }
0x8c: {  	s17 =	sshll.u32 s0, $0xA;
	s2 =	sadd.s32 s3, s2  }
0x8d: {  	s2 =	sadd.s32 s2, s17  }
0x8e: {  	[smem:$0x3FC3] =	sst s2  }
0x8f: {  	_ = 	snop  }
0x90: {  	s2 =	sld [smem:$0x3FD0];
	(tm) =	ssettm $0x1  }
0x91: {  	s18 =	sld [smem:$0x3FFB];
	_ =	sdelay $0x3  }
0x92: {  	_ =	strace s18  }
0x93: {  	s3 =	sld [smem:$0x3FFC];
	_ =	sdelay $0x3  }
0x94: {  	_ =	strace s3  }
0x95: {  	s3 =	sld [smem:$0x3FFD];
	_ =	sdelay $0x3  }
0x96: {  	_ =	strace s3  }
0x97: {  	_ =	strace $0x8FFFFFFF  }
0x98: {  	s19 =	sld [smem:$0x3FDB];
	_ =	sdelay $0x1  }
0x99: {  	s4 =	simm.s32 $_scs_section_size  }
0x9a: {  	s5 =	simm.s32 $_size__tile_overlayer_lowered;
	s6 =	simm.s32 $_tile_overlayer_lowered  }
0x9b: {  	s22 =	simm.s32 $0x1BFF;
	s21 =	sshll.u32 s6, $0x1;
	s3 =	sadd.s32 s4, s19  }
0x9c: {  	s7 =	simm.s32 $0x0;
	s20 =	sshll.u32 s5, $0x1;
	s5 =	sadd.s32 s21, s3  }
0x9d: {  	[timem:s7], [sflag:s22] =	dma.local [hbm:s5], s20  }
0x9e: {  	_ =	swait.ge [sflag:s22], s20  }
0x9f: {  	s4 =	ssub.s32 $0x0, s20;
	[sflag:s22] =	ssyncset.done $0x0  }
0xa0: {  	[sflag:s22] =	ssyncadd.s32 s4;
	_ =	sdelay $0x1  }
0xa1: {  	s23 =	simm.s32 $0x1B8B  }
0xa2: {  	_ =	swait.ge [sflag:s23], $0x1  }
0xa3: {  	[sflag:s23] =	ssyncset.done $0x0  }
0xa4: {  	s25 =	simm.s32 $0x1B8E;
	s24 =	sld [smem:$0x3FFE];
	[sflag:s23] =	ssyncadd.s32 $0xFFFFFFFF  }
0xa5: {  	s26 =	simm.s32 $execute0_lowered;
	[smem:$0x3FD2] =	sst s25  }
0xa6: {  	s5 =	sshll.u32 s26, $0x1;
	_ =	strace $0x80000046;
	[dreg:$0x1] =	wrdreg $0xFFFFFFFF  }
0xa7: {  	s28 =	simm.s32 $_size_execute0_lowered;
	s3 =	sadd.s32 s3, s5;
	[dreg:$0x0] =	wrdreg $0x0  }
0xa8: {  	s5 =	sshll.u32 s28, $0x1;
	[dreg:$0x2] =	wrdreg s3  }
0xa9: {  	[dreg:$0x3] =	wrdreg s5  }
0xaa: {  	[dreg:$0x4] =	wrdreg $0xC0  }
0xab: {  	_ =	task [dreg:s7], $0x5FFFF  }
0xac: {  	[dreg:$0x1] =	wrdreg $0xFFFFFFFF  }
0xad: {  	[dreg:$0x0] =	wrdreg $0x60  }
0xae: {  	[dreg:$0x2] =	wrdreg s2  }
0xaf: {  	[dreg:$0x3] =	wrdreg s24  }
0xb0: {  	[dreg:$0x4] =	wrdreg $0x9  }
0xb1: {  	_ =	task.clear_ibuf [dreg:s7], $0x5FFFF;
	_ =	strace $0x90000046  }
0xb2: {  	s29 =	simm.s32 $0x9;
	_ =	strace $0x80000048  }
0xb3: {  	_ =	swait.ge [sflag:s29], $0x1  }
0xb4: {  	[sflag:s29] =	ssyncadd.s32 $0xFFFFFFFF  }
0xb5: {  	_ =	strace $0x90000048  }
0xb6: {  	_ =	sfence  }
0xb7: {  	s30 =	sld [smem:$0x0];
	_ =	sdelay $0x2  }
0xb8: {  	s31 =	sshll.u32 s1, $0xD;
	s1 =	sshrl.u32 s1, $0x2  }
0xb9: {  	s3 =	sand.u32 $0x4000, s31;
	s1 =	sadd.s32 s1, s30  }
0xba: {  	s0 =	sor.u32 s3, s0;
	s1 =	sshll.u32 s1, $0x11  }
0xbb: {  	s0 =	sor.u32 s1, s0  }
0xbc: {  	s0 =	sadd.s32 $0x8F2B, s0  }
0xbd: {  	[sflag:s0] =	ssyncadd.remote.s32 $0x1  }
0xbe: {  	_ =	sfence.sel $0xFFFF  }
0xbf: {  	[dreg:$0x0] =	wrdreg $0xFFFFFFFF;
	(pc) =	sbr.abs _section_cstart, $3  }
0xc0: {  	[dreg:$0x1] =	wrdreg $0xFFFFFFFF  }
0xc1: {  	_ =	task.clear_ibuf [dreg:s7], $0x2FFFF;
	_ =	strace $0x9FFFFFFF  }
0xc2: {  	(tm) =	ssettm $0x7FFFFFFF  }
0xc3: {  	_ =	shalt  }
tec
execute0_lowered:
.L_overlay_start_1:
0x0: {  	(tag) =	ssettag $0x1  }
0x1: {  	s7 =	rddreg [dreg:$0x0]  }
0x2: {  	s3 =	rddreg [dreg:$0x1]  }
0x3: {  	s0 =	rddreg [dreg:$0x2];
	s2 =	simm.s32 $0x0;
	s4 =	srdreg.scid  }
0x4: {  	s1 =	stileid.u32;
	s16 =	simm.s32 $0x100;
	s17 =	simm.s32 $0x180  }
0x5: {  	s18 =	simm.s32 $0x200;
	s19 =	simm.s32 $0x280;
	s20 =	simm.s32 $0x300  }
0x6: {  	s21 =	simm.s32 $0x380;
	s22 =	simm.s32 $0x400;
	s23 =	simm.s32 $0x480  }
0x7: {  	[smem:$0x7FF] =	sst s2;
	s4 =	sand.u32 $0x1, s4;
	s6 =	sshll.u32 s1, $0x5  }
0x8: {  	s12 =	sadd.s32 $0x600, s3;
	s5 =	ssub.s32 $0x2, s4;
	s4 =	sshll.u32 s4, $0x4  }
0x9: {  	_ =	strace $0x80000047;
	s8 =	sshrl.u32 s5, $0x1;
	s9 =	sor.u32 s4, s6  }
0xa: {  	s13 =	ssub.s32 s5, s8;
	s10 =	sor.u32 $0x200, s9;
	s3 =	sadd.s32 s7, s9  }
0xb: {  	s11 =	sor.u32 $0x400, s9;
	s14 =	sor.u32 $0x600, s9;
	s15 =	sor.u32 $0x800, s9  }
0xc: {  	s8 =	sadd.s32 s12, s9;
	s4 =	sadd.s32 s7, s10;
	s5 =	sadd.s32 s7, s11  }
0xd: {  	s6 =	sadd.s32 s7, s14;
	s7 =	sadd.s32 s7, s15;
	s9 =	sadd.s32 s12, s10  }
0xe: {  	s10 =	sadd.s32 s12, s11;
	s11 =	sadd.s32 s12, s14;
	s12 =	sadd.s32 s12, s15  }
0xf: {  	v0 =	vimm.f32 $0.0e+00;
	s13 =	smax.u32 s13, $0x1;
	s14 =	simm.s32 $0x1;
	s15 =	simm.s32 $0x80  }
.LBB2_1:
0x10: {  	[tilespmem:s2], [sflag:$0x1] =	stream.linear.gather [hbm4b:s3+s2], $0x80, $0x38;
	[tilespmem:$0x500] =	vst v63  }
0x11: {  	_ =	swait.ge [sflag:s14], $0x80  }
0x12: {  	[sflag:s14] =	ssyncset.done $0x0  }
0x13: {  	[sflag:s14] =	ssyncadd.s32 $0xFFFFFF80  }
0x14: {  	[tilespmem:s15], [sflag:$0x1] =	stream.linear.gather [hbm4b:s4+s2], $0x80, $0x38;
	[tilespmem:$0x500] =	vst v63  }
0x15: {  	_ =	swait.ge [sflag:s14], $0x80  }
0x16: {  	[sflag:s14] =	ssyncset.done $0x0  }
0x17: {  	[sflag:s14] =	ssyncadd.s32 $0xFFFFFF80  }
0x18: {  	[tilespmem:s16], [sflag:$0x1] =	stream.linear.gather [hbm4b:s5+s2], $0x80, $0x38;
	[tilespmem:$0x500] =	vst v63  }
0x19: {  	_ =	swait.ge [sflag:s14], $0x80  }
0x1a: {  	[sflag:s14] =	ssyncset.done $0x0  }
0x1b: {  	[sflag:s14] =	ssyncadd.s32 $0xFFFFFF80  }
0x1c: {  	[tilespmem:s17], [sflag:$0x1] =	stream.linear.gather [hbm4b:s6+s2], $0x80, $0x38;
	[tilespmem:$0x500] =	vst v63  }
0x1d: {  	_ =	swait.ge [sflag:s14], $0x80  }
0x1e: {  	[sflag:s14] =	ssyncset.done $0x0  }
0x1f: {  	[sflag:s14] =	ssyncadd.s32 $0xFFFFFF80  }
0x20: {  	[tilespmem:s18], [sflag:$0x1] =	stream.linear.gather [hbm4b:s7+s2], $0x80, $0x38;
	[tilespmem:$0x500] =	vst v63  }
0x21: {  	_ =	swait.ge [sflag:s14], $0x80  }
0x22: {  	[sflag:s14] =	ssyncset.done $0x0  }
0x23: {  	[sflag:s14] =	ssyncadd.s32 $0xFFFFFF80  }
0x24: {  	v1 =	vld [tilespmem:$0x0]  }
0x25: {  	v2 =	vld [tilespmem:$0x80]  }
0x26: {  	v3 =	vld [tilespmem:$0x100]  }
0x27: {  	v4 =	vld [tilespmem:$0x180]  }
0x28: {  	v5 =	vld [tilespmem:$0x200];
	_ =	sdelay $0x1  }
0x29: {  	v6 =	vmax.f32 v1, v2  }
0x2a: {  	v6 =	vmax.f32 v6, v3  }
0x2b: {  	v6 =	vmax.f32 v6, v4  }
0x2c: {  	v6 =	vmax.f32 v6, v5  }
0x2d: {  	v1 =	vsub.f32 v1, v6  }
0x2e: {  	v2 =	vsub.f32 v2, v6  }
0x2f: {  	v1 =	vmul.f32 $1.442695020e+00, v1  }
0x30: {  	v3 =	vsub.f32 v3, v6;
	v2 =	vmul.f32 $1.442695020e+00, v2  }
0x31: {  	(erf) = vpow2.f32 v1  }
0x32: {  	v1 =	vmul.f32 $1.442695020e+00, v3;
	(erf) = vpow2.f32 v2;
	v2 =	vsub.f32 v4, v6;
	_ =	sdelay $0x1  }
0x33: {  	(erf) = vpow2.f32 v1;
	v1 =	vmul.f32 $1.442695020e+00, v2;
	v2 =	vsub.f32 v5, v6;
	_ =	sdelay $0x1  }
0x34: {  	(erf) = vpow2.f32 v1;
	v1 =	vmul.f32 $1.442695020e+00, v2;
	_ =	sdelay $0x1  }
0x35: {  	(erf) = vpow2.f32 v1;
	_ =	sdelay $0x1  }
0x36: {  	v1 =	vpop (erf)  }
0x37: {  	v2 =	vpop (erf)  }
0x38: {  	v3 =	vadd.f32 v2, v1  }
0x39: {  	v57 =	vpop (erf)  }
0x3a: {  	v3 =	vadd.f32 v3, v57  }
0x3b: {  	v58 =	vpop (erf)  }
0x3c: {  	v3 =	vadd.f32 v3, v58  }
0x3d: {  	v59 =	vpop (erf)  }
0x3e: {  	v7 =	vld [tilespmem:$0x10];
	v3 =	vadd.f32 v3, v59  }
0x3f: {  	v8 =	vld [tilespmem:$0x110]  }
0x40: {  	v9 =	vld [tilespmem:$0x190];
	(erf) = vrcp.f32 v3  }
0x41: {  	v3 =	vld [tilespmem:$0x90]  }
0x42: {  	v10 =	vld [tilespmem:$0x210]  }
0x43: {  	v30 =	vld [tilespmem:$0x20]  }
0x44: {  	v16 =	vld [tilespmem:$0xA0]  }
0x45: {  	v20 =	vld [tilespmem:$0x120]  }
0x46: {  	v11 =	vmax.f32 v7, v3  }
0x47: {  	v31 =	vld [tilespmem:$0x1A0];
	v11 =	vmax.f32 v11, v8  }
0x48: {  	v11 =	vmax.f32 v11, v9  }
0x49: {  	v21 =	vmax.f32 v30, v16;
	v11 =	vmax.f32 v11, v10;
	v12 =	vpop (erf)  }
0x4a: {  	v35 =	vmax.f32 v21, v20;
	v7 =	vsub.f32 v7, v11;
	v13 =	vmul.f32 v12, v1  }
0x4b: {  	v14 =	vmul.f32 v12, v2;
	v1 =	vsub.f32 v3, v11;
	v4 =	vmul.f32 v12, v57  }
0x4c: {  	v36 =	vmax.f32 v35, v31;
	v5 =	vmul.f32 v12, v58;
	v6 =	vmul.f32 v12, v59  }
0x4d: {  	v3 =	vsub.f32 v8, v11;
	v2 =	vmul.f32 $1.442695020e+00, v7;
	v1 =	vmul.f32 $1.442695020e+00, v1  }
0x4e: {  	vm0 =	vgt.f32 v14, v13;
	vm1 =	vgt.f32 v4, v13;
	vm12 =	vgt.f32 v5, v13  }
0x4f: {  	vm13 =	vgt.f32 v6, v13;
	vm14 =	vge.f32 v13, v14;
	(erf) = vpow2.f32 v2  }
0x50: {  	v2 =	vsub.f32 v9, v11;
	(erf) = vpow2.f32 v1;
	v1 =	vmul.f32 $1.442695020e+00, v3  }
0x51: {  	vm15 =	vgt.f32 v4, v14;
	vm5 =	vgt.f32 v5, v14;
	vm6 =	vge.f32 v13, v4  }
0x52: {  	(erf) = vpow2.f32 v1;
	v1 =	vmul.f32 $1.442695020e+00, v2;
	v2 =	vsub.f32 v10, v11  }
0x53: {  	vm7 =	vge.f32 v14, v4;
	vm8 =	vgt.f32 v6, v14;
	v60 =	vsel vm1, $0x3F800000, v0  }
0x54: {  	v3 =	vsel vm0, $0x3F800000, v0;
	(erf) = vpow2.f32 v1;
	v1 =	vmul.f32 $1.442695020e+00, v2  }
0x55: {  	vm9 =	vgt.f32 v5, v4;
	vm10 =	vgt.f32 v6, v4;
	v3 =	vadd.f32 v60, v3  }
0x56: {  	vm11 =	vge.f32 v13, v5;
	v61 =	vsel vm12, $0x3F800000, v0;
	(erf) = vpow2.f32 v1  }
0x57: {  	vm2 =	vge.f32 v14, v5;
	v26 =	vsel vm7, $0x3F800000, v0;
	v2 =	vadd.f32 v3, v61  }
0x58: {  	v28 =	vsel vm8, $0x3F800000, v0;
	v15 =	vsel vm9, $0x3F800000, v0;
	v3 =	vsel vm13, $0x3F800000, v0;
	v62 =	vpop (erf)  }
0x59: {  	v17 =	vsel vm10, $0x3F800000, v0;
	v18 =	vsel vm11, $0x3F800000, v0;
	v1 =	vadd.f32 v2, v3;
	v63 =	vpop (erf)  }
0x5a: {  	v2 =	vsel vm14, $0x3F800000, v0;
	v3 =	vsel vm15, $0x3F800000, v0;
	v24 =	vadd.f32 v63, v62  }
0x5b: {  	v19 =	vsel vm2, $0x3F800000, v0;
	vm12 =	vge.f32 v4, v5;
	v2 =	vadd.f32 v3, v2;
	v25 =	vpop (erf)  }
0x5c: {  	vm8 =	vge.f32 v5, v6;
	v3 =	vsel vm5, $0x3F800000, v0;
	v9 =	vadd.f32 v24, v25  }
0x5d: {  	v33 =	vld [tilespmem:$0x220];
	v18 =	vadd.f32 v19, v18;
	v2 =	vadd.f32 v2, v3;
	v3 =	vsel vm6, $0x3F800000, v0;
	v27 =	vpop (erf)  }
0x5e: {  	vm14 =	vgt.f32 v6, v5;
	v3 =	vadd.f32 v26, v3;
	v9 =	vadd.f32 v9, v27  }
0x5f: {  	v32 =	vsel vm12, $0x3F800000, v0;
	v34 =	vsel vm14, $0x3F800000, v0;
	vm5 =	vge.f32 v14, v6;
	v29 =	vpop (erf)  }
0x60: {  	vm4 =	vlt.f32 v1, $3.000000000e+00;
	v3 =	vadd.f32 v3, v15;
	v9 =	vadd.f32 v9, v29  }
0x61: {  	v38 =	vsel vm5, $0x3F800000, v0;
	v1 =	vnsel vm4, $0x0, v13;
	vm4 =	vge.f32 v13, v6  }
0x62: {  	v13 =	vmax.f32 v36, v33;
	v3 =	vadd.f32 v3, v17;
	(erf) = vrcp.f32 v9  }
0x63: {  	vm6 =	vge.f32 v4, v6;
	v37 =	vsel vm4, $0x3F800000, v0;
	v39 =	vsub.f32 v30, v13  }
0x64: {  	v40 =	vsel vm6, $0x3F800000, v0;
	v16 =	vsub.f32 v16, v13;
	vm15 =	vlt.f32 v3, $3.000000000e+00  }
0x65: {  	v2 =	vadd.f32 v2, v28;
	v3 =	vnsel vm15, $0x0, v4;
	v4 =	vmul.f32 $1.442695020e+00, v39  }
0x66: {  	v44 =	vsub.f32 v20, v13;
	v47 =	vsub.f32 v31, v13;
	v43 =	vmul.f32 $1.442695020e+00, v16  }
0x67: {  	vm13 =	vlt.f32 v2, $3.000000000e+00;
	v17 =	vadd.f32 v18, v32;
	(erf) = vpow2.f32 v4  }
0x68: {  	v2 =	vnsel vm13, $0x0, v14;
	v14 =	vadd.f32 v38, v37;
	(erf) = vpow2.f32 v43  }
0x69: {  	v50 =	vsub.f32 v33, v13;
	v33 =	vld [tilespmem:$0x30];
	v46 =	vmul.f32 $1.442695020e+00, v44;
	v17 =	vadd.f32 v17, v34  }
0x6a: {  	v45 =	vsel vm8, $0x3F800000, v0;
	v49 =	vmul.f32 $1.442695020e+00, v47;
	v14 =	vadd.f32 v14, v40;
	v34 =	vld [tilespmem:$0xB0]  }
0x6b: {  	v7 =	vmul.f32 $1.442695020e+00, v50;
	vm7 =	vlt.f32 v17, $3.000000000e+00;
	(erf) = vpow2.f32 v46;
	v41 =	vpop (erf)  }
0x6c: {  	v48 =	vadd.f32 v14, v45;
	(erf) = vpow2.f32 v49;
	v42 =	vmul.f32 v41, v62  }
0x6d: {  	v4 =	vnsel vm7, $0x0, v5;
	v8 =	vmul.f32 v41, v63;
	v10 =	vmul.f32 v41, v25  }
0x6e: {  	vm12 =	vlt.f32 v48, $3.000000000e+00;
	v11 =	vmul.f32 v41, v27;
	v12 =	vmul.f32 v41, v29  }
0x6f: {  	v40 =	vmax.f32 v33, v34;
	(erf) = vpow2.f32 v7;
	vm9 =	vgt.f32 v8, v42  }
0x70: {  	v55 =	vpop (erf);
	vm10 =	vgt.f32 v10, v42;
	vm11 =	vgt.f32 v11, v42;
	vm13 =	vgt.f32 v12, v42  }
0x71: {  	v58 =	vpop (erf);
	vm14 =	vge.f32 v42, v8;
	vm15 =	vgt.f32 v10, v8;
	vm4 =	vgt.f32 v11, v8  }
0x72: {  	v59 =	vadd.f32 v58, v55;
	vm6 =	vgt.f32 v12, v8;
	vm7 =	vge.f32 v42, v10  }
0x73: {  	vm8 =	vge.f32 v8, v10;
	v51 =	vsel vm9, $0x3F800000, v0;
	v52 =	vsel vm10, $0x3F800000, v0  }
0x74: {  	v53 =	vsel vm11, $0x3F800000, v0;
	v54 =	vsel vm13, $0x3F800000, v0;
	v56 =	vsel vm14, $0x3F800000, v0  }
0x75: {  	v57 =	vsel vm15, $0x3F800000, v0;
	v60 =	vsel vm4, $0x3F800000, v0;
	v27 =	vsel vm7, $0x3F800000, v0  }
0x76: {  	v28 =	vsel vm8, $0x3F800000, v0;
	v29 =	vsel vm6, $0x3F800000, v0;
	vm9 =	vgt.f32 v11, v10  }
0x77: {  	vm10 =	vgt.f32 v12, v10;
	vm11 =	vge.f32 v42, v11;
	v13 =	vadd.f32 v52, v51  }
0x78: {  	vm14 =	vge.f32 v10, v11;
	vm15 =	vgt.f32 v12, v11;
	vm6 =	vge.f32 v8, v12  }
0x79: {  	v61 =	vpop (erf);
	vm7 =	vge.f32 v10, v12;
	vm8 =	vge.f32 v11, v12;
	v5 =	vadd.f32 v13, v53  }
0x7a: {  	v62 =	vadd.f32 v59, v61;
	v18 =	vadd.f32 v28, v27;
	v31 =	vsel vm9, $0x3F800000, v0  }
0x7b: {  	v32 =	vsel vm10, $0x3F800000, v0;
	v13 =	vadd.f32 v57, v56;
	v7 =	vadd.f32 v5, v54  }
0x7c: {  	v63 =	vpop (erf);
	v35 =	vsel vm11, $0x3F800000, v0;
	v24 =	vsel vm14, $0x3F800000, v0;
	v39 =	vsel vm15, $0x3F800000, v0  }
0x7d: {  	v23 =	vld [tilespmem:$0x130];
	vm5 =	vlt.f32 v7, $3.000000000e+00;
	v7 =	vadd.f32 v13, v60;
	v13 =	vadd.f32 v62, v63  }
0x7e: {  	v37 =	vld [tilespmem:$0x1B0];
	v18 =	vadd.f32 v18, v31;
	v5 =	vnsel vm12, $0x0, v6;
	v30 =	vpop (erf);
	vm12 =	vge.f32 v8, v11  }
0x7f: {  	v25 =	vld [tilespmem:$0x230];
	v22 =	vsel vm12, $0x3F800000, v0;
	v13 =	vadd.f32 v13, v30;
	v7 =	vadd.f32 v7, v29  }
0x80: {  	v41 =	vsel vm6, $0x3F800000, v0;
	v18 =	vadd.f32 v18, v32;
	v36 =	vadd.f32 v22, v35  }
0x81: {  	v6 =	vnsel vm5, $0x0, v42;
	(erf) = vrcp.f32 v13;
	vm13 =	vlt.f32 v7, $3.000000000e+00  }
0x82: {  	vm5 =	vge.f32 v42, v12;
	v7 =	vnsel vm13, $0x0, v8;
	v8 =	vmax.f32 v40, v23  }
0x83: {  	v38 =	vadd.f32 v36, v24;
	v17 =	vsel vm5, $0x3F800000, v0;
	v8 =	vmax.f32 v8, v37  }
0x84: {  	vm4 =	vlt.f32 v18, $3.000000000e+00;
	v17 =	vadd.f32 v41, v17;
	v43 =	vmax.f32 v8, v25  }
0x85: {  	v42 =	vsel vm7, $0x3F800000, v0;
	v18 =	vadd.f32 v38, v39;
	v46 =	vsub.f32 v33, v43  }
0x86: {  	v49 =	vsel vm8, $0x3F800000, v0;
	v44 =	vadd.f32 v17, v42;
	v47 =	vsub.f32 v34, v43  }
0x87: {  	vm13 =	vlt.f32 v18, $3.000000000e+00;
	v50 =	vsub.f32 v23, v43;
	v48 =	vmul.f32 $1.442695020e+00, v46  }
0x88: {  	v28 =	vld [tilespmem:$0x40];
	v8 =	vnsel vm4, $0x0, v10;
	v56 =	vsub.f32 v25, v43;
	v9 =	vmul.f32 $1.442695020e+00, v47  }
0x89: {  	v60 =	vadd.f32 v44, v49;
	v51 =	vmul.f32 $1.442695020e+00, v50;
	v46 =	vld [tilespmem:$0xC0];
	(erf) = vpow2.f32 v48  }
0x8a: {  	v10 =	vnsel vm13, $0x0, v11;
	v59 =	vmul.f32 $1.442695020e+00, v56;
	v45 =	vpop (erf);
	(erf) = vpow2.f32 v9  }
0x8b: {  	v52 =	vsub.f32 v37, v43;
	v21 =	vmul.f32 v45, v55;
	v26 =	vmul.f32 v45, v58  }
0x8c: {  	vm14 =	vlt.f32 v60, $3.000000000e+00;
	v16 =	vmul.f32 v45, v61;
	v14 =	vmul.f32 v45, v63  }
0x8d: {  	v9 =	vnsel vm14, $0x0, v12;
	(erf) = vpow2.f32 v51;
	v55 =	vmul.f32 $1.442695020e+00, v52  }
0x8e: {  	v15 =	vmul.f32 v45, v30;
	v51 =	vmax.f32 v28, v46;
	vm9 =	vgt.f32 v26, v21  }
0x8f: {  	vm10 =	vgt.f32 v16, v21;
	vm11 =	vgt.f32 v14, v21;
	(erf) = vpow2.f32 v55  }
0x90: {  	vm12 =	vgt.f32 v15, v21;
	vm15 =	vge.f32 v21, v26;
	vm4 =	vgt.f32 v16, v26  }
0x91: {  	vm6 =	vgt.f32 v14, v26;
	vm7 =	vgt.f32 v15, v26;
	vm8 =	vge.f32 v21, v16  }
0x92: {  	vm13 =	vge.f32 v26, v14;
	vm14 =	vge.f32 v16, v14;
	v53 =	vsel vm9, $0x3F800000, v0  }
0x93: {  	v54 =	vsel vm10, $0x3F800000, v0;
	v58 =	vsel vm11, $0x3F800000, v0;
	v61 =	vsel vm12, $0x3F800000, v0  }
0x94: {  	(erf) = vpow2.f32 v59;
	v32 =	vsel vm15, $0x3F800000, v0;
	v33 =	vsel vm4, $0x3F800000, v0  }
0x95: {  	v36 =	vsel vm6, $0x3F800000, v0;
	v37 =	vsel vm7, $0x3F800000, v0;
	vm9 =	vge.f32 v26, v16  }
0x96: {  	v39 =	vsel vm8, $0x3F800000, v0;
	vm10 =	vgt.f32 v14, v16;
	vm11 =	vgt.f32 v15, v16  }
0x97: {  	vm12 =	vge.f32 v21, v14;
	v27 =	vsel vm13, $0x3F800000, v0;
	v48 =	vsel vm14, $0x3F800000, v0  }
0x98: {  	vm15 =	vgt.f32 v15, v14;
	vm6 =	vge.f32 v21, v15;
	vm7 =	vge.f32 v26, v15;
	v63 =	vpop (erf)  }
0x99: {  	vm8 =	vge.f32 v16, v15;
	v57 =	vadd.f32 v54, v53;
	v11 =	vadd.f32 v33, v32;
	v34 =	vpop (erf)  }
0x9a: {  	v40 =	vsel vm9, $0x3F800000, v0;
	v45 =	vsel vm12, $0x3F800000, v0;
	v35 =	vadd.f32 v34, v63  }
0x9b: {  	v42 =	vsel vm10, $0x3F800000, v0;
	v12 =	vadd.f32 v40, v39;
	v22 =	vadd.f32 v27, v45;
	v38 =	vpop (erf)  }
0x9c: {  	v49 =	vld [tilespmem:$0x140];
	v43 =	vsel vm11, $0x3F800000, v0;
	v17 =	vadd.f32 v57, v58;
	v13 =	vadd.f32 v35, v38  }
0x9d: {  	v50 =	vld [tilespmem:$0x1C0];
	v29 =	vsel vm15, $0x3F800000, v0;
	v11 =	vadd.f32 v11, v36;
	v12 =	vadd.f32 v12, v42;
	v41 =	vpop (erf)  }
0x9e: {  	v30 =	vld [tilespmem:$0x240];
	v52 =	vsel vm6, $0x3F800000, v0;
	v62 =	vadd.f32 v17, v61;
	v13 =	vadd.f32 v13, v41  }
0x9f: {  	v53 =	vsel vm7, $0x3F800000, v0;
	v19 =	vadd.f32 v22, v48;
	v47 =	vadd.f32 v11, v37;
	v44 =	vpop (erf)  }
0xa0: {  	v12 =	vadd.f32 v12, v43;
	vm5 =	vlt.f32 v62, $3.000000000e+00;
	v13 =	vadd.f32 v13, v44  }
0xa1: {  	v19 =	vadd.f32 v19, v29;
	v11 =	vnsel vm5, $0x0, v21;
	v21 =	vmax.f32 v51, v49  }
0xa2: {  	vm5 =	vlt.f32 v12, $3.000000000e+00;
	v54 =	vmax.f32 v21, v50;
	(erf) = vrcp.f32 v13  }
0xa3: {  	vm4 =	vlt.f32 v47, $3.000000000e+00;
	v12 =	vnsel vm5, $0x0, v16;
	v16 =	vmax.f32 v54, v30  }
0xa4: {  	v57 =	vsub.f32 v28, v16;
	v13 =	vnsel vm4, $0x0, v26;
	v26 =	vadd.f32 v53, v52  }
0xa5: {  	v55 =	vsel vm8, $0x3F800000, v0;
	vm0 =	vlt.f32 v19, $3.000000000e+00;
	v59 =	vsub.f32 v46, v16  }
0xa6: {  	v24 =	vsub.f32 v49, v16;
	v49 =	vld [tilespmem:$0x50];
	v19 =	vadd.f32 v26, v55;
	v26 =	vmul.f32 $1.442695020e+00, v57  }
0xa7: {  	v22 =	vsub.f32 v50, v16;
	v50 =	vld [tilespmem:$0xD0];
	v17 =	vmul.f32 $1.442695020e+00, v59  }
0xa8: {  	vm9 =	vge.f32 v14, v15;
	v61 =	vmul.f32 $1.442695020e+00, v24;
	(erf) = vpow2.f32 v26  }
0xa9: {  	v16 =	vsub.f32 v30, v16;
	v29 =	vmul.f32 $1.442695020e+00, v22;
	(erf) = vpow2.f32 v17  }
0xaa: {  	v60 =	vsel vm9, $0x3F800000, v0;
	(erf) = vpow2.f32 v61  }
0xab: {  	v16 =	vmul.f32 $1.442695020e+00, v16;
	v19 =	vadd.f32 v19, v60;
	(erf) = vpow2.f32 v29;
	v56 =	vpop (erf)  }
0xac: {  	v57 =	vmax.f32 v49, v50;
	v58 =	vmul.f32 v56, v63;
	v18 =	vmul.f32 v56, v34  }
0xad: {  	vm4 =	vlt.f32 v19, $3.000000000e+00;
	v20 =	vmul.f32 v56, v38;
	v23 =	vmul.f32 v56, v41  }
0xae: {  	v15 =	vnsel vm4, $0x0, v15;
	(erf) = vpow2.f32 v16;
	v21 =	vmul.f32 v56, v44  }
0xaf: {  	vm10 =	vgt.f32 v18, v58;
	vm11 =	vgt.f32 v20, v58;
	vm12 =	vgt.f32 v23, v58  }
0xb0: {  	vm13 =	vgt.f32 v21, v58;
	vm14 =	vge.f32 v58, v18;
	vm15 =	vgt.f32 v20, v18  }
0xb1: {  	vm5 =	vgt.f32 v23, v18;
	vm6 =	vge.f32 v58, v20;
	vm7 =	vge.f32 v18, v20  }
0xb2: {  	vm8 =	vgt.f32 v23, v20;
	vm9 =	vgt.f32 v21, v18;
	vm4 =	vge.f32 v20, v23  }
0xb3: {  	v62 =	vsel vm10, $0x3F800000, v0;
	v63 =	vsel vm11, $0x3F800000, v0;
	v32 =	vsel vm12, $0x3F800000, v0  }
0xb4: {  	v33 =	vsel vm13, $0x3F800000, v0;
	v34 =	vsel vm14, $0x3F800000, v0;
	v35 =	vsel vm15, $0x3F800000, v0  }
0xb5: {  	v36 =	vsel vm5, $0x3F800000, v0;
	v38 =	vsel vm6, $0x3F800000, v0;
	v40 =	vsel vm7, $0x3F800000, v0  }
0xb6: {  	v37 =	vpop (erf);
	v43 =	vsel vm8, $0x3F800000, v0;
	v44 =	vsel vm9, $0x3F800000, v0;
	vm10 =	vgt.f32 v21, v20  }
0xb7: {  	vm14 =	vge.f32 v58, v23;
	vm15 =	vge.f32 v18, v23;
	v52 =	vsel vm4, $0x3F800000, v0;
	v39 =	vpop (erf)  }
0xb8: {  	vm5 =	vgt.f32 v21, v23;
	vm6 =	vge.f32 v58, v21;
	v41 =	vadd.f32 v39, v37  }
0xb9: {  	vm7 =	vge.f32 v18, v21;
	vm8 =	vge.f32 v20, v21;
	v31 =	vadd.f32 v63, v62;
	v42 =	vpop (erf)  }
0xba: {  	vm9 =	vge.f32 v23, v21;
	v16 =	vadd.f32 v35, v34;
	v27 =	vadd.f32 v41, v42  }
0xbb: {  	v46 =	vsel vm10, $0x3F800000, v0;
	v51 =	vsel vm14, $0x3F800000, v0;
	v17 =	vadd.f32 v31, v32;
	v45 =	vpop (erf)  }
0xbc: {  	v34 =	vsel vm5, $0x3F800000, v0;
	v16 =	vadd.f32 v16, v36;
	v32 =	vld [tilespmem:$0x150];
	v27 =	vadd.f32 v27, v45  }
0xbd: {  	v55 =	vsel vm6, $0x3F800000, v0;
	v24 =	vadd.f32 v17, v33;
	v17 =	vadd.f32 v40, v38;
	v47 =	vpop (erf);
	v33 =	vld [tilespmem:$0x1D0]  }
0xbe: {  	v53 =	vld [tilespmem:$0x250];
	v56 =	vsel vm7, $0x3F800000, v0;
	v59 =	vsel vm9, $0x3F800000, v0;
	v48 =	vadd.f32 v27, v47  }
0xbf: {  	v31 =	vsel vm15, $0x3F800000, v0;
	v16 =	vadd.f32 v16, v44;
	v19 =	vadd.f32 v17, v43  }
0xc0: {  	v17 =	vnsel vm0, $0x0, v14;
	vm11 =	vlt.f32 v24, $3.000000000e+00;
	(erf) = vrcp.f32 v48  }
0xc1: {  	vm12 =	vlt.f32 v16, $3.000000000e+00;
	v27 =	vadd.f32 v31, v51;
	v31 =	vmax.f32 v57, v32  }
0xc2: {  	v16 =	vnsel vm11, $0x0, v58;
	v14 =	vnsel vm12, $0x0, v18;
	v31 =	vmax.f32 v31, v33  }
0xc3: {  	v19 =	vadd.f32 v19, v46;
	v54 =	vadd.f32 v27, v52;
	v31 =	vmax.f32 v31, v53  }
0xc4: {  	v58 =	vsel vm8, $0x3F800000, v0;
	v27 =	vadd.f32 v56, v55;
	v61 =	vsub.f32 v49, v31  }
0xc5: {  	vm13 =	vlt.f32 v19, $3.000000000e+00;
	v34 =	vadd.f32 v54, v34;
	v62 =	vsub.f32 v50, v31  }
0xc6: {  	v27 =	vadd.f32 v27, v58;
	v32 =	vsub.f32 v32, v31;
	v63 =	vmul.f32 $1.442695020e+00, v61  }
0xc7: {  	v18 =	vnsel vm13, $0x0, v20;
	v36 =	vsub.f32 v33, v31;
	v25 =	vmul.f32 $1.442695020e+00, v62  }
0xc8: {  	vm10 =	vlt.f32 v34, $3.000000000e+00;
	v34 =	vmul.f32 $1.442695020e+00, v32;
	(erf) = vpow2.f32 v63  }
0xc9: {  	v40 =	vsub.f32 v53, v31;
	v20 =	vadd.f32 v27, v59;
	(erf) = vpow2.f32 v25;
	v60 =	vpop (erf)  }
0xca: {  	v19 =	vnsel vm10, $0x0, v23;
	(erf) = vpow2.f32 v34;
	v35 =	vmul.f32 v60, v37  }
0xcb: {  	vm11 =	vlt.f32 v20, $3.000000000e+00;
	v26 =	vmul.f32 v60, v39;
	v23 =	vmul.f32 v60, v42  }
0xcc: {  	v20 =	vnsel vm11, $0x0, v21;
	v25 =	vmul.f32 v60, v45;
	v39 =	vmul.f32 $1.442695020e+00, v36  }
0xcd: {  	v27 =	vmul.f32 v60, v47;
	v42 =	vmul.f32 $1.442695020e+00, v40;
	vm12 =	vgt.f32 v26, v35  }
0xce: {  	vm13 =	vgt.f32 v23, v35;
	vm14 =	vgt.f32 v25, v35;
	(erf) = vpow2.f32 v39  }
0xcf: {  	vm15 =	vge.f32 v35, v26;
	vm4 =	vgt.f32 v23, v26;
	vm5 =	vgt.f32 v27, v35  }
0xd0: {  	vm6 =	vgt.f32 v25, v26;
	vm7 =	vgt.f32 v27, v26;
	vm8 =	vge.f32 v35, v23  }
0xd1: {  	vm10 =	vge.f32 v26, v23;
	vm11 =	vgt.f32 v25, v23;
	v37 =	vsel vm12, $0x3F800000, v0  }
0xd2: {  	v38 =	vsel vm13, $0x3F800000, v0;
	v41 =	vsel vm14, $0x3F800000, v0;
	v44 =	vsel vm15, $0x3F800000, v0  }
0xd3: {  	v45 =	vsel vm4, $0x3F800000, v0;
	(erf) = vpow2.f32 v42;
	v46 =	vsel vm5, $0x3F800000, v0  }
0xd4: {  	v47 =	vsel vm6, $0x3F800000, v0;
	v49 =	vsel vm7, $0x3F800000, v0;
	v51 =	vsel vm8, $0x3F800000, v0  }
0xd5: {  	v53 =	vsel vm10, $0x3F800000, v0;
	v54 =	vsel vm11, $0x3F800000, v0;
	vm13 =	vgt.f32 v27, v23  }
0xd6: {  	vm14 =	vge.f32 v35, v25;
	vm15 =	vge.f32 v26, v25;
	vm4 =	vge.f32 v23, v25;
	v29 =	vpop (erf)  }
0xd7: {  	vm5 =	vgt.f32 v27, v25;
	vm6 =	vge.f32 v35, v27;
	vm7 =	vge.f32 v26, v27;
	v28 =	vpop (erf)  }
0xd8: {  	vm8 =	vge.f32 v23, v27;
	v24 =	vadd.f32 v38, v37;
	v50 =	vadd.f32 v28, v29  }
0xd9: {  	v36 =	vld [tilespmem:$0x60];
	v55 =	vsel vm13, $0x3F800000, v0;
	v56 =	vsel vm14, $0x3F800000, v0;
	v38 =	vsel vm15, $0x3F800000, v0;
	v52 =	vpop (erf)  }
0xda: {  	v37 =	vld [tilespmem:$0xE0];
	v61 =	vsel vm6, $0x3F800000, v0;
	v57 =	vadd.f32 v38, v56;
	v30 =	vadd.f32 v50, v52  }
0xdb: {  	v62 =	vsel vm7, $0x3F800000, v0;
	v43 =	vadd.f32 v24, v41;
	v24 =	vadd.f32 v45, v44;
	v31 =	vpop (erf)  }
0xdc: {  	v39 =	vld [tilespmem:$0x160];
	v58 =	vsel vm4, $0x3F800000, v0;
	v34 =	vadd.f32 v62, v61;
	v30 =	vadd.f32 v30, v31  }
0xdd: {  	v59 =	vld [tilespmem:$0x1E0];
	v40 =	vsel vm5, $0x3F800000, v0;
	v21 =	vadd.f32 v43, v46;
	v48 =	vadd.f32 v24, v47;
	v33 =	vpop (erf)  }
0xde: {  	v60 =	vld [tilespmem:$0x260];
	v44 =	vsel vm8, $0x3F800000, v0;
	v24 =	vadd.f32 v53, v51;
	v30 =	vadd.f32 v30, v33  }
0xdf: {  	v34 =	vadd.f32 v34, v44;
	v63 =	vmax.f32 v36, v37;
	vm9 =	vlt.f32 v21, $3.000000000e+00  }
0xe0: {  	v22 =	vadd.f32 v48, v49;
	v24 =	vadd.f32 v24, v54;
	(erf) = vrcp.f32 v30  }
0xe1: {  	v21 =	vnsel vm9, $0x0, v35;
	v35 =	vmax.f32 v63, v39;
	vm9 =	vge.f32 v25, v27  }
0xe2: {  	vm12 =	vlt.f32 v22, $3.000000000e+00;
	v35 =	vmax.f32 v35, v59;
	v45 =	vsel vm9, $0x3F800000, v0  }
0xe3: {  	v61 =	vld [tilespmem:$0x70];
	v24 =	vadd.f32 v24, v55;
	v35 =	vmax.f32 v35, v60;
	v46 =	vadd.f32 v34, v45  }
0xe4: {  	v63 =	vld [tilespmem:$0xF0];
	v22 =	vnsel vm12, $0x0, v26;
	v47 =	vsub.f32 v36, v35;
	v49 =	vsub.f32 v37, v35  }
0xe5: {  	vm10 =	vlt.f32 v24, $3.000000000e+00;
	v51 =	vsub.f32 v39, v35;
	v30 =	vadd.f32 v57, v58  }
0xe6: {  	v53 =	vsub.f32 v59, v35;
	v55 =	vsub.f32 v60, v35;
	v24 =	vnsel vm10, $0x0, v23  }
0xe7: {  	v34 =	vmul.f32 $1.442695020e+00, v47;
	v50 =	vmul.f32 $1.442695020e+00, v49;
	v49 =	vld [tilespmem:$0x170];
	v30 =	vadd.f32 v30, v40  }
0xe8: {  	vm12 =	vlt.f32 v46, $3.000000000e+00;
	v54 =	vmul.f32 $1.442695020e+00, v53;
	v58 =	vmul.f32 $1.442695020e+00, v55  }
0xe9: {  	v42 =	vmax.f32 v61, v63;
	(erf) = vpow2.f32 v34;
	vm11 =	vlt.f32 v30, $3.000000000e+00;
	v48 =	vpop (erf)  }
0xea: {  	(erf) = vpow2.f32 v50;
	v23 =	vnsel vm11, $0x0, v25;
	v29 =	vmul.f32 v48, v29  }
0xeb: {  	v25 =	vnsel vm12, $0x0, v27;
	v30 =	vmul.f32 v48, v28;
	v27 =	vmul.f32 v48, v52  }
0xec: {  	v42 =	vmax.f32 v42, v49;
	v52 =	vmul.f32 $1.442695020e+00, v51;
	v28 =	vmul.f32 v48, v31  }
0xed: {  	v26 =	vmul.f32 v48, v33;
	vm13 =	vgt.f32 v30, v29;
	vm14 =	vgt.f32 v27, v29  }
0xee: {  	(erf) = vpow2.f32 v52;
	vm15 =	vge.f32 v29, v30;
	vm4 =	vgt.f32 v27, v30  }
0xef: {  	vm5 =	vgt.f32 v28, v29;
	vm6 =	vgt.f32 v28, v30;
	vm7 =	vgt.f32 v26, v29  }
0xf0: {  	vm8 =	vgt.f32 v26, v30;
	vm9 =	vge.f32 v29, v27;
	(erf) = vpow2.f32 v54  }
0xf1: {  	vm10 =	vge.f32 v30, v27;
	vm11 =	vgt.f32 v28, v27;
	vm12 =	vgt.f32 v26, v27  }
0xf2: {  	v56 =	vsel vm13, $0x3F800000, v0;
	v57 =	vsel vm14, $0x3F800000, v0;
	(erf) = vpow2.f32 v58  }
0xf3: {  	v37 =	vpop (erf);
	v60 =	vsel vm15, $0x3F800000, v0;
	v62 =	vsel vm4, $0x3F800000, v0;
	v48 =	vsel vm5, $0x3F800000, v0  }
0xf4: {  	v36 =	vpop (erf);
	v50 =	vsel vm6, $0x3F800000, v0;
	v52 =	vsel vm7, $0x3F800000, v0;
	v54 =	vsel vm8, $0x3F800000, v0  }
0xf5: {  	v51 =	vld [tilespmem:$0x1F0];
	v41 =	vadd.f32 v36, v37;
	v43 =	vsel vm9, $0x3F800000, v0;
	v44 =	vsel vm10, $0x3F800000, v0  }
0xf6: {  	v53 =	vld [tilespmem:$0x270];
	vm13 =	vge.f32 v29, v28;
	vm14 =	vge.f32 v30, v28;
	vm15 =	vge.f32 v27, v28  }
0xf7: {  	vm4 =	vge.f32 v29, v26;
	vm5 =	vge.f32 v30, v26;
	vm6 =	vgt.f32 v26, v28;
	v55 =	vpop (erf)  }
0xf8: {  	vm7 =	vge.f32 v27, v26;
	v59 =	vadd.f32 v57, v56;
	v41 =	vadd.f32 v41, v55  }
0xf9: {  	vm8 =	vge.f32 v28, v26;
	v33 =	vadd.f32 v62, v60;
	v43 =	vadd.f32 v44, v43;
	v45 =	vpop (erf)  }
0xfa: {  	v56 =	vsel vm11, $0x3F800000, v0;
	v42 =	vmax.f32 v42, v51;
	v41 =	vadd.f32 v41, v45  }
0xfb: {  	v32 =	vadd.f32 v59, v48;
	v33 =	vadd.f32 v33, v50;
	v42 =	vmax.f32 v42, v53;
	v46 =	vpop (erf)  }
0xfc: {  	v57 =	vsel vm12, $0x3F800000, v0;
	v34 =	vsub.f32 v61, v42;
	v41 =	vadd.f32 v41, v46  }
0xfd: {  	v60 =	vsel vm13, $0x3F800000, v0;
	v43 =	vadd.f32 v43, v56;
	v31 =	vsub.f32 v63, v42  }
0xfe: {  	v48 =	vsel vm4, $0x3F800000, v0;
	v34 =	vmul.f32 $1.442695020e+00, v34;
	(erf) = vrcp.f32 v41  }
0xff: {  	v35 =	vsub.f32 v49, v42;
	v59 =	vsub.f32 v51, v42;
	v31 =	vmul.f32 $1.442695020e+00, v31  }
0x100: {  	v61 =	vsel vm14, $0x3F800000, v0;
	v63 =	vsub.f32 v53, v42;
	(erf) = vpow2.f32 v34  }
0x101: {  	v49 =	vsel vm5, $0x3F800000, v0;
	v32 =	vadd.f32 v32, v52;
	(erf) = vpow2.f32 v31  }
0x102: {  	v51 =	vsel vm6, $0x3F800000, v0;
	v33 =	vadd.f32 v33, v54;
	v40 =	vadd.f32 v43, v57  }
0x103: {  	v43 =	vsel vm15, $0x3F800000, v0;
	v58 =	vmul.f32 $1.442695020e+00, v35;
	v35 =	vadd.f32 v61, v60  }
0x104: {  	v52 =	vsel vm7, $0x3F800000, v0;
	v62 =	vmul.f32 $1.442695020e+00, v59;
	v44 =	vmul.f32 $1.442695020e+00, v63  }
0x105: {  	v47 =	vadd.f32 v35, v43;
	v35 =	vadd.f32 v49, v48;
	(erf) = vpow2.f32 v58  }
0x106: {  	v48 =	vsel vm8, $0x3F800000, v0;
	vm8 =	vlt.f32 v32, $3.000000000e+00;
	(erf) = vpow2.f32 v62  }
0x107: {  	[tilespmem:$0x280] =	vst v1;
	v1 =	vnsel vm8, $0x0, v29;
	v35 =	vadd.f32 v35, v52;
	(erf) = vpow2.f32 v44;
	v50 =	vpop (erf)  }
0x108: {  	v34 =	vadd.f32 v47, v51;
	v37 =	vmul.f32 v50, v37;
	v36 =	vmul.f32 v50, v36  }
0x109: {  	v35 =	vadd.f32 v35, v48;
	v38 =	vpop (erf);
	v39 =	vmul.f32 v50, v55;
	v44 =	vmul.f32 v50, v45  }
0x10a: {  	vm8 =	vlt.f32 v34, $3.000000000e+00;
	v31 =	vmul.f32 v50, v46;
	v43 =	vpop (erf);
	vm9 =	vgt.f32 v36, v37  }
0x10b: {  	v53 =	vadd.f32 v43, v38;
	vm10 =	vgt.f32 v39, v37;
	vm11 =	vgt.f32 v44, v37  }
0x10c: {  	vm12 =	vgt.f32 v31, v37;
	vm13 =	vge.f32 v37, v36;
	vm14 =	vgt.f32 v39, v36  }
0x10d: {  	vm15 =	vgt.f32 v44, v36;
	vm4 =	vge.f32 v37, v39;
	vm5 =	vge.f32 v36, v39  }
0x10e: {  	vm6 =	vgt.f32 v31, v36;
	vm7 =	vgt.f32 v44, v39;
	v54 =	vsel vm9, $0x3F800000, v0  }
0x10f: {  	v55 =	vsel vm10, $0x3F800000, v0;
	v56 =	vsel vm11, $0x3F800000, v0;
	v57 =	vsel vm12, $0x3F800000, v0  }
0x110: {  	v42 =	vpop (erf);
	v58 =	vsel vm13, $0x3F800000, v0;
	v49 =	vsel vm14, $0x3F800000, v0;
	v59 =	vsel vm15, $0x3F800000, v0  }
0x111: {  	v60 =	vsel vm4, $0x3F800000, v0;
	v61 =	vsel vm5, $0x3F800000, v0;
	v41 =	vadd.f32 v53, v42  }
0x112: {  	v47 =	vpop (erf);
	v62 =	vsel vm6, $0x3F800000, v0;
	v63 =	vsel vm7, $0x3F800000, v0;
	vm9 =	vlt.f32 v33, $3.000000000e+00  }
0x113: {  	vm10 =	vgt.f32 v31, v39;
	vm11 =	vge.f32 v37, v44;
	v41 =	vadd.f32 v41, v47  }
0x114: {  	vm12 =	vge.f32 v36, v44;
	vm13 =	vge.f32 v39, v44;
	vm14 =	vge.f32 v37, v31;
	v48 =	vpop (erf)  }
0x115: {  	vm15 =	vge.f32 v36, v31;
	vm4 =	vge.f32 v39, v31;
	v41 =	vadd.f32 v41, v48  }
0x116: {  	vm7 =	vlt.f32 v40, $3.000000000e+00;
	v45 =	vadd.f32 v55, v54;
	v46 =	vadd.f32 v49, v58  }
0x117: {  	[tilespmem:$0x300] =	vst v2;
	v51 =	vnsel vm9, $0x0, v30;
	v2 =	vsel vm10, $0x3F800000, v0;
	(erf) = vrcp.f32 v41  }
0x118: {  	[tilespmem:$0x380] =	vst v3;
	v3 =	vsel vm11, $0x3F800000, v0;
	v52 =	vsel vm12, $0x3F800000, v0;
	v54 =	vsel vm14, $0x3F800000, v0  }
0x119: {  	[tilespmem:$0x400] =	vst v4;
	v58 =	vsel vm4, $0x3F800000, v0;
	vm9 =	vgt.f32 v31, v44;
	v45 =	vadd.f32 v45, v56  }
0x11a: {  	[tilespmem:$0x480] =	vst v5;
	vm10 =	vge.f32 v44, v31;
	vm12 =	vlt.f32 v35, $3.000000000e+00;
	v3 =	vadd.f32 v52, v3  }
0x11b: {  	[tilespmem:$0x290] =	vst v6;
	v35 =	vnsel vm12, $0x0, v26;
	v56 =	vsel vm15, $0x3F800000, v0;
	v45 =	vadd.f32 v45, v57  }
0x11c: {  	[tilespmem:$0x310] =	vst v7;
	v5 =	vadd.f32 v56, v54;
	v57 =	vsel vm13, $0x3F800000, v0;
	v41 =	vadd.f32 v46, v59  }
0x11d: {  	[tilespmem:$0x390] =	vst v8;
	v3 =	vadd.f32 v3, v57;
	v46 =	vadd.f32 v61, v60;
	vm13 =	vlt.f32 v45, $3.000000000e+00  }
0x11e: {  	[tilespmem:$0x410] =	vst v10;
	v5 =	vadd.f32 v5, v58;
	v37 =	vnsel vm13, $0x0, v37;
	v50 =	vadd.f32 v41, v62  }
0x11f: {  	[tilespmem:$0x490] =	vst v9;
	v32 =	vadd.f32 v46, v63;
	v62 =	vnsel vm7, $0x0, v27;
	v27 =	vsel vm9, $0x3F800000, v0  }
0x120: {  	[tilespmem:$0x2A0] =	vst v11;
	v63 =	vnsel vm8, $0x0, v28;
	v28 =	vsel vm10, $0x3F800000, v0;
	v3 =	vadd.f32 v3, v27;
	v53 =	vpop (erf)  }
0x121: {  	[tilespmem:$0x3A0] =	vst v12;
	v5 =	vadd.f32 v5, v28;
	v2 =	vadd.f32 v32, v2;
	v55 =	vmul.f32 v53, v38  }
0x122: {  	[tilespmem:$0x320] =	vst v13;
	vm15 =	vlt.f32 v50, $3.000000000e+00;
	v32 =	vmul.f32 v53, v43;
	v38 =	vmul.f32 v53, v42  }
0x123: {  	[tilespmem:$0x4A0] =	vst v15;
	v41 =	vnsel vm15, $0x0, v36;
	v6 =	vmul.f32 v53, v47;
	v4 =	vmul.f32 v53, v48  }
0x124: {  	[tilespmem:$0x420] =	vst v17;
	vm4 =	vlt.f32 v2, $3.000000000e+00;
	vm5 =	vgt.f32 v32, v55;
	vm6 =	vgt.f32 v38, v55  }
0x125: {  	[tilespmem:$0x2B0] =	vst v16;
	vm11 =	vgt.f32 v6, v55;
	vm14 =	vgt.f32 v4, v55;
	vm8 =	vge.f32 v55, v32  }
0x126: {  	[tilespmem:$0x330] =	vst v14;
	vm9 =	vgt.f32 v38, v32;
	vm10 =	vgt.f32 v6, v32;
	vm12 =	vge.f32 v55, v38  }
0x127: {  	[tilespmem:$0x3B0] =	vst v18;
	vm13 =	vge.f32 v32, v38;
	vm15 =	vgt.f32 v4, v38;
	v59 =	vsel vm5, $0x3F800000, v0  }
0x128: {  	[tilespmem:$0x430] =	vst v19;
	v60 =	vsel vm6, $0x3F800000, v0;
	v34 =	vsel vm11, $0x3F800000, v0;
	v40 =	vsel vm14, $0x3F800000, v0  }
0x129: {  	[tilespmem:$0x4B0] =	vst v20;
	vm5 =	vlt.f32 v3, $3.000000000e+00;
	v3 =	vnsel vm4, $0x0, v39;
	vm6 =	vlt.f32 v5, $3.000000000e+00  }
0x12a: {  	[tilespmem:$0x2C0] =	vst v21;
	v45 =	vsel vm9, $0x3F800000, v0;
	v46 =	vsel vm10, $0x3F800000, v0;
	vm11 =	vgt.f32 v4, v32  }
0x12b: {  	[tilespmem:$0x340] =	vst v22;
	v48 =	vsel vm12, $0x3F800000, v0;
	v49 =	vsel vm13, $0x3F800000, v0;
	vm14 =	vgt.f32 v6, v38  }
0x12c: {  	[tilespmem:$0x350] =	vst v51;
	v51 =	vsel vm15, $0x3F800000, v0;
	vm4 =	vge.f32 v55, v6;
	v61 =	vadd.f32 v60, v59  }
0x12d: {  	[tilespmem:$0x3C0] =	vst v24;
	vm9 =	vge.f32 v38, v4;
	vm10 =	vgt.f32 v4, v6;
	v42 =	vnsel vm5, $0x0, v44  }
0x12e: {  	[tilespmem:$0x440] =	vst v23;
	v43 =	vnsel vm6, $0x0, v31;
	v44 =	vsel vm8, $0x3F800000, v0;
	v7 =	vadd.f32 v61, v34  }
0x12f: {  	[tilespmem:$0x2D0] =	vst v1;
	v47 =	vsel vm11, $0x3F800000, v0;
	v1 =	vadd.f32 v49, v48;
	v50 =	vsel vm14, $0x3F800000, v0  }
0x130: {  	[tilespmem:$0x4C0] =	vst v25;
	v52 =	vsel vm4, $0x3F800000, v0;
	vm5 =	vge.f32 v32, v6;
	v2 =	vadd.f32 v7, v40  }
0x131: {  	[tilespmem:$0x4D0] =	vst v35;
	vm6 =	vge.f32 v55, v4;
	vm8 =	vge.f32 v38, v6;
	v59 =	vsel vm9, $0x3F800000, v0  }
0x132: {  	[tilespmem:$0x2E0] =	vst v37;
	v13 =	vadd.f32 v45, v44;
	v54 =	vsel vm5, $0x3F800000, v0;
	vm7 =	vlt.f32 v2, $3.000000000e+00  }
0x133: {  	[tilespmem:$0x3D0] =	vst v62;
	v1 =	vadd.f32 v1, v50;
	v2 =	vnsel vm7, $0x0, v55;
	vm7 =	vge.f32 v32, v4  }
0x134: {  	[tilespmem:$0x450] =	vst v63;
	v8 =	vadd.f32 v54, v52;
	v55 =	vsel vm6, $0x3F800000, v0;
	v56 =	vsel vm7, $0x3F800000, v0  }
0x135: {  	[tilespmem:$0x360] =	vst v41;
	v58 =	vsel vm8, $0x3F800000, v0;
	v13 =	vadd.f32 v13, v46;
	v57 =	vadd.f32 v56, v55  }
0x136: {  	[tilespmem:$0x3E0] =	vst v3;
	vm11 =	vge.f32 v6, v4;
	v1 =	vadd.f32 v1, v51;
	v3 =	vadd.f32 v8, v58  }
0x137: {  	[tilespmem:$0x460] =	vst v42;
	v61 =	vsel vm10, $0x3F800000, v0;
	v53 =	vadd.f32 v13, v47;
	v60 =	vadd.f32 v57, v59  }
0x138: {  	[tilespmem:$0x4E0] =	vst v43;
	v62 =	vsel vm11, $0x3F800000, v0;
	v3 =	vadd.f32 v3, v61;
	vm13 =	vlt.f32 v1, $3.000000000e+00  }
0x139: {  	vm12 =	vlt.f32 v53, $3.000000000e+00;
	v1 =	vnsel vm13, $0x0, v38;
	[tilespmem:$0x2F0] =	vst v2;
	v2 =	vadd.f32 v60, v62  }
0x13a: {  	v63 =	vnsel vm12, $0x0, v32;
	vm14 =	vlt.f32 v3, $3.000000000e+00;
	[tilespmem:$0x3F0] =	vst v1  }
0x13b: {  	[tilespmem:$0x370] =	vst v63;
	v1 =	vnsel vm14, $0x0, v6;
	vm15 =	vlt.f32 v2, $3.000000000e+00  }
0x13c: {  	[tilespmem:$0x470] =	vst v1;
	v1 =	vnsel vm15, $0x0, v4  }
0x13d: {  	[tilespmem:$0x4F0] =	vst v1  }
0x13e: {  	[hbm4b:s8+s2] =	stream.linear.scatter [tilespmem:s19], [sflag:$0x1], $0x80, $0x38;
	[tilespmem:$0x500] =	vst v63  }
0x13f: {  	_ =	swait.ge [sflag:s14], $0x80  }
0x140: {  	[sflag:s14] =	ssyncset.done $0x0  }
0x141: {  	[sflag:s14] =	ssyncadd.s32 $0xFFFFFF80  }
0x142: {  	[hbm4b:s9+s2] =	stream.linear.scatter [tilespmem:s20], [sflag:$0x1], $0x80, $0x38;
	[tilespmem:$0x500] =	vst v63  }
0x143: {  	_ =	swait.ge [sflag:s14], $0x80  }
0x144: {  	[sflag:s14] =	ssyncset.done $0x0  }
0x145: {  	[sflag:s14] =	ssyncadd.s32 $0xFFFFFF80  }
0x146: {  	[hbm4b:s10+s2] =	stream.linear.scatter [tilespmem:s21], [sflag:$0x1], $0x80, $0x38;
	[tilespmem:$0x500] =	vst v63  }
0x147: {  	_ =	swait.ge [sflag:s14], $0x80  }
0x148: {  	[sflag:s14] =	ssyncset.done $0x0  }
0x149: {  	[sflag:s14] =	ssyncadd.s32 $0xFFFFFF80  }
0x14a: {  	[hbm4b:s11+s2] =	stream.linear.scatter [tilespmem:s22], [sflag:$0x1], $0x80, $0x38;
	[tilespmem:$0x500] =	vst v63  }
0x14b: {  	_ =	swait.ge [sflag:s14], $0x80  }
0x14c: {  	p0 =	sne.s32 s13, $0x1;
	[sflag:s14] =	ssyncset.done $0x0  }
.Ltmp0:
0x14d: {  	[sflag:s14] =	ssyncadd.s32 $0xFFFFFF80;
	(pc) =	sbr.rel @p0 .LBB2_1-.Ltmp0, $4  }
0x14e: {  	[hbm4b:s12+s2] =	stream.linear.scatter [tilespmem:s23], [sflag:$0x1], $0x80, $0x38;
	[tilespmem:$0x500] =	vst v63  }
0x14f: {  	_ =	swait.ge [sflag:s14], $0x80  }
0x150: {  	[sflag:s14] =	ssyncset.done $0x0  }
0x151: {  	s13 =	sadd.s32 $0xFFFFFFFF, s13;
	[sflag:s14] =	ssyncadd.s32 $0xFFFFFF80  }
0x152: {  	_ =	sfence.sel $0x180000  }
0x153: {  	[bflag:$0x0] =	sbarrier.arrive $0xFFFF  }
0x154: {  	p0 =	sne.s32 s1, $0x0;
	_ =	strace $0x90000047  }
0x155: {  	s0 =	sadd.s32 @!p0 $0x100000, s0;
	[bflag:$0x2] =	sbarrier.arrive $0xFFFF  }
0x156: {  	[sflag:s0] =	ssyncadd.tile.s32 @!p0 $0x1;
	_ =	shalt  }
.Lfunc_end2:
_tile_overlayer_lowered:
.L_overlay_start_2:
0x157: {  	(tag) =	ssettag $0x2  }
0x158: {  	s0 =	rddreg [dreg:$0x0];
	s2 =	stileid.u32  }
0x159: {  	s1 =	rddreg [dreg:$0x1];
	p0 =	sne.s32 s2, $0x0  }
0x15a: {  	s3 =	rddreg [dreg:$0x2];
	[bflag:$0x3] =	sbarrier.arrive $0xFFFF;
	s2 =	simm.s32 @!p0 $0x1C01  }
0x15b: {  	[timem:s3], [sflag:s2] =	dma.local @!p0 [hbm:s0], s1  }
0x15c: {  	s0 =	simm.s32 @!p0 $0x1  }
0x15d: {  	_ =	swait.ge @!p0 [sflag:s0], s1  }
0x15e: {  	s1 =	ssub.s32 @!p0 $0x0, s1;
	[sflag:s0] =	ssyncset.done @!p0 $0x0  }
0x15f: {  	[sflag:s0] =	ssyncadd.s32 @!p0 s1  }
0x160: {  	[bflag:$0x3] =	sbarrier.arrive $0xFFFF  }
0x161: {  	_ =	shalt  }

</sc_bundles>
